<compile_context>
chip_gen: v7x
topology: tpu7x:2x2x1
jax: 0.10.2.dev20260603
libtpu: 0.0.44.dev20260713+nightly
codegen_flags: <defaults>
</compile_context>

<pallas_src>
import jax
import jax.numpy as jnp
import jax.experimental.pallas as pl
from jax.experimental.pallas import tpu as pltpu

B, S, D = 4, 8192, 2048
CAP = 2048
TB = 1024
G = D // 8
K_ALIGN = 27


def _matvec_kernel(xs_ref, ws_ref, o_ref):
    v4 = []
    for half in range(2):
        ps = []
        for i in range(4 * half, 4 * half + 4):
            a = xs_ref[i, 0].astype(jnp.float32)
            ps.append(a * ws_ref[i][None, :].astype(jnp.float32))
        amax = jnp.maximum(jnp.maximum(jnp.abs(ps[0]), jnp.abs(ps[1])),
                           jnp.maximum(jnp.abs(ps[2]), jnp.abs(ps[3])))
        bits = jax.lax.bitcast_convert_type(amax, jnp.int32)
        eb = jnp.clip(bits >> 23, 64, 254)
        graninv = jax.lax.bitcast_convert_type((281 - eb) << 23, jnp.float32)
        gran = jax.lax.bitcast_convert_type((eb - K_ALIGN) << 23, jnp.float32)
        s = ((ps[0] * graninv).astype(jnp.int32)
             + (ps[1] * graninv).astype(jnp.int32)
             + (ps[2] * graninv).astype(jnp.int32)
             + (ps[3] * graninv).astype(jnp.int32))
        v4.append(s.astype(jnp.float32) * gran)
    g8 = v4[0] + v4[1]

    acc = g8
    for k in range(1, 16):
        acc = acc + pltpu.roll(g8, G - k, 1)
    tot = acc
    for k in range(1, 16):
        tot = tot + pltpu.roll(acc, G - 16 * k, 1)
    o_ref[0, 0] = tot[:, 0]


def _topk_kernel(l_ref, o_ref):
    l = l_ref[...]
    m = jnp.max(l, axis=1, keepdims=True)
    key = jnp.exp(l - m)
    idx = jax.lax.broadcasted_iota(jnp.int32, (B, S), 1)
    lane = jax.lax.broadcasted_iota(jnp.int32, (B, S), 1)

    def rolled(a, j):
        return pltpu.roll(a, S - j, 1), pltpu.roll(a, j, 1)

    k = 2
    while k <= S:
        j = k // 2
        while j >= 1:
            is_low = (lane & j) == 0
            asc = (lane & k) == 0
            kl, kr = rolled(key, j)
            il, ir = rolled(idx, j)
            pk = jnp.where(is_low, kl, kr)
            pi = jnp.where(is_low, il, ir)
            self_first = (key > pk) | ((key == pk) & (idx < pi))
            keep = (asc == is_low) == self_first
            key = jnp.where(keep, key, pk)
            idx = jnp.where(keep, idx, pi)
            j //= 2
        k *= 2
    o_ref[...] = idx[:, :CAP]


def kernel(inputs, W, b):
    xs = inputs.reshape(B, S, G, 8).transpose(3, 0, 1, 2).astype(jnp.bfloat16)
    ws = W[:, 0].astype(jnp.bfloat16).reshape(G, 8).T

    logits = pl.pallas_call(
        _matvec_kernel,
        grid=(B, S // TB),
        in_specs=[
            pl.BlockSpec((8, 1, TB, G), lambda bi, si: (0, bi, si, 0)),
            pl.BlockSpec((8, G), lambda bi, si: (0, 0)),
        ],
        out_specs=pl.BlockSpec((1, 1, TB),
                               lambda bi, si: (bi * (S // TB) + si, 0, 0)),
        out_shape=jax.ShapeDtypeStruct((B * S // TB, 1, TB), jnp.float32),
    )(xs, ws)

    logits = logits.reshape(B, S) + b[0]

    return pl.pallas_call(
        _topk_kernel,
        out_shape=jax.ShapeDtypeStruct((B, CAP), jnp.int32),
    )(logits)

# --- scband reference (transcript-rebuilt; emitter-appended) ---
"""Pipeline reference for scband-router-17360257810707 (READ-ONLY COPY).

The authoritative reference and input builder live on the scoring server;
editing this copy changes nothing except your own understanding.
"""

import jax, jax.numpy as jnp
import numpy as np

CAPACITY = 2048

def setup_inputs(seed: int = 0) -> dict:
    key = jax.random.key(seed)
    k1, k2 = jax.random.split(key, 2)
    inputs = jax.random.normal(k1, (4, 8192, 2048), dtype=jnp.float32)
    # torch nn.Linear(d_model, 1): weight [1, d_model], bias [1]
    W = jax.random.normal(k2, (2048, 1), dtype=jnp.float32) * (1.0 / np.sqrt(2048.0))
    b = jnp.zeros((1,), dtype=jnp.float32)
    return {"inputs": inputs, "W": W, "b": b}

def reference(inputs, W, b):
    # gate(inputs): [B, S, 1]
    logits = jnp.einsum('bsd,do->bso', inputs, W) + b
    # softmax over dim=1 (sequence dimension), then view(-1, seq_len) -> [B, S]
    probs = jax.nn.softmax(logits, axis=1).reshape(-1, inputs.shape[1])
    # torch.topk(probs, capacity) -> values, indices; module returns indices
    _, top_k_indices = jax.lax.top_k(probs, CAPACITY)
    return top_k_indices

if __name__ == "__main__":
    import jax
    _d = setup_inputs()
    print(jax.jit(kernel)(*tuple(_d.values())))

</pallas_src>

<mosaic_0001>
module attributes {stable_mosaic.version = 14 : i64} {
  func.func @_matvec_kernel(%arg0: i32, %arg1: i32, %arg2: memref<8x1x1024x256xbf16, #tpu.memory_space<vmem>>, %arg3: memref<8x256xbf16, #tpu.memory_space<vmem>>, %arg4: memref<1x1x1024xf32, #tpu.memory_space<vmem>>) attributes {dimension_semantics = [#tpu.dimension_semantics<arbitrary>, #tpu.dimension_semantics<arbitrary>], iteration_bounds = array<i64: 4, 8>, scalar_prefetch = 0 : i64, scratch_operands = 0 : i64, tpu.core_type = #tpu.core_type<tc>, window_params = [{transform_indices = @transform_0, window_bounds = array<i64: 8, 1, 1024, 256>}, {pipeline_mode = #tpu.pipeline_mode<synchronous>, transform_indices = @transform_1, window_bounds = array<i64: 8, 256>}, {transform_indices = @transform_2, window_bounds = array<i64: 1, 1, 1024>}]} {
    %get3A = arith.constant 0 : index
    %get3A_0 = arith.constant 0 : index
    %get3A_1 = arith.constant 0 : index
    %get3A_2 = arith.constant 0 : index
    %get3A_3 = vector.load %arg2[%get3A, %get3A_0, %get3A_1, %get3A_2] : memref<8x1x1024x256xbf16, #tpu.memory_space<vmem>>, vector<1x1x1024x256xbf16>
    %get3A_4 = vector.shape_cast %get3A_3 : vector<1x1x1024x256xbf16> to vector<1024x256xbf16>
    %convert_element_type3A = arith.extf %get3A_4 : vector<1024x256xbf16> to vector<1024x256xf32>
    %get3A_5 = arith.constant 0 : index
    %get3A_6 = arith.constant 0 : index
    %get3A_7 = vector.load %arg3[%get3A_5, %get3A_6] : memref<8x256xbf16, #tpu.memory_space<vmem>>, vector<1x256xbf16>
    %get3A_8 = vector.shape_cast %get3A_7 : vector<1x256xbf16> to vector<256xbf16>
    %broadcast_in_dim3A = vector.shape_cast %get3A_8 : vector<256xbf16> to vector<1x256xbf16>
    %convert_element_type3A_9 = arith.extf %broadcast_in_dim3A : vector<1x256xbf16> to vector<1x256xf32>
    %mul3A = vector.broadcast %convert_element_type3A_9 : vector<1x256xf32> to vector<1024x256xf32>
    %mul3A_10 = arith.mulf %convert_element_type3A, %mul3A : vector<1024x256xf32>
    %get3A_11 = arith.constant 1 : index
    %get3A_12 = arith.constant 0 : index
    %get3A_13 = arith.constant 0 : index
    %get3A_14 = arith.constant 0 : index
    %get3A_15 = vector.load %arg2[%get3A_11, %get3A_12, %get3A_13, %get3A_14] : memref<8x1x1024x256xbf16, #tpu.memory_space<vmem>>, vector<1x1x1024x256xbf16>
    %get3A_16 = vector.shape_cast %get3A_15 : vector<1x1x1024x256xbf16> to vector<1024x256xbf16>
    %convert_element_type3A_17 = arith.extf %get3A_16 : vector<1024x256xbf16> to vector<1024x256xf32>
    %get3A_18 = arith.constant 1 : index
    %get3A_19 = arith.constant 0 : index
    %get3A_20 = vector.load %arg3[%get3A_18, %get3A_19] : memref<8x256xbf16, #tpu.memory_space<vmem>>, vector<1x256xbf16>
    %get3A_21 = vector.shape_cast %get3A_20 : vector<1x256xbf16> to vector<256xbf16>
    %broadcast_in_dim3A_22 = vector.shape_cast %get3A_21 : vector<256xbf16> to vector<1x256xbf16>
    %convert_element_type3A_23 = arith.extf %broadcast_in_dim3A_22 : vector<1x256xbf16> to vector<1x256xf32>
    %mul3A_24 = vector.broadcast %convert_element_type3A_23 : vector<1x256xf32> to vector<1024x256xf32>
    %mul3A_25 = arith.mulf %convert_element_type3A_17, %mul3A_24 : vector<1024x256xf32>
    %get3A_26 = arith.constant 2 : index
    %get3A_27 = arith.constant 0 : index
    %get3A_28 = arith.constant 0 : index
    %get3A_29 = arith.constant 0 : index
    %get3A_30 = vector.load %arg2[%get3A_26, %get3A_27, %get3A_28, %get3A_29] : memref<8x1x1024x256xbf16, #tpu.memory_space<vmem>>, vector<1x1x1024x256xbf16>
    %get3A_31 = vector.shape_cast %get3A_30 : vector<1x1x1024x256xbf16> to vector<1024x256xbf16>
    %convert_element_type3A_32 = arith.extf %get3A_31 : vector<1024x256xbf16> to vector<1024x256xf32>
    %get3A_33 = arith.constant 2 : index
    %get3A_34 = arith.constant 0 : index
    %get3A_35 = vector.load %arg3[%get3A_33, %get3A_34] : memref<8x256xbf16, #tpu.memory_space<vmem>>, vector<1x256xbf16>
    %get3A_36 = vector.shape_cast %get3A_35 : vector<1x256xbf16> to vector<256xbf16>
    %broadcast_in_dim3A_37 = vector.shape_cast %get3A_36 : vector<256xbf16> to vector<1x256xbf16>
    %convert_element_type3A_38 = arith.extf %broadcast_in_dim3A_37 : vector<1x256xbf16> to vector<1x256xf32>
    %mul3A_39 = vector.broadcast %convert_element_type3A_38 : vector<1x256xf32> to vector<1024x256xf32>
    %mul3A_40 = arith.mulf %convert_element_type3A_32, %mul3A_39 : vector<1024x256xf32>
    %get3A_41 = arith.constant 3 : index
    %get3A_42 = arith.constant 0 : index
    %get3A_43 = arith.constant 0 : index
    %get3A_44 = arith.constant 0 : index
    %get3A_45 = vector.load %arg2[%get3A_41, %get3A_42, %get3A_43, %get3A_44] : memref<8x1x1024x256xbf16, #tpu.memory_space<vmem>>, vector<1x1x1024x256xbf16>
    %get3A_46 = vector.shape_cast %get3A_45 : vector<1x1x1024x256xbf16> to vector<1024x256xbf16>
    %convert_element_type3A_47 = arith.extf %get3A_46 : vector<1024x256xbf16> to vector<1024x256xf32>
    %get3A_48 = arith.constant 3 : index
    %get3A_49 = arith.constant 0 : index
    %get3A_50 = vector.load %arg3[%get3A_48, %get3A_49] : memref<8x256xbf16, #tpu.memory_space<vmem>>, vector<1x256xbf16>
    %get3A_51 = vector.shape_cast %get3A_50 : vector<1x256xbf16> to vector<256xbf16>
    %broadcast_in_dim3A_52 = vector.shape_cast %get3A_51 : vector<256xbf16> to vector<1x256xbf16>
    %convert_element_type3A_53 = arith.extf %broadcast_in_dim3A_52 : vector<1x256xbf16> to vector<1x256xf32>
    %mul3A_54 = vector.broadcast %convert_element_type3A_53 : vector<1x256xf32> to vector<1024x256xf32>
    %mul3A_55 = arith.mulf %convert_element_type3A_47, %mul3A_54 : vector<1024x256xf32>
    %abs3A = math.absf %mul3A_10 : vector<1024x256xf32>
    %abs3A_56 = math.absf %mul3A_25 : vector<1024x256xf32>
    %max3A = arith.maximumf %abs3A, %abs3A_56 : vector<1024x256xf32>
    %abs3A_57 = math.absf %mul3A_40 : vector<1024x256xf32>
    %abs3A_58 = math.absf %mul3A_55 : vector<1024x256xf32>
    %max3A_59 = arith.maximumf %abs3A_57, %abs3A_58 : vector<1024x256xf32>
    %max3A_60 = arith.maximumf %max3A, %max3A_59 : vector<1024x256xf32>
    %bitcast_convert_type3A = tpu.bitcast %max3A_60 : vector<1024x256xf32> -> vector<1024x256xi32>
    %shift_right_arithmetic3A = arith.constant 23 : i32
    %shift_right_arithmetic3A_61 = vector.broadcast %shift_right_arithmetic3A : i32 to vector<1024x256xi32>
    %shift_right_arithmetic3A_62 = arith.shrsi %bitcast_convert_type3A, %shift_right_arithmetic3A_61 : vector<1024x256xi32>
    %jit3A = arith.constant 64 : i32
    %jit3A_63 = arith.constant 254 : i32
    %max3A_64 = vector.broadcast %jit3A : i32 to vector<1024x256xi32>
    %max3A_65 = arith.maxsi %max3A_64, %shift_right_arithmetic3A_62 : vector<1024x256xi32>
    %min3A = vector.broadcast %jit3A_63 : i32 to vector<1024x256xi32>
    %min3A_66 = arith.minsi %min3A, %max3A_65 : vector<1024x256xi32>
    %sub3A = arith.constant 281 : i32
    %sub3A_67 = vector.broadcast %sub3A : i32 to vector<1024x256xi32>
    %sub3A_68 = arith.subi %sub3A_67, %min3A_66 : vector<1024x256xi32>
    %shift_left3A = arith.constant 23 : i32
    %shift_left3A_69 = vector.broadcast %shift_left3A : i32 to vector<1024x256xi32>
    %shift_left3A_70 = arith.shli %sub3A_68, %shift_left3A_69 : vector<1024x256xi32>
    %bitcast_convert_type3A_71 = tpu.bitcast %shift_left3A_70 : vector<1024x256xi32> -> vector<1024x256xf32>
    %sub3A_72 = arith.constant 27 : i32
    %sub3A_73 = vector.broadcast %sub3A_72 : i32 to vector<1024x256xi32>
    %sub3A_74 = arith.subi %min3A_66, %sub3A_73 : vector<1024x256xi32>
    %shift_left3A_75 = arith.constant 23 : i32
    %shift_left3A_76 = vector.broadcast %shift_left3A_75 : i32 to vector<1024x256xi32>
    %shift_left3A_77 = arith.shli %sub3A_74, %shift_left3A_76 : vector<1024x256xi32>
    %bitcast_convert_type3A_78 = tpu.bitcast %shift_left3A_77 : vector<1024x256xi32> -> vector<1024x256xf32>
    %mul3A_79 = arith.mulf %mul3A_10, %bitcast_convert_type3A_71 : vector<1024x256xf32>
    %convert_element_type3A_80 = arith.fptosi %mul3A_79 : vector<1024x256xf32> to vector<1024x256xi32>
    %mul3A_81 = arith.mulf %mul3A_25, %bitcast_convert_type3A_71 : vector<1024x256xf32>
    %convert_element_type3A_82 = arith.fptosi %mul3A_81 : vector<1024x256xf32> to vector<1024x256xi32>
    %add3A = arith.addi %convert_element_type3A_80, %convert_element_type3A_82 : vector<1024x256xi32>
    %mul3A_83 = arith.mulf %mul3A_40, %bitcast_convert_type3A_71 : vector<1024x256xf32>
    %convert_element_type3A_84 = arith.fptosi %mul3A_83 : vector<1024x256xf32> to vector<1024x256xi32>
    %add3A_85 = arith.addi %add3A, %convert_element_type3A_84 : vector<1024x256xi32>
    %mul3A_86 = arith.mulf %mul3A_55, %bitcast_convert_type3A_71 : vector<1024x256xf32>
    %convert_element_type3A_87 = arith.fptosi %mul3A_86 : vector<1024x256xf32> to vector<1024x256xi32>
    %add3A_88 = arith.addi %add3A_85, %convert_element_type3A_87 : vector<1024x256xi32>
    %convert_element_type3A_89 = arith.sitofp %add3A_88 : vector<1024x256xi32> to vector<1024x256xf32>
    %mul3A_90 = arith.mulf %convert_element_type3A_89, %bitcast_convert_type3A_78 : vector<1024x256xf32>
    %get3A_91 = arith.constant 4 : index
    %get3A_92 = arith.constant 0 : index
    %get3A_93 = arith.constant 0 : index
    %get3A_94 = arith.constant 0 : index
    %get3A_95 = vector.load %arg2[%get3A_91, %get3A_92, %get3A_93, %get3A_94] : memref<8x1x1024x256xbf16, #tpu.memory_space<vmem>>, vector<1x1x1024x256xbf16>
    %get3A_96 = vector.shape_cast %get3A_95 : vector<1x1x1024x256xbf16> to vector<1024x256xbf16>
    %convert_element_type3A_97 = arith.extf %get3A_96 : vector<1024x256xbf16> to vector<1024x256xf32>
    %get3A_98 = arith.constant 4 : index
    %get3A_99 = arith.constant 0 : index
    %get3A_100 = vector.load %arg3[%get3A_98, %get3A_99] : memref<8x256xbf16, #tpu.memory_space<vmem>>, vector<1x256xbf16>
    %get3A_101 = vector.shape_cast %get3A_100 : vector<1x256xbf16> to vector<256xbf16>
    %broadcast_in_dim3A_102 = vector.shape_cast %get3A_101 : vector<256xbf16> to vector<1x256xbf16>
    %convert_element_type3A_103 = arith.extf %broadcast_in_dim3A_102 : vector<1x256xbf16> to vector<1x256xf32>
    %mul3A_104 = vector.broadcast %convert_element_type3A_103 : vector<1x256xf32> to vector<1024x256xf32>
    %mul3A_105 = arith.mulf %convert_element_type3A_97, %mul3A_104 : vector<1024x256xf32>
    %get3A_106 = arith.constant 5 : index
    %get3A_107 = arith.constant 0 : index
    %get3A_108 = arith.constant 0 : index
    %get3A_109 = arith.constant 0 : index
    %get3A_110 = vector.load %arg2[%get3A_106, %get3A_107, %get3A_108, %get3A_109] : memref<8x1x1024x256xbf16, #tpu.memory_space<vmem>>, vector<1x1x1024x256xbf16>
    %get3A_111 = vector.shape_cast %get3A_110 : vector<1x1x1024x256xbf16> to vector<1024x256xbf16>
    %convert_element_type3A_112 = arith.extf %get3A_111 : vector<1024x256xbf16> to vector<1024x256xf32>
    %get3A_113 = arith.constant 5 : index
    %get3A_114 = arith.constant 0 : index
    %get3A_115 = vector.load %arg3[%get3A_113, %get3A_114] : memref<8x256xbf16, #tpu.memory_space<vmem>>, vector<1x256xbf16>
    %get3A_116 = vector.shape_cast %get3A_115 : vector<1x256xbf16> to vector<256xbf16>
    %broadcast_in_dim3A_117 = vector.shape_cast %get3A_116 : vector<256xbf16> to vector<1x256xbf16>
    %convert_element_type3A_118 = arith.extf %broadcast_in_dim3A_117 : vector<1x256xbf16> to vector<1x256xf32>
    %mul3A_119 = vector.broadcast %convert_element_type3A_118 : vector<1x256xf32> to vector<1024x256xf32>
    %mul3A_120 = arith.mulf %convert_element_type3A_112, %mul3A_119 : vector<1024x256xf32>
    %get3A_121 = arith.constant 6 : index
    %get3A_122 = arith.constant 0 : index
    %get3A_123 = arith.constant 0 : index
    %get3A_124 = arith.constant 0 : index
    %get3A_125 = vector.load %arg2[%get3A_121, %get3A_122, %get3A_123, %get3A_124] : memref<8x1x1024x256xbf16, #tpu.memory_space<vmem>>, vector<1x1x1024x256xbf16>
    %get3A_126 = vector.shape_cast %get3A_125 : vector<1x1x1024x256xbf16> to vector<1024x256xbf16>
    %convert_element_type3A_127 = arith.extf %get3A_126 : vector<1024x256xbf16> to vector<1024x256xf32>
    %get3A_128 = arith.constant 6 : index
    %get3A_129 = arith.constant 0 : index
    %get3A_130 = vector.load %arg3[%get3A_128, %get3A_129] : memref<8x256xbf16, #tpu.memory_space<vmem>>, vector<1x256xbf16>
    %get3A_131 = vector.shape_cast %get3A_130 : vector<1x256xbf16> to vector<256xbf16>
    %broadcast_in_dim3A_132 = vector.shape_cast %get3A_131 : vector<256xbf16> to vector<1x256xbf16>
    %convert_element_type3A_133 = arith.extf %broadcast_in_dim3A_132 : vector<1x256xbf16> to vector<1x256xf32>
    %mul3A_134 = vector.broadcast %convert_element_type3A_133 : vector<1x256xf32> to vector<1024x256xf32>
    %mul3A_135 = arith.mulf %convert_element_type3A_127, %mul3A_134 : vector<1024x256xf32>
    %get3A_136 = arith.constant 7 : index
    %get3A_137 = arith.constant 0 : index
    %get3A_138 = arith.constant 0 : index
    %get3A_139 = arith.constant 0 : index
    %get3A_140 = vector.load %arg2[%get3A_136, %get3A_137, %get3A_138, %get3A_139] : memref<8x1x1024x256xbf16, #tpu.memory_space<vmem>>, vector<1x1x1024x256xbf16>
    %get3A_141 = vector.shape_cast %get3A_140 : vector<1x1x1024x256xbf16> to vector<1024x256xbf16>
    %convert_element_type3A_142 = arith.extf %get3A_141 : vector<1024x256xbf16> to vector<1024x256xf32>
    %get3A_143 = arith.constant 7 : index
    %get3A_144 = arith.constant 0 : index
    %get3A_145 = vector.load %arg3[%get3A_143, %get3A_144] : memref<8x256xbf16, #tpu.memory_space<vmem>>, vector<1x256xbf16>
    %get3A_146 = vector.shape_cast %get3A_145 : vector<1x256xbf16> to vector<256xbf16>
    %broadcast_in_dim3A_147 = vector.shape_cast %get3A_146 : vector<256xbf16> to vector<1x256xbf16>
    %convert_element_type3A_148 = arith.extf %broadcast_in_dim3A_147 : vector<1x256xbf16> to vector<1x256xf32>
    %mul3A_149 = vector.broadcast %convert_element_type3A_148 : vector<1x256xf32> to vector<1024x256xf32>
    %mul3A_150 = arith.mulf %convert_element_type3A_142, %mul3A_149 : vector<1024x256xf32>
    %abs3A_151 = math.absf %mul3A_105 : vector<1024x256xf32>
    %abs3A_152 = math.absf %mul3A_120 : vector<1024x256xf32>
    %max3A_153 = arith.maximumf %abs3A_151, %abs3A_152 : vector<1024x256xf32>
    %abs3A_154 = math.absf %mul3A_135 : vector<1024x256xf32>
    %abs3A_155 = math.absf %mul3A_150 : vector<1024x256xf32>
    %max3A_156 = arith.maximumf %abs3A_154, %abs3A_155 : vector<1024x256xf32>
    %max3A_157 = arith.maximumf %max3A_153, %max3A_156 : vector<1024x256xf32>
    %bitcast_convert_type3A_158 = tpu.bitcast %max3A_157 : vector<1024x256xf32> -> vector<1024x256xi32>
    %shift_right_arithmetic3A_159 = arith.constant 23 : i32
    %shift_right_arithmetic3A_160 = vector.broadcast %shift_right_arithmetic3A_159 : i32 to vector<1024x256xi32>
    %shift_right_arithmetic3A_161 = arith.shrsi %bitcast_convert_type3A_158, %shift_right_arithmetic3A_160 : vector<1024x256xi32>
    %jit3A_162 = arith.constant 64 : i32
    %jit3A_163 = arith.constant 254 : i32
    %max3A_164 = vector.broadcast %jit3A_162 : i32 to vector<1024x256xi32>
    %max3A_165 = arith.maxsi %max3A_164, %shift_right_arithmetic3A_161 : vector<1024x256xi32>
    %min3A_166 = vector.broadcast %jit3A_163 : i32 to vector<1024x256xi32>
    %min3A_167 = arith.minsi %min3A_166, %max3A_165 : vector<1024x256xi32>
    %sub3A_168 = arith.constant 281 : i32
    %sub3A_169 = vector.broadcast %sub3A_168 : i32 to vector<1024x256xi32>
    %sub3A_170 = arith.subi %sub3A_169, %min3A_167 : vector<1024x256xi32>
    %shift_left3A_171 = arith.constant 23 : i32
    %shift_left3A_172 = vector.broadcast %shift_left3A_171 : i32 to vector<1024x256xi32>
    %shift_left3A_173 = arith.shli %sub3A_170, %shift_left3A_172 : vector<1024x256xi32>
    %bitcast_convert_type3A_174 = tpu.bitcast %shift_left3A_173 : vector<1024x256xi32> -> vector<1024x256xf32>
    %sub3A_175 = arith.constant 27 : i32
    %sub3A_176 = vector.broadcast %sub3A_175 : i32 to vector<1024x256xi32>
    %sub3A_177 = arith.subi %min3A_167, %sub3A_176 : vector<1024x256xi32>
    %shift_left3A_178 = arith.constant 23 : i32
    %shift_left3A_179 = vector.broadcast %shift_left3A_178 : i32 to vector<1024x256xi32>
    %shift_left3A_180 = arith.shli %sub3A_177, %shift_left3A_179 : vector<1024x256xi32>
    %bitcast_convert_type3A_181 = tpu.bitcast %shift_left3A_180 : vector<1024x256xi32> -> vector<1024x256xf32>
    %mul3A_182 = arith.mulf %mul3A_105, %bitcast_convert_type3A_174 : vector<1024x256xf32>
    %convert_element_type3A_183 = arith.fptosi %mul3A_182 : vector<1024x256xf32> to vector<1024x256xi32>
    %mul3A_184 = arith.mulf %mul3A_120, %bitcast_convert_type3A_174 : vector<1024x256xf32>
    %convert_element_type3A_185 = arith.fptosi %mul3A_184 : vector<1024x256xf32> to vector<1024x256xi32>
    %add3A_186 = arith.addi %convert_element_type3A_183, %convert_element_type3A_185 : vector<1024x256xi32>
    %mul3A_187 = arith.mulf %mul3A_135, %bitcast_convert_type3A_174 : vector<1024x256xf32>
    %convert_element_type3A_188 = arith.fptosi %mul3A_187 : vector<1024x256xf32> to vector<1024x256xi32>
    %add3A_189 = arith.addi %add3A_186, %convert_element_type3A_188 : vector<1024x256xi32>
    %mul3A_190 = arith.mulf %mul3A_150, %bitcast_convert_type3A_174 : vector<1024x256xf32>
    %convert_element_type3A_191 = arith.fptosi %mul3A_190 : vector<1024x256xf32> to vector<1024x256xi32>
    %add3A_192 = arith.addi %add3A_189, %convert_element_type3A_191 : vector<1024x256xi32>
    %convert_element_type3A_193 = arith.sitofp %add3A_192 : vector<1024x256xi32> to vector<1024x256xf32>
    %mul3A_194 = arith.mulf %convert_element_type3A_193, %bitcast_convert_type3A_181 : vector<1024x256xf32>
    %add3A_195 = arith.addf %mul3A_90, %mul3A_194 : vector<1024x256xf32>
    %roll3A = arith.constant 255 : i32
    %roll3A_196 = tpu.dynamic_rotate %add3A_195 by %roll3A dim 1 : vector<1024x256xf32>, i32 -> vector<1024x256xf32>
    %add3A_197 = arith.addf %add3A_195, %roll3A_196 : vector<1024x256xf32>
    %roll3A_198 = arith.constant 254 : i32
    %roll3A_199 = tpu.dynamic_rotate %add3A_195 by %roll3A_198 dim 1 : vector<1024x256xf32>, i32 -> vector<1024x256xf32>
    %add3A_200 = arith.addf %add3A_197, %roll3A_199 : vector<1024x256xf32>
    %roll3A_201 = arith.constant 253 : i32
    %roll3A_202 = tpu.dynamic_rotate %add3A_195 by %roll3A_201 dim 1 : vector<1024x256xf32>, i32 -> vector<1024x256xf32>
    %add3A_203 = arith.addf %add3A_200, %roll3A_202 : vector<1024x256xf32>
    %roll3A_204 = arith.constant 252 : i32
    %roll3A_205 = tpu.dynamic_rotate %add3A_195 by %roll3A_204 dim 1 : vector<1024x256xf32>, i32 -> vector<1024x256xf32>
    %add3A_206 = arith.addf %add3A_203, %roll3A_205 : vector<1024x256xf32>
    %roll3A_207 = arith.constant 251 : i32
    %roll3A_208 = tpu.dynamic_rotate %add3A_195 by %roll3A_207 dim 1 : vector<1024x256xf32>, i32 -> vector<1024x256xf32>
    %add3A_209 = arith.addf %add3A_206, %roll3A_208 : vector<1024x256xf32>
    %roll3A_210 = arith.constant 250 : i32
    %roll3A_211 = tpu.dynamic_rotate %add3A_195 by %roll3A_210 dim 1 : vector<1024x256xf32>, i32 -> vector<1024x256xf32>
    %add3A_212 = arith.addf %add3A_209, %roll3A_211 : vector<1024x256xf32>
    %roll3A_213 = arith.constant 249 : i32
    %roll3A_214 = tpu.dynamic_rotate %add3A_195 by %roll3A_213 dim 1 : vector<1024x256xf32>, i32 -> vector<1024x256xf32>
    %add3A_215 = arith.addf %add3A_212, %roll3A_214 : vector<1024x256xf32>
    %roll3A_216 = arith.constant 248 : i32
    %roll3A_217 = tpu.dynamic_rotate %add3A_195 by %roll3A_216 dim 1 : vector<1024x256xf32>, i32 -> vector<1024x256xf32>
    %add3A_218 = arith.addf %add3A_215, %roll3A_217 : vector<1024x256xf32>
    %roll3A_219 = arith.constant 247 : i32
    %roll3A_220 = tpu.dynamic_rotate %add3A_195 by %roll3A_219 dim 1 : vector<1024x256xf32>, i32 -> vector<1024x256xf32>
    %add3A_221 = arith.addf %add3A_218, %roll3A_220 : vector<1024x256xf32>
    %roll3A_222 = arith.constant 246 : i32
    %roll3A_223 = tpu.dynamic_rotate %add3A_195 by %roll3A_222 dim 1 : vector<1024x256xf32>, i32 -> vector<1024x256xf32>
    %add3A_224 = arith.addf %add3A_221, %roll3A_223 : vector<1024x256xf32>
    %roll3A_225 = arith.constant 245 : i32
    %roll3A_226 = tpu.dynamic_rotate %add3A_195 by %roll3A_225 dim 1 : vector<1024x256xf32>, i32 -> vector<1024x256xf32>
    %add3A_227 = arith.addf %add3A_224, %roll3A_226 : vector<1024x256xf32>
    %roll3A_228 = arith.constant 244 : i32
    %roll3A_229 = tpu.dynamic_rotate %add3A_195 by %roll3A_228 dim 1 : vector<1024x256xf32>, i32 -> vector<1024x256xf32>
    %add3A_230 = arith.addf %add3A_227, %roll3A_229 : vector<1024x256xf32>
    %roll3A_231 = arith.constant 243 : i32
    %roll3A_232 = tpu.dynamic_rotate %add3A_195 by %roll3A_231 dim 1 : vector<1024x256xf32>, i32 -> vector<1024x256xf32>
    %add3A_233 = arith.addf %add3A_230, %roll3A_232 : vector<1024x256xf32>
    %roll3A_234 = arith.constant 242 : i32
    %roll3A_235 = tpu.dynamic_rotate %add3A_195 by %roll3A_234 dim 1 : vector<1024x256xf32>, i32 -> vector<1024x256xf32>
    %add3A_236 = arith.addf %add3A_233, %roll3A_235 : vector<1024x256xf32>
    %roll3A_237 = arith.constant 241 : i32
    %roll3A_238 = tpu.dynamic_rotate %add3A_195 by %roll3A_237 dim 1 : vector<1024x256xf32>, i32 -> vector<1024x256xf32>
    %add3A_239 = arith.addf %add3A_236, %roll3A_238 : vector<1024x256xf32>
    %roll3A_240 = arith.constant 240 : i32
    %roll3A_241 = tpu.dynamic_rotate %add3A_239 by %roll3A_240 dim 1 : vector<1024x256xf32>, i32 -> vector<1024x256xf32>
    %add3A_242 = arith.addf %add3A_239, %roll3A_241 : vector<1024x256xf32>
    %roll3A_243 = arith.constant 224 : i32
    %roll3A_244 = tpu.dynamic_rotate %add3A_239 by %roll3A_243 dim 1 : vector<1024x256xf32>, i32 -> vector<1024x256xf32>
    %add3A_245 = arith.addf %add3A_242, %roll3A_244 : vector<1024x256xf32>
    %roll3A_246 = arith.constant 208 : i32
    %roll3A_247 = tpu.dynamic_rotate %add3A_239 by %roll3A_246 dim 1 : vector<1024x256xf32>, i32 -> vector<1024x256xf32>
    %add3A_248 = arith.addf %add3A_245, %roll3A_247 : vector<1024x256xf32>
    %roll3A_249 = arith.constant 192 : i32
    %roll3A_250 = tpu.dynamic_rotate %add3A_239 by %roll3A_249 dim 1 : vector<1024x256xf32>, i32 -> vector<1024x256xf32>
    %add3A_251 = arith.addf %add3A_248, %roll3A_250 : vector<1024x256xf32>
    %roll3A_252 = arith.constant 176 : i32
    %roll3A_253 = tpu.dynamic_rotate %add3A_239 by %roll3A_252 dim 1 : vector<1024x256xf32>, i32 -> vector<1024x256xf32>
    %add3A_254 = arith.addf %add3A_251, %roll3A_253 : vector<1024x256xf32>
    %roll3A_255 = arith.constant 160 : i32
    %roll3A_256 = tpu.dynamic_rotate %add3A_239 by %roll3A_255 dim 1 : vector<1024x256xf32>, i32 -> vector<1024x256xf32>
    %add3A_257 = arith.addf %add3A_254, %roll3A_256 : vector<1024x256xf32>
    %roll3A_258 = arith.constant 144 : i32
    %roll3A_259 = tpu.dynamic_rotate %add3A_239 by %roll3A_258 dim 1 : vector<1024x256xf32>, i32 -> vector<1024x256xf32>
    %add3A_260 = arith.addf %add3A_257, %roll3A_259 : vector<1024x256xf32>
    %roll3A_261 = arith.constant 128 : i32
    %roll3A_262 = tpu.dynamic_rotate %add3A_239 by %roll3A_261 dim 1 : vector<1024x256xf32>, i32 -> vector<1024x256xf32>
    %add3A_263 = arith.addf %add3A_260, %roll3A_262 : vector<1024x256xf32>
    %roll3A_264 = arith.constant 112 : i32
    %roll3A_265 = tpu.dynamic_rotate %add3A_239 by %roll3A_264 dim 1 : vector<1024x256xf32>, i32 -> vector<1024x256xf32>
    %add3A_266 = arith.addf %add3A_263, %roll3A_265 : vector<1024x256xf32>
    %roll3A_267 = arith.constant 96 : i32
    %roll3A_268 = tpu.dynamic_rotate %add3A_239 by %roll3A_267 dim 1 : vector<1024x256xf32>, i32 -> vector<1024x256xf32>
    %add3A_269 = arith.addf %add3A_266, %roll3A_268 : vector<1024x256xf32>
    %roll3A_270 = arith.constant 80 : i32
    %roll3A_271 = tpu.dynamic_rotate %add3A_239 by %roll3A_270 dim 1 : vector<1024x256xf32>, i32 -> vector<1024x256xf32>
    %add3A_272 = arith.addf %add3A_269, %roll3A_271 : vector<1024x256xf32>
    %roll3A_273 = arith.constant 64 : i32
    %roll3A_274 = tpu.dynamic_rotate %add3A_239 by %roll3A_273 dim 1 : vector<1024x256xf32>, i32 -> vector<1024x256xf32>
    %add3A_275 = arith.addf %add3A_272, %roll3A_274 : vector<1024x256xf32>
    %roll3A_276 = arith.constant 48 : i32
    %roll3A_277 = tpu.dynamic_rotate %add3A_239 by %roll3A_276 dim 1 : vector<1024x256xf32>, i32 -> vector<1024x256xf32>
    %add3A_278 = arith.addf %add3A_275, %roll3A_277 : vector<1024x256xf32>
    %roll3A_279 = arith.constant 32 : i32
    %roll3A_280 = tpu.dynamic_rotate %add3A_239 by %roll3A_279 dim 1 : vector<1024x256xf32>, i32 -> vector<1024x256xf32>
    %add3A_281 = arith.addf %add3A_278, %roll3A_280 : vector<1024x256xf32>
    %roll3A_282 = arith.constant 16 : i32
    %roll3A_283 = tpu.dynamic_rotate %add3A_239 by %roll3A_282 dim 1 : vector<1024x256xf32>, i32 -> vector<1024x256xf32>
    %add3A_284 = arith.addf %add3A_281, %roll3A_283 : vector<1024x256xf32>
    %slice3A = vector.extract_strided_slice %add3A_284 {offsets = [0, 0], sizes = [1024, 1], strides = [1, 1]} : vector<1024x256xf32> to vector<1024x1xf32>
    %squeeze3A = vector.shape_cast %slice3A : vector<1024x1xf32> to vector<1024xf32>
    %swap3A = arith.constant 0 : index
    %swap3A_285 = arith.constant 0 : index
    %swap3A_286 = arith.constant 0 : index
    %swap3A_287 = vector.load %arg4[%swap3A, %swap3A_285, %swap3A_286] : memref<1x1x1024xf32, #tpu.memory_space<vmem>>, vector<1x1x1024xf32>
    %swap3A_288 = vector.shape_cast %swap3A_287 : vector<1x1x1024xf32> to vector<1024xf32>
    %swap3A_289 = vector.shape_cast %squeeze3A : vector<1024xf32> to vector<1x1x1024xf32>
    tpu.vector_store %arg4[%swap3A, %swap3A_285, %swap3A_286], %swap3A_289 {strides = array<i32>} : memref<1x1x1024xf32, #tpu.memory_space<vmem>>, vector<1x1x1024xf32>,
    return
  }
  func.func @transform_0(%arg0: i32, %arg1: i32) -> (i32, i32, i32, i32) {
    %c0_i32 = arith.constant 0 : i32
    %c0_i32_0 = arith.constant 0 : i32
    %c0_i32_1 = arith.constant 0 : i32
    return %c0_i32, %arg0, %arg1, %c0_i32_0 : i32, i32, i32, i32
  }
  func.func @transform_1(%arg0: i32, %arg1: i32) -> (i32, i32) {
    %c0_i32 = arith.constant 0 : i32
    %c0_i32_0 = arith.constant 0 : i32
    %c0_i32_1 = arith.constant 0 : i32
    return %c0_i32, %c0_i32_0 : i32, i32
  }
  func.func @transform_2(%arg0: i32, %arg1: i32) -> (i32, i32, i32) {
    %mul3A = arith.constant 8 : i32
    %mul3A_0 = arith.muli %arg0, %mul3A : i32
    %add3A = arith.addi %mul3A_0, %arg1 : i32
    %c0_i32 = arith.constant 0 : i32
    %c0_i32_1 = arith.constant 0 : i32
    %c0_i32_2 = arith.constant 0 : i32
    return %add3A, %c0_i32, %c0_i32_1 : i32, i32, i32
  }
}

module attributes {stable_mosaic.version = 14 : i64} {
  func.func @_topk_kernel(%arg0: memref<4x8192xf32, #tpu.memory_space<vmem>>, %arg1: memref<4x2048xi32, #tpu.memory_space<vmem>>) attributes {dimension_semantics = [], scalar_prefetch = 0 : i64, scratch_operands = 0 : i64, tpu.core_type = #tpu.core_type<tc>} {
    %get3A = arith.constant 0 : index
    %get3A_0 = arith.constant 0 : index
    %get3A_1 = vector.load %arg0[%get3A, %get3A_0] : memref<4x8192xf32, #tpu.memory_space<vmem>>, vector<4x8192xf32>
    %reduce_max3A = arith.constant dense<0xFF800000> : vector<4xf32>
    %reduce_max3A_2 = vector.multi_reduction <maximumf>, %get3A_1, %reduce_max3A [1] : vector<4x8192xf32> to vector<4xf32>
    %broadcast_in_dim3A = vector.shape_cast %reduce_max3A_2 : vector<4xf32> to vector<4x1xf32>
    %sub3A = vector.broadcast %broadcast_in_dim3A : vector<4x1xf32> to vector<4x8192xf32>
    %sub3A_3 = arith.subf %get3A_1, %sub3A : vector<4x8192xf32>
    %exp3A = math.exp %sub3A_3 : vector<4x8192xf32>
    %iota3A = tpu.iota {dimensions = array<i32: 1>} : vector<4x8192xi32>
    %iota3A_4 = tpu.iota {dimensions = array<i32: 1>} : vector<4x8192xi32>
    %and3A = arith.constant 1 : i32
    %and3A_5 = vector.broadcast %and3A : i32 to vector<4x8192xi32>
    %and3A_6 = arith.andi %iota3A_4, %and3A_5 : vector<4x8192xi32>
    %eq3A = arith.constant 0 : i32
    %eq3A_7 = vector.broadcast %eq3A : i32 to vector<4x8192xi32>
    %eq3A_8 = arith.cmpi eq, %and3A_6, %eq3A_7 : vector<4x8192xi32>
    %and3A_9 = arith.constant 2 : i32
    %and3A_10 = vector.broadcast %and3A_9 : i32 to vector<4x8192xi32>
    %and3A_11 = arith.andi %iota3A_4, %and3A_10 : vector<4x8192xi32>
    %eq3A_12 = arith.constant 0 : i32
    %eq3A_13 = vector.broadcast %eq3A_12 : i32 to vector<4x8192xi32>
    %eq3A_14 = arith.cmpi eq, %and3A_11, %eq3A_13 : vector<4x8192xi32>
    %roll3A = arith.constant 8191 : i32
    %roll3A_15 = tpu.dynamic_rotate %exp3A by %roll3A dim 1 : vector<4x8192xf32>, i32 -> vector<4x8192xf32>
    %roll3A_16 = arith.constant 1 : i32
    %roll3A_17 = tpu.dynamic_rotate %exp3A by %roll3A_16 dim 1 : vector<4x8192xf32>, i32 -> vector<4x8192xf32>
    %roll3A_18 = arith.constant 8191 : i32
    %roll3A_19 = tpu.dynamic_rotate %iota3A by %roll3A_18 dim 1 : vector<4x8192xi32>, i32 -> vector<4x8192xi32>
    %roll3A_20 = arith.constant 1 : i32
    %roll3A_21 = tpu.dynamic_rotate %iota3A by %roll3A_20 dim 1 : vector<4x8192xi32>, i32 -> vector<4x8192xi32>
    %select_n3A = arith.select %eq3A_8, %roll3A_15, %roll3A_17 : vector<4x8192xi1>, vector<4x8192xf32>
    %select_n3A_22 = arith.select %eq3A_8, %roll3A_19, %roll3A_21 : vector<4x8192xi1>, vector<4x8192xi32>
    %gt3A = arith.cmpf ogt, %exp3A, %select_n3A : vector<4x8192xf32>
    %eq3A_23 = arith.cmpf oeq, %exp3A, %select_n3A : vector<4x8192xf32>
    %lt3A = arith.cmpi slt, %iota3A, %select_n3A_22 : vector<4x8192xi32>
    %and3A_24 = arith.andi %eq3A_23, %lt3A : vector<4x8192xi1>
    %or3A = arith.ori %gt3A, %and3A_24 : vector<4x8192xi1>
    %eq3A_25 = arith.xori %eq3A_14, %eq3A_8 : vector<4x8192xi1>
    %eq3A_26 = arith.constant dense<true> : vector<4x8192xi1>
    %eq3A_27 = arith.xori %eq3A_25, %eq3A_26 : vector<4x8192xi1>
    %eq3A_28 = arith.xori %eq3A_27, %or3A : vector<4x8192xi1>
    %eq3A_29 = arith.constant dense<true> : vector<4x8192xi1>
    %eq3A_30 = arith.xori %eq3A_28, %eq3A_29 : vector<4x8192xi1>
    %select_n3A_31 = arith.select %eq3A_30, %exp3A, %select_n3A : vector<4x8192xi1>, vector<4x8192xf32>
    %select_n3A_32 = arith.select %eq3A_30, %iota3A, %select_n3A_22 : vector<4x8192xi1>, vector<4x8192xi32>
    %and3A_33 = arith.constant 2 : i32
    %and3A_34 = vector.broadcast %and3A_33 : i32 to vector<4x8192xi32>
    %and3A_35 = arith.andi %iota3A_4, %and3A_34 : vector<4x8192xi32>
    %eq3A_36 = arith.constant 0 : i32
    %eq3A_37 = vector.broadcast %eq3A_36 : i32 to vector<4x8192xi32>
    %eq3A_38 = arith.cmpi eq, %and3A_35, %eq3A_37 : vector<4x8192xi32>
    %and3A_39 = arith.constant 4 : i32
    %and3A_40 = vector.broadcast %and3A_39 : i32 to vector<4x8192xi32>
    %and3A_41 = arith.andi %iota3A_4, %and3A_40 : vector<4x8192xi32>
    %eq3A_42 = arith.constant 0 : i32
    %eq3A_43 = vector.broadcast %eq3A_42 : i32 to vector<4x8192xi32>
    %eq3A_44 = arith.cmpi eq, %and3A_41, %eq3A_43 : vector<4x8192xi32>
    %roll3A_45 = arith.constant 8190 : i32
    %roll3A_46 = tpu.dynamic_rotate %select_n3A_31 by %roll3A_45 dim 1 : vector<4x8192xf32>, i32 -> vector<4x8192xf32>
    %roll3A_47 = arith.constant 2 : i32
    %roll3A_48 = tpu.dynamic_rotate %select_n3A_31 by %roll3A_47 dim 1 : vector<4x8192xf32>, i32 -> vector<4x8192xf32>
    %roll3A_49 = arith.constant 8190 : i32
    %roll3A_50 = tpu.dynamic_rotate %select_n3A_32 by %roll3A_49 dim 1 : vector<4x8192xi32>, i32 -> vector<4x8192xi32>
    %roll3A_51 = arith.constant 2 : i32
    %roll3A_52 = tpu.dynamic_rotate %select_n3A_32 by %roll3A_51 dim 1 : vector<4x8192xi32>, i32 -> vector<4x8192xi32>
    %select_n3A_53 = arith.select %eq3A_38, %roll3A_46, %roll3A_48 : vector<4x8192xi1>, vector<4x8192xf32>
    %select_n3A_54 = arith.select %eq3A_38, %roll3A_50, %roll3A_52 : vector<4x8192xi1>, vector<4x8192xi32>
    %gt3A_55 = arith.cmpf ogt, %select_n3A_31, %select_n3A_53 : vector<4x8192xf32>
    %eq3A_56 = arith.cmpf oeq, %select_n3A_31, %select_n3A_53 : vector<4x8192xf32>
    %lt3A_57 = arith.cmpi slt, %select_n3A_32, %select_n3A_54 : vector<4x8192xi32>
    %and3A_58 = arith.andi %eq3A_56, %lt3A_57 : vector<4x8192xi1>
    %or3A_59 = arith.ori %gt3A_55, %and3A_58 : vector<4x8192xi1>
    %eq3A_60 = arith.xori %eq3A_44, %eq3A_38 : vector<4x8192xi1>
    %eq3A_61 = arith.constant dense<true> : vector<4x8192xi1>
    %eq3A_62 = arith.xori %eq3A_60, %eq3A_61 : vector<4x8192xi1>
    %eq3A_63 = arith.xori %eq3A_62, %or3A_59 : vector<4x8192xi1>
    %eq3A_64 = arith.constant dense<true> : vector<4x8192xi1>
    %eq3A_65 = arith.xori %eq3A_63, %eq3A_64 : vector<4x8192xi1>
    %select_n3A_66 = arith.select %eq3A_65, %select_n3A_31, %select_n3A_53 : vector<4x8192xi1>, vector<4x8192xf32>
    %select_n3A_67 = arith.select %eq3A_65, %select_n3A_32, %select_n3A_54 : vector<4x8192xi1>, vector<4x8192xi32>
    %and3A_68 = arith.constant 1 : i32
    %and3A_69 = vector.broadcast %and3A_68 : i32 to vector<4x8192xi32>
    %and3A_70 = arith.andi %iota3A_4, %and3A_69 : vector<4x8192xi32>
    %eq3A_71 = arith.constant 0 : i32
    %eq3A_72 = vector.broadcast %eq3A_71 : i32 to vector<4x8192xi32>
    %eq3A_73 = arith.cmpi eq, %and3A_70, %eq3A_72 : vector<4x8192xi32>
    %and3A_74 = arith.constant 4 : i32
    %and3A_75 = vector.broadcast %and3A_74 : i32 to vector<4x8192xi32>
    %and3A_76 = arith.andi %iota3A_4, %and3A_75 : vector<4x8192xi32>
    %eq3A_77 = arith.constant 0 : i32
    %eq3A_78 = vector.broadcast %eq3A_77 : i32 to vector<4x8192xi32>
    %eq3A_79 = arith.cmpi eq, %and3A_76, %eq3A_78 : vector<4x8192xi32>
    %roll3A_80 = arith.constant 8191 : i32
    %roll3A_81 = tpu.dynamic_rotate %select_n3A_66 by %roll3A_80 dim 1 : vector<4x8192xf32>, i32 -> vector<4x8192xf32>
    %roll3A_82 = arith.constant 1 : i32
    %roll3A_83 = tpu.dynamic_rotate %select_n3A_66 by %roll3A_82 dim 1 : vector<4x8192xf32>, i32 -> vector<4x8192xf32>
    %roll3A_84 = arith.constant 8191 : i32
    %roll3A_85 = tpu.dynamic_rotate %select_n3A_67 by %roll3A_84 dim 1 : vector<4x8192xi32>, i32 -> vector<4x8192xi32>
    %roll3A_86 = arith.constant 1 : i32
    %roll3A_87 = tpu.dynamic_rotate %select_n3A_67 by %roll3A_86 dim 1 : vector<4x8192xi32>, i32 -> vector<4x8192xi32>
    %select_n3A_88 = arith.select %eq3A_73, %roll3A_81, %roll3A_83 : vector<4x8192xi1>, vector<4x8192xf32>
    %select_n3A_89 = arith.select %eq3A_73, %roll3A_85, %roll3A_87 : vector<4x8192xi1>, vector<4x8192xi32>
    %gt3A_90 = arith.cmpf ogt, %select_n3A_66, %select_n3A_88 : vector<4x8192xf32>
    %eq3A_91 = arith.cmpf oeq, %select_n3A_66, %select_n3A_88 : vector<4x8192xf32>
    %lt3A_92 = arith.cmpi slt, %select_n3A_67, %select_n3A_89 : vector<4x8192xi32>
    %and3A_93 = arith.andi %eq3A_91, %lt3A_92 : vector<4x8192xi1>
    %or3A_94 = arith.ori %gt3A_90, %and3A_93 : vector<4x8192xi1>
    %eq3A_95 = arith.xori %eq3A_79, %eq3A_73 : vector<4x8192xi1>
    %eq3A_96 = arith.constant dense<true> : vector<4x8192xi1>
    %eq3A_97 = arith.xori %eq3A_95, %eq3A_96 : vector<4x8192xi1>
    %eq3A_98 = arith.xori %eq3A_97, %or3A_94 : vector<4x8192xi1>
    %eq3A_99 = arith.constant dense<true> : vector<4x8192xi1>
    %eq3A_100 = arith.xori %eq3A_98, %eq3A_99 : vector<4x8192xi1>
    %select_n3A_101 = arith.select %eq3A_100, %select_n3A_66, %select_n3A_88 : vector<4x8192xi1>, vector<4x8192xf32>
    %select_n3A_102 = arith.select %eq3A_100, %select_n3A_67, %select_n3A_89 : vector<4x8192xi1>, vector<4x8192xi32>
    %and3A_103 = arith.constant 4 : i32
    %and3A_104 = vector.broadcast %and3A_103 : i32 to vector<4x8192xi32>
    %and3A_105 = arith.andi %iota3A_4, %and3A_104 : vector<4x8192xi32>
    %eq3A_106 = arith.constant 0 : i32
    %eq3A_107 = vector.broadcast %eq3A_106 : i32 to vector<4x8192xi32>
    %eq3A_108 = arith.cmpi eq, %and3A_105, %eq3A_107 : vector<4x8192xi32>
    %and3A_109 = arith.constant 8 : i32
    %and3A_110 = vector.broadcast %and3A_109 : i32 to vector<4x8192xi32>
    %and3A_111 = arith.andi %iota3A_4, %and3A_110 : vector<4x8192xi32>
    %eq3A_112 = arith.constant 0 : i32
    %eq3A_113 = vector.broadcast %eq3A_112 : i32 to vector<4x8192xi32>
    %eq3A_114 = arith.cmpi eq, %and3A_111, %eq3A_113 : vector<4x8192xi32>
    %roll3A_115 = arith.constant 8188 : i32
    %roll3A_116 = tpu.dynamic_rotate %select_n3A_101 by %roll3A_115 dim 1 : vector<4x8192xf32>, i32 -> vector<4x8192xf32>
    %roll3A_117 = arith.constant 4 : i32
    %roll3A_118 = tpu.dynamic_rotate %select_n3A_101 by %roll3A_117 dim 1 : vector<4x8192xf32>, i32 -> vector<4x8192xf32>
    %roll3A_119 = arith.constant 8188 : i32
    %roll3A_120 = tpu.dynamic_rotate %select_n3A_102 by %roll3A_119 dim 1 : vector<4x8192xi32>, i32 -> vector<4x8192xi32>
    %roll3A_121 = arith.constant 4 : i32
    %roll3A_122 = tpu.dynamic_rotate %select_n3A_102 by %roll3A_121 dim 1 : vector<4x8192xi32>, i32 -> vector<4x8192xi32>
    %select_n3A_123 = arith.select %eq3A_108, %roll3A_116, %roll3A_118 : vector<4x8192xi1>, vector<4x8192xf32>
    %select_n3A_124 = arith.select %eq3A_108, %roll3A_120, %roll3A_122 : vector<4x8192xi1>, vector<4x8192xi32>
    %gt3A_125 = arith.cmpf ogt, %select_n3A_101, %select_n3A_123 : vector<4x8192xf32>
    %eq3A_126 = arith.cmpf oeq, %select_n3A_101, %select_n3A_123 : vector<4x8192xf32>
    %lt3A_127 = arith.cmpi slt, %select_n3A_102, %select_n3A_124 : vector<4x8192xi32>
    %and3A_128 = arith.andi %eq3A_126, %lt3A_127 : vector<4x8192xi1>
    %or3A_129 = arith.ori %gt3A_125, %and3A_128 : vector<4x8192xi1>
    %eq3A_130 = arith.xori %eq3A_114, %eq3A_108 : vector<4x8192xi1>
    %eq3A_131 = arith.constant dense<true> : vector<4x8192xi1>
    %eq3A_132 = arith.xori %eq3A_130, %eq3A_131 : vector<4x8192xi1>
    %eq3A_133 = arith.xori %eq3A_132, %or3A_129 : vector<4x8192xi1>
    %eq3A_134 = arith.constant dense<true> : vector<4x8192xi1>
    %eq3A_135 = arith.xori %eq3A_133, %eq3A_134 : vector<4x8192xi1>
    %select_n3A_136 = arith.select %eq3A_135, %select_n3A_101, %select_n3A_123 : vector<4x8192xi1>, vector<4x8192xf32>
    %select_n3A_137 = arith.select %eq3A_135, %select_n3A_102, %select_n3A_124 : vector<4x8192xi1>, vector<4x8192xi32>
    %and3A_138 = arith.constant 2 : i32
    %and3A_139 = vector.broadcast %and3A_138 : i32 to vector<4x8192xi32>
    %and3A_140 = arith.andi %iota3A_4, %and3A_139 : vector<4x8192xi32>
    %eq3A_141 = arith.constant 0 : i32
    %eq3A_142 = vector.broadcast %eq3A_141 : i32 to vector<4x8192xi32>
    %eq3A_143 = arith.cmpi eq, %and3A_140, %eq3A_142 : vector<4x8192xi32>
    %and3A_144 = arith.constant 8 : i32
    %and3A_145 = vector.broadcast %and3A_144 : i32 to vector<4x8192xi32>
    %and3A_146 = arith.andi %iota3A_4, %and3A_145 : vector<4x8192xi32>
    %eq3A_147 = arith.constant 0 : i32
    %eq3A_148 = vector.broadcast %eq3A_147 : i32 to vector<4x8192xi32>
    %eq3A_149 = arith.cmpi eq, %and3A_146, %eq3A_148 : vector<4x8192xi32>
    %roll3A_150 = arith.constant 8190 : i32
    %roll3A_151 = tpu.dynamic_rotate %select_n3A_136 by %roll3A_150 dim 1 : vector<4x8192xf32>, i32 -> vector<4x8192xf32>
    %roll3A_152 = arith.constant 2 : i32
    %roll3A_153 = tpu.dynamic_rotate %select_n3A_136 by %roll3A_152 dim 1 : vector<4x8192xf32>, i32 -> vector<4x8192xf32>
    %roll3A_154 = arith.constant 8190 : i32
    %roll3A_155 = tpu.dynamic_rotate %select_n3A_137 by %roll3A_154 dim 1 : vector<4x8192xi32>, i32 -> vector<4x8192xi32>
    %roll3A_156 = arith.constant 2 : i32
    %roll3A_157 = tpu.dynamic_rotate %select_n3A_137 by %roll3A_156 dim 1 : vector<4x8192xi32>, i32 -> vector<4x8192xi32>
    %select_n3A_158 = arith.select %eq3A_143, %roll3A_151, %roll3A_153 : vector<4x8192xi1>, vector<4x8192xf32>
    %select_n3A_159 = arith.select %eq3A_143, %roll3A_155, %roll3A_157 : vector<4x8192xi1>, vector<4x8192xi32>
    %gt3A_160 = arith.cmpf ogt, %select_n3A_136, %select_n3A_158 : vector<4x8192xf32>
    %eq3A_161 = arith.cmpf oeq, %select_n3A_136, %select_n3A_158 : vector<4x8192xf32>
    %lt3A_162 = arith.cmpi slt, %select_n3A_137, %select_n3A_159 : vector<4x8192xi32>
    %and3A_163 = arith.andi %eq3A_161, %lt3A_162 : vector<4x8192xi1>
    %or3A_164 = arith.ori %gt3A_160, %and3A_163 : vector<4x8192xi1>
    %eq3A_165 = arith.xori %eq3A_149, %eq3A_143 : vector<4x8192xi1>
    %eq3A_166 = arith.constant dense<true> : vector<4x8192xi1>
    %eq3A_167 = arith.xori %eq3A_165, %eq3A_166 : vector<4x8192xi1>
    %eq3A_168 = arith.xori %eq3A_167, %or3A_164 : vector<4x8192xi1>
    %eq3A_169 = arith.constant dense<true> : vector<4x8192xi1>
    %eq3A_170 = arith.xori %eq3A_168, %eq3A_169 : vector<4x8192xi1>
    %select_n3A_171 = arith.select %eq3A_170, %select_n3A_136, %select_n3A_158 : vector<4x8192xi1>, vector<4x8192xf32>
    %select_n3A_172 = arith.select %eq3A_170, %select_n3A_137, %select_n3A_159 : vector<4x8192xi1>, vector<4x8192xi32>
    %and3A_173 = arith.constant 1 : i32
    %and3A_174 = vector.broadcast %and3A_173 : i32 to vector<4x8192xi32>
    %and3A_175 = arith.andi %iota3A_4, %and3A_174 : vector<4x8192xi32>
    %eq3A_176 = arith.constant 0 : i32
    %eq3A_177 = vector.broadcast %eq3A_176 : i32 to vector<4x8192xi32>
    %eq3A_178 = arith.cmpi eq, %and3A_175, %eq3A_177 : vector<4x8192xi32>
    %and3A_179 = arith.constant 8 : i32
    %and3A_180 = vector.broadcast %and3A_179 : i32 to vector<4x8192xi32>
    %and3A_181 = arith.andi %iota3A_4, %and3A_180 : vector<4x8192xi32>
    %eq3A_182 = arith.constant 0 : i32
    %eq3A_183 = vector.broadcast %eq3A_182 : i32 to vector<4x8192xi32>
    %eq3A_184 = arith.cmpi eq, %and3A_181, %eq3A_183 : vector<4x8192xi32>
    %roll3A_185 = arith.constant 8191 : i32
    %roll3A_186 = tpu.dynamic_rotate %select_n3A_171 by %roll3A_185 dim 1 : vector<4x8192xf32>, i32 -> vector<4x8192xf32>
    %roll3A_187 = arith.constant 1 : i32
    %roll3A_188 = tpu.dynamic_rotate %select_n3A_171 by %roll3A_187 dim 1 : vector<4x8192xf32>, i32 -> vector<4x8192xf32>
    %roll3A_189 = arith.constant 8191 : i32
    %roll3A_190 = tpu.dynamic_rotate %select_n3A_172 by %roll3A_189 dim 1 : vector<4x8192xi32>, i32 -> vector<4x8192xi32>
    %roll3A_191 = arith.constant 1 : i32
    %roll3A_192 = tpu.dynamic_rotate %select_n3A_172 by %roll3A_191 dim 1 : vector<4x8192xi32>, i32 -> vector<4x8192xi32>
    %select_n3A_193 = arith.select %eq3A_178, %roll3A_186, %roll3A_188 : vector<4x8192xi1>, vector<4x8192xf32>
    %select_n3A_194 = arith.select %eq3A_178, %roll3A_190, %roll3A_192 : vector<4x8192xi1>, vector<4x8192xi32>
    %gt3A_195 = arith.cmpf ogt, %select_n3A_171, %select_n3A_193 : vector<4x8192xf32>
    %eq3A_196 = arith.cmpf oeq, %select_n3A_171, %select_n3A_193 : vector<4x8192xf32>
    %lt3A_197 = arith.cmpi slt, %select_n3A_172, %select_n3A_194 : vector<4x8192xi32>
    %and3A_198 = arith.andi %eq3A_196, %lt3A_197 : vector<4x8192xi1>
    %or3A_199 = arith.ori %gt3A_195, %and3A_198 : vector<4x8192xi1>
    %eq3A_200 = arith.xori %eq3A_184, %eq3A_178 : vector<4x8192xi1>
    %eq3A_201 = arith.constant dense<true> : vector<4x8192xi1>
    %eq3A_202 = arith.xori %eq3A_200, %eq3A_201 : vector<4x8192xi1>
    %eq3A_203 = arith.xori %eq3A_202, %or3A_199 : vector<4x8192xi1>
    %eq3A_204 = arith.constant dense<true> : vector<4x8192xi1>
    %eq3A_205 = arith.xori %eq3A_203, %eq3A_204 : vector<4x8192xi1>
    %select_n3A_206 = arith.select %eq3A_205, %select_n3A_171, %select_n3A_193 : vector<4x8192xi1>, vector<4x8192xf32>
    %select_n3A_207 = arith.select %eq3A_205, %select_n3A_172, %select_n3A_194 : vector<4x8192xi1>, vector<4x8192xi32>
    %and3A_208 = arith.constant 8 : i32
    %and3A_209 = vector.broadcast %and3A_208 : i32 to vector<4x8192xi32>
    %and3A_210 = arith.andi %iota3A_4, %and3A_209 : vector<4x8192xi32>
    %eq3A_211 = arith.constant 0 : i32
    %eq3A_212 = vector.broadcast %eq3A_211 : i32 to vector<4x8192xi32>
    %eq3A_213 = arith.cmpi eq, %and3A_210, %eq3A_212 : vector<4x8192xi32>
    %and3A_214 = arith.constant 16 : i32
    %and3A_215 = vector.broadcast %and3A_214 : i32 to vector<4x8192xi32>
    %and3A_216 = arith.andi %iota3A_4, %and3A_215 : vector<4x8192xi32>
    %eq3A_217 = arith.constant 0 : i32
    %eq3A_218 = vector.broadcast %eq3A_217 : i32 to vector<4x8192xi32>
    %eq3A_219 = arith.cmpi eq, %and3A_216, %eq3A_218 : vector<4x8192xi32>
    %roll3A_220 = arith.constant 8184 : i32
    %roll3A_221 = tpu.dynamic_rotate %select_n3A_206 by %roll3A_220 dim 1 : vector<4x8192xf32>, i32 -> vector<4x8192xf32>
    %roll3A_222 = arith.constant 8 : i32
    %roll3A_223 = tpu.dynamic_rotate %select_n3A_206 by %roll3A_222 dim 1 : vector<4x8192xf32>, i32 -> vector<4x8192xf32>
    %roll3A_224 = arith.constant 8184 : i32
    %roll3A_225 = tpu.dynamic_rotate %select_n3A_207 by %roll3A_224 dim 1 : vector<4x8192xi32>, i32 -> vector<4x8192xi32>
    %roll3A_226 = arith.constant 8 : i32
    %roll3A_227 = tpu.dynamic_rotate %select_n3A_207 by %roll3A_226 dim 1 : vector<4x8192xi32>, i32 -> vector<4x8192xi32>
    %select_n3A_228 = arith.select %eq3A_213, %roll3A_221, %roll3A_223 : vector<4x8192xi1>, vector<4x8192xf32>
    %select_n3A_229 = arith.select %eq3A_213, %roll3A_225, %roll3A_227 : vector<4x8192xi1>, vector<4x8192xi32>
    %gt3A_230 = arith.cmpf ogt, %select_n3A_206, %select_n3A_228 : vector<4x8192xf32>
    %eq3A_231 = arith.cmpf oeq, %select_n3A_206, %select_n3A_228 : vector<4x8192xf32>
    %lt3A_232 = arith.cmpi slt, %select_n3A_207, %select_n3A_229 : vector<4x8192xi32>
    %and3A_233 = arith.andi %eq3A_231, %lt3A_232 : vector<4x8192xi1>
    %or3A_234 = arith.ori %gt3A_230, %and3A_233 : vector<4x8192xi1>
    %eq3A_235 = arith.xori %eq3A_219, %eq3A_213 : vector<4x8192xi1>
    %eq3A_236 = arith.constant dense<true> : vector<4x8192xi1>
    %eq3A_237 = arith.xori %eq3A_235, %eq3A_236 : vector<4x8192xi1>
    %eq3A_238 = arith.xori %eq3A_237, %or3A_234 : vector<4x8192xi1>
    %eq3A_239 = arith.constant dense<true> : vector<4x8192xi1>
    %eq3A_240 = arith.xori %eq3A_238, %eq3A_239 : vector<4x8192xi1>
    %select_n3A_241 = arith.select %eq3A_240, %select_n3A_206, %select_n3A_228 : vector<4x8192xi1>, vector<4x8192xf32>
    %select_n3A_242 = arith.select %eq3A_240, %select_n3A_207, %select_n3A_229 : vector<4x8192xi1>, vector<4x8192xi32>
    %and3A_243 = arith.constant 4 : i32
    %and3A_244 = vector.broadcast %and3A_243 : i32 to vector<4x8192xi32>
    %and3A_245 = arith.andi %iota3A_4, %and3A_244 : vector<4x8192xi32>
    %eq3A_246 = arith.constant 0 : i32
    %eq3A_247 = vector.broadcast %eq3A_246 : i32 to vector<4x8192xi32>
    %eq3A_248 = arith.cmpi eq, %and3A_245, %eq3A_247 : vector<4x8192xi32>
    %and3A_249 = arith.constant 16 : i32
    %and3A_250 = vector.broadcast %and3A_249 : i32 to vector<4x8192xi32>
    %and3A_251 = arith.andi %iota3A_4, %and3A_250 : vector<4x8192xi32>
    %eq3A_252 = arith.constant 0 : i32
    %eq3A_253 = vector.broadcast %eq3A_252 : i32 to vector<4x8192xi32>
    %eq3A_254 = arith.cmpi eq, %and3A_251, %eq3A_253 : vector<4x8192xi32>
    %roll3A_255 = arith.constant 8188 : i32
    %roll3A_256 = tpu.dynamic_rotate %select_n3A_241 by %roll3A_255 dim 1 : vector<4x8192xf32>, i32 -> vector<4x8192xf32>
    %roll3A_257 = arith.constant 4 : i32
    %roll3A_258 = tpu.dynamic_rotate %select_n3A_241 by %roll3A_257 dim 1 : vector<4x8192xf32>, i32 -> vector<4x8192xf32>
    %roll3A_259 = arith.constant 8188 : i32
    %roll3A_260 = tpu.dynamic_rotate %select_n3A_242 by %roll3A_259 dim 1 : vector<4x8192xi32>, i32 -> vector<4x8192xi32>
    %roll3A_261 = arith.constant 4 : i32
    %roll3A_262 = tpu.dynamic_rotate %select_n3A_242 by %roll3A_261 dim 1 : vector<4x8192xi32>, i32 -> vector<4x8192xi32>
    %select_n3A_263 = arith.select %eq3A_248, %roll3A_256, %roll3A_258 : vector<4x8192xi1>, vector<4x8192xf32>
    %select_n3A_264 = arith.select %eq3A_248, %roll3A_260, %roll3A_262 : vector<4x8192xi1>, vector<4x8192xi32>
    %gt3A_265 = arith.cmpf ogt, %select_n3A_241, %select_n3A_263 : vector<4x8192xf32>
    %eq3A_266 = arith.cmpf oeq, %select_n3A_241, %select_n3A_263 : vector<4x8192xf32>
    %lt3A_267 = arith.cmpi slt, %select_n3A_242, %select_n3A_264 : vector<4x8192xi32>
    %and3A_268 = arith.andi %eq3A_266, %lt3A_267 : vector<4x8192xi1>
    %or3A_269 = arith.ori %gt3A_265, %and3A_268 : vector<4x8192xi1>
    %eq3A_270 = arith.xori %eq3A_254, %eq3A_248 : vector<4x8192xi1>
    %eq3A_271 = arith.constant dense<true> : vector<4x8192xi1>
    %eq3A_272 = arith.xori %eq3A_270, %eq3A_271 : vector<4x8192xi1>
    %eq3A_273 = arith.xori %eq3A_272, %or3A_269 : vector<4x8192xi1>
    %eq3A_274 = arith.constant dense<true> : vector<4x8192xi1>
    %eq3A_275 = arith.xori %eq3A_273, %eq3A_274 : vector<4x8192xi1>
    %select_n3A_276 = arith.select %eq3A_275, %select_n3A_241, %select_n3A_263 : vector<4x8192xi1>, vector<4x8192xf32>
    %select_n3A_277 = arith.select %eq3A_275, %select_n3A_242, %select_n3A_264 : vector<4x8192xi1>, vector<4x8192xi32>
    %and3A_278 = arith.constant 2 : i32
    %and3A_279 = vector.broadcast %and3A_278 : i32 to vector<4x8192xi32>
    %and3A_280 = arith.andi %iota3A_4, %and3A_279 : vector<4x8192xi32>
    %eq3A_281 = arith.constant 0 : i32
    %eq3A_282 = vector.broadcast %eq3A_281 : i32 to vector<4x8192xi32>
    %eq3A_283 = arith.cmpi eq, %and3A_280, %eq3A_282 : vector<4x8192xi32>
    %and3A_284 = arith.constant 16 : i32
    %and3A_285 = vector.broadcast %and3A_284 : i32 to vector<4x8192xi32>
    %and3A_286 = arith.andi %iota3A_4, %and3A_285 : vector<4x8192xi32>
    %eq3A_287 = arith.constant 0 : i32
    %eq3A_288 = vector.broadcast %eq3A_287 : i32 to vector<4x8192xi32>
    %eq3A_289 = arith.cmpi eq, %and3A_286, %eq3A_288 : vector<4x8192xi32>
    %roll3A_290 = arith.constant 8190 : i32
    %roll3A_291 = tpu.dynamic_rotate %select_n3A_276 by %roll3A_290 dim 1 : vector<4x8192xf32>, i32 -> vector<4x8192xf32>
    %roll3A_292 = arith.constant 2 : i32
    %roll3A_293 = tpu.dynamic_rotate %select_n3A_276 by %roll3A_292 dim 1 : vector<4x8192xf32>, i32 -> vector<4x8192xf32>
    %roll3A_294 = arith.constant 8190 : i32
    %roll3A_295 = tpu.dynamic_rotate %select_n3A_277 by %roll3A_294 dim 1 : vector<4x8192xi32>, i32 -> vector<4x8192xi32>
    %roll3A_296 = arith.constant 2 : i32
    %roll3A_297 = tpu.dynamic_rotate %select_n3A_277 by %roll3A_296 dim 1 : vector<4x8192xi32>, i32 -> vector<4x8192xi32>
    %select_n3A_298 = arith.select %eq3A_283, %roll3A_291, %roll3A_293 : vector<4x8192xi1>, vector<4x8192xf32>
    %select_n3A_299 = arith.select %eq3A_283, %roll3A_295, %roll3A_297 : vector<4x8192xi1>, vector<4x8192xi32>
    %gt3A_300 = arith.cmpf ogt, %select_n3A_276, %select_n3A_298 : vector<4x8192xf32>
    %eq3A_301 = arith.cmpf oeq, %select_n3A_276, %select_n3A_298 : vector<4x8192xf32>
    %lt3A_302 = arith.cmpi slt, %select_n3A_277, %select_n3A_299 : vector<4x8192xi32>
    %and3A_303 = arith.andi %eq3A_301, %lt3A_302 : vector<4x8192xi1>
    %or3A_304 = arith.ori %gt3A_300, %and3A_303 : vector<4x8192xi1>
    %eq3A_305 = arith.xori %eq3A_289, %eq3A_283 : vector<4x8192xi1>
    %eq3A_306 = arith.constant dense<true> : vector<4x8192xi1>
    %eq3A_307 = arith.xori %eq3A_305, %eq3A_306 : vector<4x8192xi1>
    %eq3A_308 = arith.xori %eq3A_307, %or3A_304 : vector<4x8192xi1>
    %eq3A_309 = arith.constant dense<true> : vector<4x8192xi1>
    %eq3A_310 = arith.xori %eq3A_308, %eq3A_309 : vector<4x8192xi1>
    %select_n3A_311 = arith.select %eq3A_310, %select_n3A_276, %select_n3A_298 : vector<4x8192xi1>, vector<4x8192xf32>
    %select_n3A_312 = arith.select %eq3A_310, %select_n3A_277, %select_n3A_299 : vector<4x8192xi1>, vector<4x8192xi32>
    %and3A_313 = arith.constant 1 : i32
    %and3A_314 = vector.broadcast %and3A_313 : i32 to vector<4x8192xi32>
    %and3A_315 = arith.andi %iota3A_4, %and3A_314 : vector<4x8192xi32>
    %eq3A_316 = arith.constant 0 : i32
    %eq3A_317 = vector.broadcast %eq3A_316 : i32 to vector<4x8192xi32>
    %eq3A_318 = arith.cmpi eq, %and3A_315, %eq3A_317 : vector<4x8192xi32>
    %and3A_319 = arith.constant 16 : i32
    %and3A_320 = vector.broadcast %and3A_319 : i32 to vector<4x8192xi32>
    %and3A_321 = arith.andi %iota3A_4, %and3A_320 : vector<4x8192xi32>
    %eq3A_322 = arith.constant 0 : i32
    %eq3A_323 = vector.broadcast %eq3A_322 : i32 to vector<4x8192xi32>
    %eq3A_324 = arith.cmpi eq, %and3A_321, %eq3A_323 : vector<4x8192xi32>
    %roll3A_325 = arith.constant 8191 : i32
    %roll3A_326 = tpu.dynamic_rotate %select_n3A_311 by %roll3A_325 dim 1 : vector<4x8192xf32>, i32 -> vector<4x8192xf32>
    %roll3A_327 = arith.constant 1 : i32
    %roll3A_328 = tpu.dynamic_rotate %select_n3A_311 by %roll3A_327 dim 1 : vector<4x8192xf32>, i32 -> vector<4x8192xf32>
    %roll3A_329 = arith.constant 8191 : i32
    %roll3A_330 = tpu.dynamic_rotate %select_n3A_312 by %roll3A_329 dim 1 : vector<4x8192xi32>, i32 -> vector<4x8192xi32>
    %roll3A_331 = arith.constant 1 : i32
    %roll3A_332 = tpu.dynamic_rotate %select_n3A_312 by %roll3A_331 dim 1 : vector<4x8192xi32>, i32 -> vector<4x8192xi32>
    %select_n3A_333 = arith.select %eq3A_318, %roll3A_326, %roll3A_328 : vector<4x8192xi1>, vector<4x8192xf32>
    %select_n3A_334 = arith.select %eq3A_318, %roll3A_330, %roll3A_332 : vector<4x8192xi1>, vector<4x8192xi32>
    %gt3A_335 = arith.cmpf ogt, %select_n3A_311, %select_n3A_333 : vector<4x8192xf32>
    %eq3A_336 = arith.cmpf oeq, %select_n3A_311, %select_n3A_333 : vector<4x8192xf32>
    %lt3A_337 = arith.cmpi slt, %select_n3A_312, %select_n3A_334 : vector<4x8192xi32>
    %and3A_338 = arith.andi %eq3A_336, %lt3A_337 : vector<4x8192xi1>
    %or3A_339 = arith.ori %gt3A_335, %and3A_338 : vector<4x8192xi1>
    %eq3A_340 = arith.xori %eq3A_324, %eq3A_318 : vector<4x8192xi1>
    %eq3A_341 = arith.constant dense<true> : vector<4x8192xi1>
    %eq3A_342 = arith.xori %eq3A_340, %eq3A_341 : vector<4x8192xi1>
    %eq3A_343 = arith.xori %eq3A_342, %or3A_339 : vector<4x8192xi1>
    %eq3A_344 = arith.constant dense<true> : vector<4x8192xi1>
    %eq3A_345 = arith.xori %eq3A_343, %eq3A_344 : vector<4x8192xi1>
    %select_n3A_346 = arith.select %eq3A_345, %select_n3A_311, %select_n3A_333 : vector<4x8192xi1>, vector<4x8192xf32>
    %select_n3A_347 = arith.select %eq3A_345, %select_n3A_312, %select_n3A_334 : vector<4x8192xi1>, vector<4x8192xi32>
    %and3A_348 = arith.constant 16 : i32
    %and3A_349 = vector.broadcast %and3A_348 : i32 to vector<4x8192xi32>
    %and3A_350 = arith.andi %iota3A_4, %and3A_349 : vector<4x8192xi32>
    %eq3A_351 = arith.constant 0 : i32
    %eq3A_352 = vector.broadcast %eq3A_351 : i32 to vector<4x8192xi32>
    %eq3A_353 = arith.cmpi eq, %and3A_350, %eq3A_352 : vector<4x8192xi32>
    %and3A_354 = arith.constant 32 : i32
    %and3A_355 = vector.broadcast %and3A_354 : i32 to vector<4x8192xi32>
    %and3A_356 = arith.andi %iota3A_4, %and3A_355 : vector<4x8192xi32>
    %eq3A_357 = arith.constant 0 : i32
    %eq3A_358 = vector.broadcast %eq3A_357 : i32 to vector<4x8192xi32>
    %eq3A_359 = arith.cmpi eq, %and3A_356, %eq3A_358 : vector<4x8192xi32>
    %roll3A_360 = arith.constant 8176 : i32
    %roll3A_361 = tpu.dynamic_rotate %select_n3A_346 by %roll3A_360 dim 1 : vector<4x8192xf32>, i32 -> vector<4x8192xf32>
    %roll3A_362 = arith.constant 16 : i32
    %roll3A_363 = tpu.dynamic_rotate %select_n3A_346 by %roll3A_362 dim 1 : vector<4x8192xf32>, i32 -> vector<4x8192xf32>
    %roll3A_364 = arith.constant 8176 : i32
    %roll3A_365 = tpu.dynamic_rotate %select_n3A_347 by %roll3A_364 dim 1 : vector<4x8192xi32>, i32 -> vector<4x8192xi32>
    %roll3A_366 = arith.constant 16 : i32
    %roll3A_367 = tpu.dynamic_rotate %select_n3A_347 by %roll3A_366 dim 1 : vector<4x8192xi32>, i32 -> vector<4x8192xi32>
    %select_n3A_368 = arith.select %eq3A_353, %roll3A_361, %roll3A_363 : vector<4x8192xi1>, vector<4x8192xf32>
    %select_n3A_369 = arith.select %eq3A_353, %roll3A_365, %roll3A_367 : vector<4x8192xi1>, vector<4x8192xi32>
    %gt3A_370 = arith.cmpf ogt, %select_n3A_346, %select_n3A_368 : vector<4x8192xf32>
    %eq3A_371 = arith.cmpf oeq, %select_n3A_346, %select_n3A_368 : vector<4x8192xf32>
    %lt3A_372 = arith.cmpi slt, %select_n3A_347, %select_n3A_369 : vector<4x8192xi32>
    %and3A_373 = arith.andi %eq3A_371, %lt3A_372 : vector<4x8192xi1>
    %or3A_374 = arith.ori %gt3A_370, %and3A_373 : vector<4x8192xi1>
    %eq3A_375 = arith.xori %eq3A_359, %eq3A_353 : vector<4x8192xi1>
    %eq3A_376 = arith.constant dense<true> : vector<4x8192xi1>
    %eq3A_377 = arith.xori %eq3A_375, %eq3A_376 : vector<4x8192xi1>
    %eq3A_378 = arith.xori %eq3A_377, %or3A_374 : vector<4x8192xi1>
    %eq3A_379 = arith.constant dense<true> : vector<4x8192xi1>
    %eq3A_380 = arith.xori %eq3A_378, %eq3A_379 : vector<4x8192xi1>
    %select_n3A_381 = arith.select %eq3A_380, %select_n3A_346, %select_n3A_368 : vector<4x8192xi1>, vector<4x8192xf32>
    %select_n3A_382 = arith.select %eq3A_380, %select_n3A_347, %select_n3A_369 : vector<4x8192xi1>, vector<4x8192xi32>
    %and3A_383 = arith.constant 8 : i32
    %and3A_384 = vector.broadcast %and3A_383 : i32 to vector<4x8192xi32>
    %and3A_385 = arith.andi %iota3A_4, %and3A_384 : vector<4x8192xi32>
    %eq3A_386 = arith.constant 0 : i32
    %eq3A_387 = vector.broadcast %eq3A_386 : i32 to vector<4x8192xi32>
    %eq3A_388 = arith.cmpi eq, %and3A_385, %eq3A_387 : vector<4x8192xi32>
    %and3A_389 = arith.constant 32 : i32
    %and3A_390 = vector.broadcast %and3A_389 : i32 to vector<4x8192xi32>
    %and3A_391 = arith.andi %iota3A_4, %and3A_390 : vector<4x8192xi32>
    %eq3A_392 = arith.constant 0 : i32
    %eq3A_393 = vector.broadcast %eq3A_392 : i32 to vector<4x8192xi32>
    %eq3A_394 = arith.cmpi eq, %and3A_391, %eq3A_393 : vector<4x8192xi32>
    %roll3A_395 = arith.constant 8184 : i32
    %roll3A_396 = tpu.dynamic_rotate %select_n3A_381 by %roll3A_395 dim 1 : vector<4x8192xf32>, i32 -> vector<4x8192xf32>
    %roll3A_397 = arith.constant 8 : i32
    %roll3A_398 = tpu.dynamic_rotate %select_n3A_381 by %roll3A_397 dim 1 : vector<4x8192xf32>, i32 -> vector<4x8192xf32>
    %roll3A_399 = arith.constant 8184 : i32
    %roll3A_400 = tpu.dynamic_rotate %select_n3A_382 by %roll3A_399 dim 1 : vector<4x8192xi32>, i32 -> vector<4x8192xi32>
    %roll3A_401 = arith.constant 8 : i32
    %roll3A_402 = tpu.dynamic_rotate %select_n3A_382 by %roll3A_401 dim 1 : vector<4x8192xi32>, i32 -> vector<4x8192xi32>
    %select_n3A_403 = arith.select %eq3A_388, %roll3A_396, %roll3A_398 : vector<4x8192xi1>, vector<4x8192xf32>
    %select_n3A_404 = arith.select %eq3A_388, %roll3A_400, %roll3A_402 : vector<4x8192xi1>, vector<4x8192xi32>
    %gt3A_405 = arith.cmpf ogt, %select_n3A_381, %select_n3A_403 : vector<4x8192xf32>
    %eq3A_406 = arith.cmpf oeq, %select_n3A_381, %select_n3A_403 : vector<4x8192xf32>
    %lt3A_407 = arith.cmpi slt, %select_n3A_382, %select_n3A_404 : vector<4x8192xi32>
    %and3A_408 = arith.andi %eq3A_406, %lt3A_407 : vector<4x8192xi1>
    %or3A_409 = arith.ori %gt3A_405, %and3A_408 : vector<4x8192xi1>
    %eq3A_410 = arith.xori %eq3A_394, %eq3A_388 : vector<4x8192xi1>
    %eq3A_411 = arith.constant dense<true> : vector<4x8192xi1>
    %eq3A_412 = arith.xori %eq3A_410, %eq3A_411 : vector<4x8192xi1>
    %eq3A_413 = arith.xori %eq3A_412, %or3A_409 : vector<4x8192xi1>
    %eq3A_414 = arith.constant dense<true> : vector<4x8192xi1>
    %eq3A_415 = arith.xori %eq3A_413, %eq3A_414 : vector<4x8192xi1>
    %select_n3A_416 = arith.select %eq3A_415, %select_n3A_381, %select_n3A_403 : vector<4x8192xi1>, vector<4x8192xf32>
    %select_n3A_417 = arith.select %eq3A_415, %select_n3A_382, %select_n3A_404 : vector<4x8192xi1>, vector<4x8192xi32>
    %and3A_418 = arith.constant 4 : i32
    %and3A_419 = vector.broadcast %and3A_418 : i32 to vector<4x8192xi32>
    %and3A_420 = arith.andi %iota3A_4, %and3A_419 : vector<4x8192xi32>
    %eq3A_421 = arith.constant 0 : i32
    %eq3A_422 = vector.broadcast %eq3A_421 : i32 to vector<4x8192xi32>
    %eq3A_423 = arith.cmpi eq, %and3A_420, %eq3A_422 : vector<4x8192xi32>
    %and3A_424 = arith.constant 32 : i32
    %and3A_425 = vector.broadcast %and3A_424 : i32 to vector<4x8192xi32>
    %and3A_426 = arith.andi %iota3A_4, %and3A_425 : vector<4x8192xi32>
    %eq3A_427 = arith.constant 0 : i32
    %eq3A_428 = vector.broadcast %eq3A_427 : i32 to vector<4x8192xi32>
    %eq3A_429 = arith.cmpi eq, %and3A_426, %eq3A_428 : vector<4x8192xi32>
    %roll3A_430 = arith.constant 8188 : i32
    %roll3A_431 = tpu.dynamic_rotate %select_n3A_416 by %roll3A_430 dim 1 : vector<4x8192xf32>, i32 -> vector<4x8192xf32>
    %roll3A_432 = arith.constant 4 : i32
    %roll3A_433 = tpu.dynamic_rotate %select_n3A_416 by %roll3A_432 dim 1 : vector<4x8192xf32>, i32 -> vector<4x8192xf32>
    %roll3A_434 = arith.constant 8188 : i32
    %roll3A_435 = tpu.dynamic_rotate %select_n3A_417 by %roll3A_434 dim 1 : vector<4x8192xi32>, i32 -> vector<4x8192xi32>
    %roll3A_436 = arith.constant 4 : i32
    %roll3A_437 = tpu.dynamic_rotate %select_n3A_417 by %roll3A_436 dim 1 : vector<4x8192xi32>, i32 -> vector<4x8192xi32>
    %select_n3A_438 = arith.select %eq3A_423, %roll3A_431, %roll3A_433 : vector<4x8192xi1>, vector<4x8192xf32>
    %select_n3A_439 = arith.select %eq3A_423, %roll3A_435, %roll3A_437 : vector<4x8192xi1>, vector<4x8192xi32>
    %gt3A_440 = arith.cmpf ogt, %select_n3A_416, %select_n3A_438 : vector<4x8192xf32>
    %eq3A_441 = arith.cmpf oeq, %select_n3A_416, %select_n3A_438 : vector<4x8192xf32>
    %lt3A_442 = arith.cmpi slt, %select_n3A_417, %select_n3A_439 : vector<4x8192xi32>
    %and3A_443 = arith.andi %eq3A_441, %lt3A_442 : vector<4x8192xi1>
    %or3A_444 = arith.ori %gt3A_440, %and3A_443 : vector<4x8192xi1>
    %eq3A_445 = arith.xori %eq3A_429, %eq3A_423 : vector<4x8192xi1>
    %eq3A_446 = arith.constant dense<true> : vector<4x8192xi1>
    %eq3A_447 = arith.xori %eq3A_445, %eq3A_446 : vector<4x8192xi1>
    %eq3A_448 = arith.xori %eq3A_447, %or3A_444 : vector<4x8192xi1>
    %eq3A_449 = arith.constant dense<true> : vector<4x8192xi1>
    %eq3A_450 = arith.xori %eq3A_448, %eq3A_449 : vector<4x8192xi1>
    %select_n3A_451 = arith.select %eq3A_450, %select_n3A_416, %select_n3A_438 : vector<4x8192xi1>, vector<4x8192xf32>
    %select_n3A_452 = arith.select %eq3A_450, %select_n3A_417, %select_n3A_439 : vector<4x8192xi1>, vector<4x8192xi32>
    %and3A_453 = arith.constant 2 : i32
    %and3A_454 = vector.broadcast %and3A_453 : i32 to vector<4x8192xi32>
    %and3A_455 = arith.andi %iota3A_4, %and3A_454 : vector<4x8192xi32>
    %eq3A_456 = arith.constant 0 : i32
    %eq3A_457 = vector.broadcast %eq3A_456 : i32 to vector<4x8192xi32>
    %eq3A_458 = arith.cmpi eq, %and3A_455, %eq3A_457 : vector<4x8192xi32>
    %and3A_459 = arith.constant 32 : i32
    %and3A_460 = vector.broadcast %and3A_459 : i32 to vector<4x8192xi32>
    %and3A_461 = arith.andi %iota3A_4, %and3A_460 : vector<4x8192xi32>
    %eq3A_462 = arith.constant 0 : i32
    %eq3A_463 = vector.broadcast %eq3A_462 : i32 to vector<4x8192xi32>
    %eq3A_464 = arith.cmpi eq, %and3A_461, %eq3A_463 : vector<4x8192xi32>
    %roll3A_465 = arith.constant 8190 : i32
    %roll3A_466 = tpu.dynamic_rotate %select_n3A_451 by %roll3A_465 dim 1 : vector<4x8192xf32>, i32 -> vector<4x8192xf32>
    %roll3A_467 = arith.constant 2 : i32
    %roll3A_468 = tpu.dynamic_rotate %select_n3A_451 by %roll3A_467 dim 1 : vector<4x8192xf32>, i32 -> vector<4x8192xf32>
    %roll3A_469 = arith.constant 8190 : i32
    %roll3A_470 = tpu.dynamic_rotate %select_n3A_452 by %roll3A_469 dim 1 : vector<4x8192xi32>, i32 -> vector<4x8192xi32>
    %roll3A_471 = arith.constant 2 : i32
    %roll3A_472 = tpu.dynamic_rotate %select_n3A_452 by %roll3A_471 dim 1 : vector<4x8192xi32>, i32 -> vector<4x8192xi32>
    %select_n3A_473 = arith.select %eq3A_458, %roll3A_466, %roll3A_468 : vector<4x8192xi1>, vector<4x8192xf32>
    %select_n3A_474 = arith.select %eq3A_458, %roll3A_470, %roll3A_472 : vector<4x8192xi1>, vector<4x8192xi32>
    %gt3A_475 = arith.cmpf ogt, %select_n3A_451, %select_n3A_473 : vector<4x8192xf32>
    %eq3A_476 = arith.cmpf oeq, %select_n3A_451, %select_n3A_473 : vector<4x8192xf32>
    %lt3A_477 = arith.cmpi slt, %select_n3A_452, %select_n3A_474 : vector<4x8192xi32>
    %and3A_478 = arith.andi %eq3A_476, %lt3A_477 : vector<4x8192xi1>
    %or3A_479 = arith.ori %gt3A_475, %and3A_478 : vector<4x8192xi1>
    %eq3A_480 = arith.xori %eq3A_464, %eq3A_458 : vector<4x8192xi1>
    %eq3A_481 = arith.constant dense<true> : vector<4x8192xi1>
    %eq3A_482 = arith.xori %eq3A_480, %eq3A_481 : vector<4x8192xi1>
    %eq3A_483 = arith.xori %eq3A_482, %or3A_479 : vector<4x8192xi1>
    %eq3A_484 = arith.constant dense<true> : vector<4x8192xi1>
    %eq3A_485 = arith.xori %eq3A_483, %eq3A_484 : vector<4x8192xi1>
    %select_n3A_486 = arith.select %eq3A_485, %select_n3A_451, %select_n3A_473 : vector<4x8192xi1>, vector<4x8192xf32>
    %select_n3A_487 = arith.select %eq3A_485, %select_n3A_452, %select_n3A_474 : vector<4x8192xi1>, vector<4x8192xi32>
    %and3A_488 = arith.constant 1 : i32
    %and3A_489 = vector.broadcast %and3A_488 : i32 to vector<4x8192xi32>
    %and3A_490 = arith.andi %iota3A_4, %and3A_489 : vector<4x8192xi32>
    %eq3A_491 = arith.constant 0 : i32
    %eq3A_492 = vector.broadcast %eq3A_491 : i32 to vector<4x8192xi32>
    %eq3A_493 = arith.cmpi eq, %and3A_490, %eq3A_492 : vector<4x8192xi32>
    %and3A_494 = arith.constant 32 : i32
    %and3A_495 = vector.broadcast %and3A_494 : i32 to vector<4x8192xi32>
    %and3A_496 = arith.andi %iota3A_4, %and3A_495 : vector<4x8192xi32>
    %eq3A_497 = arith.constant 0 : i32
    %eq3A_498 = vector.broadcast %eq3A_497 : i32 to vector<4x8192xi32>
    %eq3A_499 = arith.cmpi eq, %and3A_496, %eq3A_498 : vector<4x8192xi32>
    %roll3A_500 = arith.constant 8191 : i32
    %roll3A_501 = tpu.dynamic_rotate %select_n3A_486 by %roll3A_500 dim 1 : vector<4x8192xf32>, i32 -> vector<4x8192xf32>
    %roll3A_502 = arith.constant 1 : i32
    %roll3A_503 = tpu.dynamic_rotate %select_n3A_486 by %roll3A_502 dim 1 : vector<4x8192xf32>, i32 -> vector<4x8192xf32>
    %roll3A_504 = arith.constant 8191 : i32
    %roll3A_505 = tpu.dynamic_rotate %select_n3A_487 by %roll3A_504 dim 1 : vector<4x8192xi32>, i32 -> vector<4x8192xi32>
    %roll3A_506 = arith.constant 1 : i32
    %roll3A_507 = tpu.dynamic_rotate %select_n3A_487 by %roll3A_506 dim 1 : vector<4x8192xi32>, i32 -> vector<4x8192xi32>
    %select_n3A_508 = arith.select %eq3A_493, %roll3A_501, %roll3A_503 : vector<4x8192xi1>, vector<4x8192xf32>
    %select_n3A_509 = arith.select %eq3A_493, %roll3A_505, %roll3A_507 : vector<4x8192xi1>, vector<4x8192xi32>
    %gt3A_510 = arith.cmpf ogt, %select_n3A_486, %select_n3A_508 : vector<4x8192xf32>
    %eq3A_511 = arith.cmpf oeq, %select_n3A_486, %select_n3A_508 : vector<4x8192xf32>
    %lt3A_512 = arith.cmpi slt, %select_n3A_487, %select_n3A_509 : vector<4x8192xi32>
    %and3A_513 = arith.andi %eq3A_511, %lt3A_512 : vector<4x8192xi1>
    %or3A_514 = arith.ori %gt3A_510, %and3A_513 : vector<4x8192xi1>
    %eq3A_515 = arith.xori %eq3A_499, %eq3A_493 : vector<4x8192xi1>
    %eq3A_516 = arith.constant dense<true> : vector<4x8192xi1>
    %eq3A_517 = arith.xori %eq3A_515, %eq3A_516 : vector<4x8192xi1>
    %eq3A_518 = arith.xori %eq3A_517, %or3A_514 : vector<4x8192xi1>
    %eq3A_519 = arith.constant dense<true> : vector<4x8192xi1>
    %eq3A_520 = arith.xori %eq3A_518, %eq3A_519 : vector<4x8192xi1>
    %select_n3A_521 = arith.select %eq3A_520, %select_n3A_486, %select_n3A_508 : vector<4x8192xi1>, vector<4x8192xf32>
    %select_n3A_522 = arith.select %eq3A_520, %select_n3A_487, %select_n3A_509 : vector<4x8192xi1>, vector<4x8192xi32>
    %and3A_523 = arith.constant 32 : i32
    %and3A_524 = vector.broadcast %and3A_523 : i32 to vector<4x8192xi32>
    %and3A_525 = arith.andi %iota3A_4, %and3A_524 : vector<4x8192xi32>
    %eq3A_526 = arith.constant 0 : i32
    %eq3A_527 = vector.broadcast %eq3A_526 : i32 to vector<4x8192xi32>
    %eq3A_528 = arith.cmpi eq, %and3A_525, %eq3A_527 : vector<4x8192xi32>
    %and3A_529 = arith.constant 64 : i32
    %and3A_530 = vector.broadcast %and3A_529 : i32 to vector<4x8192xi32>
    %and3A_531 = arith.andi %iota3A_4, %and3A_530 : vector<4x8192xi32>
    %eq3A_532 = arith.constant 0 : i32
    %eq3A_533 = vector.broadcast %eq3A_532 : i32 to vector<4x8192xi32>
    %eq3A_534 = arith.cmpi eq, %and3A_531, %eq3A_533 : vector<4x8192xi32>
    %roll3A_535 = arith.constant 8160 : i32
    %roll3A_536 = tpu.dynamic_rotate %select_n3A_521 by %roll3A_535 dim 1 : vector<4x8192xf32>, i32 -> vector<4x8192xf32>
    %roll3A_537 = arith.constant 32 : i32
    %roll3A_538 = tpu.dynamic_rotate %select_n3A_521 by %roll3A_537 dim 1 : vector<4x8192xf32>, i32 -> vector<4x8192xf32>
    %roll3A_539 = arith.constant 8160 : i32
    %roll3A_540 = tpu.dynamic_rotate %select_n3A_522 by %roll3A_539 dim 1 : vector<4x8192xi32>, i32 -> vector<4x8192xi32>
    %roll3A_541 = arith.constant 32 : i32
    %roll3A_542 = tpu.dynamic_rotate %select_n3A_522 by %roll3A_541 dim 1 : vector<4x8192xi32>, i32 -> vector<4x8192xi32>
    %select_n3A_543 = arith.select %eq3A_528, %roll3A_536, %roll3A_538 : vector<4x8192xi1>, vector<4x8192xf32>
    %select_n3A_544 = arith.select %eq3A_528, %roll3A_540, %roll3A_542 : vector<4x8192xi1>, vector<4x8192xi32>
    %gt3A_545 = arith.cmpf ogt, %select_n3A_521, %select_n3A_543 : vector<4x8192xf32>
    %eq3A_546 = arith.cmpf oeq, %select_n3A_521, %select_n3A_543 : vector<4x8192xf32>
    %lt3A_547 = arith.cmpi slt, %select_n3A_522, %select_n3A_544 : vector<4x8192xi32>
    %and3A_548 = arith.andi %eq3A_546, %lt3A_547 : vector<4x8192xi1>
    %or3A_549 = arith.ori %gt3A_545, %and3A_548 : vector<4x8192xi1>
    %eq3A_550 = arith.xori %eq3A_534, %eq3A_528 : vector<4x8192xi1>
    %eq3A_551 = arith.constant dense<true> : vector<4x8192xi1>
    %eq3A_552 = arith.xori %eq3A_550, %eq3A_551 : vector<4x8192xi1>
    %eq3A_553 = arith.xori %eq3A_552, %or3A_549 : vector<4x8192xi1>
    %eq3A_554 = arith.constant dense<true> : vector<4x8192xi1>
    %eq3A_555 = arith.xori %eq3A_553, %eq3A_554 : vector<4x8192xi1>
    %select_n3A_556 = arith.select %eq3A_555, %select_n3A_521, %select_n3A_543 : vector<4x8192xi1>, vector<4x8192xf32>
    %select_n3A_557 = arith.select %eq3A_555, %select_n3A_522, %select_n3A_544 : vector<4x8192xi1>, vector<4x8192xi32>
    %and3A_558 = arith.constant 16 : i32
    %and3A_559 = vector.broadcast %and3A_558 : i32 to vector<4x8192xi32>
    %and3A_560 = arith.andi %iota3A_4, %and3A_559 : vector<4x8192xi32>
    %eq3A_561 = arith.constant 0 : i32
    %eq3A_562 = vector.broadcast %eq3A_561 : i32 to vector<4x8192xi32>
    %eq3A_563 = arith.cmpi eq, %and3A_560, %eq3A_562 : vector<4x8192xi32>
    %and3A_564 = arith.constant 64 : i32
    %and3A_565 = vector.broadcast %and3A_564 : i32 to vector<4x8192xi32>
    %and3A_566 = arith.andi %iota3A_4, %and3A_565 : vector<4x8192xi32>
    %eq3A_567 = arith.constant 0 : i32
    %eq3A_568 = vector.broadcast %eq3A_567 : i32 to vector<4x8192xi32>
    %eq3A_569 = arith.cmpi eq, %and3A_566, %eq3A_568 : vector<4x8192xi32>
    %roll3A_570 = arith.constant 8176 : i32
    %roll3A_571 = tpu.dynamic_rotate %select_n3A_556 by %roll3A_570 dim 1 : vector<4x8192xf32>, i32 -> vector<4x8192xf32>
    %roll3A_572 = arith.constant 16 : i32
    %roll3A_573 = tpu.dynamic_rotate %select_n3A_556 by %roll3A_572 dim 1 : vector<4x8192xf32>, i32 -> vector<4x8192xf32>
    %roll3A_574 = arith.constant 8176 : i32
    %roll3A_575 = tpu.dynamic_rotate %select_n3A_557 by %roll3A_574 dim 1 : vector<4x8192xi32>, i32 -> vector<4x8192xi32>
    %roll3A_576 = arith.constant 16 : i32
    %roll3A_577 = tpu.dynamic_rotate %select_n3A_557 by %roll3A_576 dim 1 : vector<4x8192xi32>, i32 -> vector<4x8192xi32>
    %select_n3A_578 = arith.select %eq3A_563, %roll3A_571, %roll3A_573 : vector<4x8192xi1>, vector<4x8192xf32>
    %select_n3A_579 = arith.select %eq3A_563, %roll3A_575, %roll3A_577 : vector<4x8192xi1>, vector<4x8192xi32>
    %gt3A_580 = arith.cmpf ogt, %select_n3A_556, %select_n3A_578 : vector<4x8192xf32>
    %eq3A_581 = arith.cmpf oeq, %select_n3A_556, %select_n3A_578 : vector<4x8192xf32>
    %lt3A_582 = arith.cmpi slt, %select_n3A_557, %select_n3A_579 : vector<4x8192xi32>
    %and3A_583 = arith.andi %eq3A_581, %lt3A_582 : vector<4x8192xi1>
    %or3A_584 = arith.ori %gt3A_580, %and3A_583 : vector<4x8192xi1>
    %eq3A_585 = arith.xori %eq3A_569, %eq3A_563 : vector<4x8192xi1>
    %eq3A_586 = arith.constant dense<true> : vector<4x8192xi1>
    %eq3A_587 = arith.xori %eq3A_585, %eq3A_586 : vector<4x8192xi1>
    %eq3A_588 = arith.xori %eq3A_587, %or3A_584 : vector<4x8192xi1>
    %eq3A_589 = arith.constant dense<true> : vector<4x8192xi1>
    %eq3A_590 = arith.xori %eq3A_588, %eq3A_589 : vector<4x8192xi1>
    %select_n3A_591 = arith.select %eq3A_590, %select_n3A_556, %select_n3A_578 : vector<4x8192xi1>, vector<4x8192xf32>
    %select_n3A_592 = arith.select %eq3A_590, %select_n3A_557, %select_n3A_579 : vector<4x8192xi1>, vector<4x8192xi32>
    %and3A_593 = arith.constant 8 : i32
    %and3A_594 = vector.broadcast %and3A_593 : i32 to vector<4x8192xi32>
    %and3A_595 = arith.andi %iota3A_4, %and3A_594 : vector<4x8192xi32>
    %eq3A_596 = arith.constant 0 : i32
    %eq3A_597 = vector.broadcast %eq3A_596 : i32 to vector<4x8192xi32>
    %eq3A_598 = arith.cmpi eq, %and3A_595, %eq3A_597 : vector<4x8192xi32>
    %and3A_599 = arith.constant 64 : i32
    %and3A_600 = vector.broadcast %and3A_599 : i32 to vector<4x8192xi32>
    %and3A_601 = arith.andi %iota3A_4, %and3A_600 : vector<4x8192xi32>
    %eq3A_602 = arith.constant 0 : i32
    %eq3A_603 = vector.broadcast %eq3A_602 : i32 to vector<4x8192xi32>
    %eq3A_604 = arith.cmpi eq, %and3A_601, %eq3A_603 : vector<4x8192xi32>
    %roll3A_605 = arith.constant 8184 : i32
    %roll3A_606 = tpu.dynamic_rotate %select_n3A_591 by %roll3A_605 dim 1 : vector<4x8192xf32>, i32 -> vector<4x8192xf32>
    %roll3A_607 = arith.constant 8 : i32
    %roll3A_608 = tpu.dynamic_rotate %select_n3A_591 by %roll3A_607 dim 1 : vector<4x8192xf32>, i32 -> vector<4x8192xf32>
    %roll3A_609 = arith.constant 8184 : i32
    %roll3A_610 = tpu.dynamic_rotate %select_n3A_592 by %roll3A_609 dim 1 : vector<4x8192xi32>, i32 -> vector<4x8192xi32>
    %roll3A_611 = arith.constant 8 : i32
    %roll3A_612 = tpu.dynamic_rotate %select_n3A_592 by %roll3A_611 dim 1 : vector<4x8192xi32>, i32 -> vector<4x8192xi32>
    %select_n3A_613 = arith.select %eq3A_598, %roll3A_606, %roll3A_608 : vector<4x8192xi1>, vector<4x8192xf32>
    %select_n3A_614 = arith.select %eq3A_598, %roll3A_610, %roll3A_612 : vector<4x8192xi1>, vector<4x8192xi32>
    %gt3A_615 = arith.cmpf ogt, %select_n3A_591, %select_n3A_613 : vector<4x8192xf32>
    %eq3A_616 = arith.cmpf oeq, %select_n3A_591, %select_n3A_613 : vector<4x8192xf32>
    %lt3A_617 = arith.cmpi slt, %select_n3A_592, %select_n3A_614 : vector<4x8192xi32>
    %and3A_618 = arith.andi %eq3A_616, %lt3A_617 : vector<4x8192xi1>
    %or3A_619 = arith.ori %gt3A_615, %and3A_618 : vector<4x8192xi1>
    %eq3A_620 = arith.xori %eq3A_604, %eq3A_598 : vector<4x8192xi1>
    %eq3A_621 = arith.constant dense<true> : vector<4x8192xi1>
    %eq3A_622 = arith.xori %eq3A_620, %eq3A_621 : vector<4x8192xi1>
    %eq3A_623 = arith.xori %eq3A_622, %or3A_619 : vector<4x8192xi1>
    %eq3A_624 = arith.constant dense<true> : vector<4x8192xi1>
    %eq3A_625 = arith.xori %eq3A_623, %eq3A_624 : vector<4x8192xi1>
    %select_n3A_626 = arith.select %eq3A_625, %select_n3A_591, %select_n3A_613 : vector<4x8192xi1>, vector<4x8192xf32>
    %select_n3A_627 = arith.select %eq3A_625, %select_n3A_592, %select_n3A_614 : vector<4x8192xi1>, vector<4x8192xi32>
    %and3A_628 = arith.constant 4 : i32
    %and3A_629 = vector.broadcast %and3A_628 : i32 to vector<4x8192xi32>
    %and3A_630 = arith.andi %iota3A_4, %and3A_629 : vector<4x8192xi32>
    %eq3A_631 = arith.constant 0 : i32
    %eq3A_632 = vector.broadcast %eq3A_631 : i32 to vector<4x8192xi32>
    %eq3A_633 = arith.cmpi eq, %and3A_630, %eq3A_632 : vector<4x8192xi32>
    %and3A_634 = arith.constant 64 : i32
    %and3A_635 = vector.broadcast %and3A_634 : i32 to vector<4x8192xi32>
    %and3A_636 = arith.andi %iota3A_4, %and3A_635 : vector<4x8192xi32>
    %eq3A_637 = arith.constant 0 : i32
    %eq3A_638 = vector.broadcast %eq3A_637 : i32 to vector<4x8192xi32>
    %eq3A_639 = arith.cmpi eq, %and3A_636, %eq3A_638 : vector<4x8192xi32>
    %roll3A_640 = arith.constant 8188 : i32
    %roll3A_641 = tpu.dynamic_rotate %select_n3A_626 by %roll3A_640 dim 1 : vector<4x8192xf32>, i32 -> vector<4x8192xf32>
    %roll3A_642 = arith.constant 4 : i32
    %roll3A_643 = tpu.dynamic_rotate %select_n3A_626 by %roll3A_642 dim 1 : vector<4x8192xf32>, i32 -> vector<4x8192xf32>
    %roll3A_644 = arith.constant 8188 : i32
    %roll3A_645 = tpu.dynamic_rotate %select_n3A_627 by %roll3A_644 dim 1 : vector<4x8192xi32>, i32 -> vector<4x8192xi32>
    %roll3A_646 = arith.constant 4 : i32
    %roll3A_647 = tpu.dynamic_rotate %select_n3A_627 by %roll3A_646 dim 1 : vector<4x8192xi32>, i32 -> vector<4x8192xi32>
    %select_n3A_648 = arith.select %eq3A_633, %roll3A_641, %roll3A_643 : vector<4x8192xi1>, vector<4x8192xf32>
    %select_n3A_649 = arith.select %eq3A_633, %roll3A_645, %roll3A_647 : vector<4x8192xi1>, vector<4x8192xi32>
    %gt3A_650 = arith.cmpf ogt, %select_n3A_626, %select_n3A_648 : vector<4x8192xf32>
    %eq3A_651 = arith.cmpf oeq, %select_n3A_626, %select_n3A_648 : vector<4x8192xf32>
    %lt3A_652 = arith.cmpi slt, %select_n3A_627, %select_n3A_649 : vector<4x8192xi32>
    %and3A_653 = arith.andi %eq3A_651, %lt3A_652 : vector<4x8192xi1>
    %or3A_654 = arith.ori %gt3A_650, %and3A_653 : vector<4x8192xi1>
    %eq3A_655 = arith.xori %eq3A_639, %eq3A_633 : vector<4x8192xi1>
    %eq3A_656 = arith.constant dense<true> : vector<4x8192xi1>
    %eq3A_657 = arith.xori %eq3A_655, %eq3A_656 : vector<4x8192xi1>
    %eq3A_658 = arith.xori %eq3A_657, %or3A_654 : vector<4x8192xi1>
    %eq3A_659 = arith.constant dense<true> : vector<4x8192xi1>
    %eq3A_660 = arith.xori %eq3A_658, %eq3A_659 : vector<4x8192xi1>
    %select_n3A_661 = arith.select %eq3A_660, %select_n3A_626, %select_n3A_648 : vector<4x8192xi1>, vector<4x8192xf32>
    %select_n3A_662 = arith.select %eq3A_660, %select_n3A_627, %select_n3A_649 : vector<4x8192xi1>, vector<4x8192xi32>
    %and3A_663 = arith.constant 2 : i32
    %and3A_664 = vector.broadcast %and3A_663 : i32 to vector<4x8192xi32>
    %and3A_665 = arith.andi %iota3A_4, %and3A_664 : vector<4x8192xi32>
    %eq3A_666 = arith.constant 0 : i32
    %eq3A_667 = vector.broadcast %eq3A_666 : i32 to vector<4x8192xi32>
    %eq3A_668 = arith.cmpi eq, %and3A_665, %eq3A_667 : vector<4x8192xi32>
    %and3A_669 = arith.constant 64 : i32
    %and3A_670 = vector.broadcast %and3A_669 : i32 to vector<4x8192xi32>
    %and3A_671 = arith.andi %iota3A_4, %and3A_670 : vector<4x8192xi32>
    %eq3A_672 = arith.constant 0 : i32
    %eq3A_673 = vector.broadcast %eq3A_672 : i32 to vector<4x8192xi32>
    %eq3A_674 = arith.cmpi eq, %and3A_671, %eq3A_673 : vector<4x8192xi32>
    %roll3A_675 = arith.constant 8190 : i32
    %roll3A_676 = tpu.dynamic_rotate %select_n3A_661 by %roll3A_675 dim 1 : vector<4x8192xf32>, i32 -> vector<4x8192xf32>
    %roll3A_677 = arith.constant 2 : i32
    %roll3A_678 = tpu.dynamic_rotate %select_n3A_661 by %roll3A_677 dim 1 : vector<4x8192xf32>, i32 -> vector<4x8192xf32>
    %roll3A_679 = arith.constant 8190 : i32
    %roll3A_680 = tpu.dynamic_rotate %select_n3A_662 by %roll3A_679 dim 1 : vector<4x8192xi32>, i32 -> vector<4x8192xi32>
    %roll3A_681 = arith.constant 2 : i32
    %roll3A_682 = tpu.dynamic_rotate %select_n3A_662 by %roll3A_681 dim 1 : vector<4x8192xi32>, i32 -> vector<4x8192xi32>
    %select_n3A_683 = arith.select %eq3A_668, %roll3A_676, %roll3A_678 : vector<4x8192xi1>, vector<4x8192xf32>
    %select_n3A_684 = arith.select %eq3A_668, %roll3A_680, %roll3A_682 : vector<4x8192xi1>, vector<4x8192xi32>
    %gt3A_685 = arith.cmpf ogt, %select_n3A_661, %select_n3A_683 : vector<4x8192xf32>
    %eq3A_686 = arith.cmpf oeq, %select_n3A_661, %select_n3A_683 : vector<4x8192xf32>
    %lt3A_687 = arith.cmpi slt, %select_n3A_662, %select_n3A_684 : vector<4x8192xi32>
    %and3A_688 = arith.andi %eq3A_686, %lt3A_687 : vector<4x8192xi1>
    %or3A_689 = arith.ori %gt3A_685, %and3A_688 : vector<4x8192xi1>
    %eq3A_690 = arith.xori %eq3A_674, %eq3A_668 : vector<4x8192xi1>
    %eq3A_691 = arith.constant dense<true> : vector<4x8192xi1>
    %eq3A_692 = arith.xori %eq3A_690, %eq3A_691 : vector<4x8192xi1>
    %eq3A_693 = arith.xori %eq3A_692, %or3A_689 : vector<4x8192xi1>
    %eq3A_694 = arith.constant dense<true> : vector<4x8192xi1>
    %eq3A_695 = arith.xori %eq3A_693, %eq3A_694 : vector<4x8192xi1>
    %select_n3A_696 = arith.select %eq3A_695, %select_n3A_661, %select_n3A_683 : vector<4x8192xi1>, vector<4x8192xf32>
    %select_n3A_697 = arith.select %eq3A_695, %select_n3A_662, %select_n3A_684 : vector<4x8192xi1>, vector<4x8192xi32>
    %and3A_698 = arith.constant 1 : i32
    %and3A_699 = vector.broadcast %and3A_698 : i32 to vector<4x8192xi32>
    %and3A_700 = arith.andi %iota3A_4, %and3A_699 : vector<4x8192xi32>
    %eq3A_701 = arith.constant 0 : i32
    %eq3A_702 = vector.broadcast %eq3A_701 : i32 to vector<4x8192xi32>
    %eq3A_703 = arith.cmpi eq, %and3A_700, %eq3A_702 : vector<4x8192xi32>
    %and3A_704 = arith.constant 64 : i32
    %and3A_705 = vector.broadcast %and3A_704 : i32 to vector<4x8192xi32>
    %and3A_706 = arith.andi %iota3A_4, %and3A_705 : vector<4x8192xi32>
    %eq3A_707 = arith.constant 0 : i32
    %eq3A_708 = vector.broadcast %eq3A_707 : i32 to vector<4x8192xi32>
    %eq3A_709 = arith.cmpi eq, %and3A_706, %eq3A_708 : vector<4x8192xi32>
    %roll3A_710 = arith.constant 8191 : i32
    %roll3A_711 = tpu.dynamic_rotate %select_n3A_696 by %roll3A_710 dim 1 : vector<4x8192xf32>, i32 -> vector<4x8192xf32>
    %roll3A_712 = arith.constant 1 : i32
    %roll3A_713 = tpu.dynamic_rotate %select_n3A_696 by %roll3A_712 dim 1 : vector<4x8192xf32>, i32 -> vector<4x8192xf32>
    %roll3A_714 = arith.constant 8191 : i32
    %roll3A_715 = tpu.dynamic_rotate %select_n3A_697 by %roll3A_714 dim 1 : vector<4x8192xi32>, i32 -> vector<4x8192xi32>
    %roll3A_716 = arith.constant 1 : i32
    %roll3A_717 = tpu.dynamic_rotate %select_n3A_697 by %roll3A_716 dim 1 : vector<4x8192xi32>, i32 -> vector<4x8192xi32>
    %select_n3A_718 = arith.select %eq3A_703, %roll3A_711, %roll3A_713 : vector<4x8192xi1>, vector<4x8192xf32>
    %select_n3A_719 = arith.select %eq3A_703, %roll3A_715, %roll3A_717 : vector<4x8192xi1>, vector<4x8192xi32>
    %gt3A_720 = arith.cmpf ogt, %select_n3A_696, %select_n3A_718 : vector<4x8192xf32>
    %eq3A_721 = arith.cmpf oeq, %select_n3A_696, %select_n3A_718 : vector<4x8192xf32>
    %lt3A_722 = arith.cmpi slt, %select_n3A_697, %select_n3A_719 : vector<4x8192xi32>
    %and3A_723 = arith.andi %eq3A_721, %lt3A_722 : vector<4x8192xi1>
    %or3A_724 = arith.ori %gt3A_720, %and3A_723 : vector<4x8192xi1>
    %eq3A_725 = arith.xori %eq3A_709, %eq3A_703 : vector<4x8192xi1>
    %eq3A_726 = arith.constant dense<true> : vector<4x8192xi1>
    %eq3A_727 = arith.xori %eq3A_725, %eq3A_726 : vector<4x8192xi1>
    %eq3A_728 = arith.xori %eq3A_727, %or3A_724 : vector<4x8192xi1>
    %eq3A_729 = arith.constant dense<true> : vector<4x8192xi1>
    %eq3A_730 = arith.xori %eq3A_728, %eq3A_729 : vector<4x8192xi1>
    %select_n3A_731 = arith.select %eq3A_730, %select_n3A_696, %select_n3A_718 : vector<4x8192xi1>, vector<4x8192xf32>
    %select_n3A_732 = arith.select %eq3A_730, %select_n3A_697, %select_n3A_719 : vector<4x8192xi1>, vector<4x8192xi32>
    %and3A_733 = arith.constant 64 : i32
    %and3A_734 = vector.broadcast %and3A_733 : i32 to vector<4x8192xi32>
    %and3A_735 = arith.andi %iota3A_4, %and3A_734 : vector<4x8192xi32>
    %eq3A_736 = arith.constant 0 : i32
    %eq3A_737 = vector.broadcast %eq3A_736 : i32 to vector<4x8192xi32>
    %eq3A_738 = arith.cmpi eq, %and3A_735, %eq3A_737 : vector<4x8192xi32>
    %and3A_739 = arith.constant 128 : i32
    %and3A_740 = vector.broadcast %and3A_739 : i32 to vector<4x8192xi32>
    %and3A_741 = arith.andi %iota3A_4, %and3A_740 : vector<4x8192xi32>
    %eq3A_742 = arith.constant 0 : i32
    %eq3A_743 = vector.broadcast %eq3A_742 : i32 to vector<4x8192xi32>
    %eq3A_744 = arith.cmpi eq, %and3A_741, %eq3A_743 : vector<4x8192xi32>
    %roll3A_745 = arith.constant 8128 : i32
    %roll3A_746 = tpu.dynamic_rotate %select_n3A_731 by %roll3A_745 dim 1 : vector<4x8192xf32>, i32 -> vector<4x8192xf32>
    %roll3A_747 = arith.constant 64 : i32
    %roll3A_748 = tpu.dynamic_rotate %select_n3A_731 by %roll3A_747 dim 1 : vector<4x8192xf32>, i32 -> vector<4x8192xf32>
    %roll3A_749 = arith.constant 8128 : i32
    %roll3A_750 = tpu.dynamic_rotate %select_n3A_732 by %roll3A_749 dim 1 : vector<4x8192xi32>, i32 -> vector<4x8192xi32>
    %roll3A_751 = arith.constant 64 : i32
    %roll3A_752 = tpu.dynamic_rotate %select_n3A_732 by %roll3A_751 dim 1 : vector<4x8192xi32>, i32 -> vector<4x8192xi32>
    %select_n3A_753 = arith.select %eq3A_738, %roll3A_746, %roll3A_748 : vector<4x8192xi1>, vector<4x8192xf32>
    %select_n3A_754 = arith.select %eq3A_738, %roll3A_750, %roll3A_752 : vector<4x8192xi1>, vector<4x8192xi32>
    %gt3A_755 = arith.cmpf ogt, %select_n3A_731, %select_n3A_753 : vector<4x8192xf32>
    %eq3A_756 = arith.cmpf oeq, %select_n3A_731, %select_n3A_753 : vector<4x8192xf32>
    %lt3A_757 = arith.cmpi slt, %select_n3A_732, %select_n3A_754 : vector<4x8192xi32>
    %and3A_758 = arith.andi %eq3A_756, %lt3A_757 : vector<4x8192xi1>
    %or3A_759 = arith.ori %gt3A_755, %and3A_758 : vector<4x8192xi1>
    %eq3A_760 = arith.xori %eq3A_744, %eq3A_738 : vector<4x8192xi1>
    %eq3A_761 = arith.constant dense<true> : vector<4x8192xi1>
    %eq3A_762 = arith.xori %eq3A_760, %eq3A_761 : vector<4x8192xi1>
    %eq3A_763 = arith.xori %eq3A_762, %or3A_759 : vector<4x8192xi1>
    %eq3A_764 = arith.constant dense<true> : vector<4x8192xi1>
    %eq3A_765 = arith.xori %eq3A_763, %eq3A_764 : vector<4x8192xi1>
    %select_n3A_766 = arith.select %eq3A_765, %select_n3A_731, %select_n3A_753 : vector<4x8192xi1>, vector<4x8192xf32>
    %select_n3A_767 = arith.select %eq3A_765, %select_n3A_732, %select_n3A_754 : vector<4x8192xi1>, vector<4x8192xi32>
    %and3A_768 = arith.constant 32 : i32
    %and3A_769 = vector.broadcast %and3A_768 : i32 to vector<4x8192xi32>
    %and3A_770 = arith.andi %iota3A_4, %and3A_769 : vector<4x8192xi32>
    %eq3A_771 = arith.constant 0 : i32
    %eq3A_772 = vector.broadcast %eq3A_771 : i32 to vector<4x8192xi32>
    %eq3A_773 = arith.cmpi eq, %and3A_770, %eq3A_772 : vector<4x8192xi32>
    %and3A_774 = arith.constant 128 : i32
    %and3A_775 = vector.broadcast %and3A_774 : i32 to vector<4x8192xi32>
    %and3A_776 = arith.andi %iota3A_4, %and3A_775 : vector<4x8192xi32>
    %eq3A_777 = arith.constant 0 : i32
    %eq3A_778 = vector.broadcast %eq3A_777 : i32 to vector<4x8192xi32>
    %eq3A_779 = arith.cmpi eq, %and3A_776, %eq3A_778 : vector<4x8192xi32>
    %roll3A_780 = arith.constant 8160 : i32
    %roll3A_781 = tpu.dynamic_rotate %select_n3A_766 by %roll3A_780 dim 1 : vector<4x8192xf32>, i32 -> vector<4x8192xf32>
    %roll3A_782 = arith.constant 32 : i32
    %roll3A_783 = tpu.dynamic_rotate %select_n3A_766 by %roll3A_782 dim 1 : vector<4x8192xf32>, i32 -> vector<4x8192xf32>
    %roll3A_784 = arith.constant 8160 : i32
    %roll3A_785 = tpu.dynamic_rotate %select_n3A_767 by %roll3A_784 dim 1 : vector<4x8192xi32>, i32 -> vector<4x8192xi32>
    %roll3A_786 = arith.constant 32 : i32
    %roll3A_787 = tpu.dynamic_rotate %select_n3A_767 by %roll3A_786 dim 1 : vector<4x8192xi32>, i32 -> vector<4x8192xi32>
    %select_n3A_788 = arith.select %eq3A_773, %roll3A_781, %roll3A_783 : vector<4x8192xi1>, vector<4x8192xf32>
    %select_n3A_789 = arith.select %eq3A_773, %roll3A_785, %roll3A_787 : vector<4x8192xi1>, vector<4x8192xi32>
    %gt3A_790 = arith.cmpf ogt, %select_n3A_766, %select_n3A_788 : vector<4x8192xf32>
    %eq3A_791 = arith.cmpf oeq, %select_n3A_766, %select_n3A_788 : vector<4x8192xf32>
    %lt3A_792 = arith.cmpi slt, %select_n3A_767, %select_n3A_789 : vector<4x8192xi32>
    %and3A_793 = arith.andi %eq3A_791, %lt3A_792 : vector<4x8192xi1>
    %or3A_794 = arith.ori %gt3A_790, %and3A_793 : vector<4x8192xi1>
    %eq3A_795 = arith.xori %eq3A_779, %eq3A_773 : vector<4x8192xi1>
    %eq3A_796 = arith.constant dense<true> : vector<4x8192xi1>
    %eq3A_797 = arith.xori %eq3A_795, %eq3A_796 : vector<4x8192xi1>
    %eq3A_798 = arith.xori %eq3A_797, %or3A_794 : vector<4x8192xi1>
    %eq3A_799 = arith.constant dense<true> : vector<4x8192xi1>
    %eq3A_800 = arith.xori %eq3A_798, %eq3A_799 : vector<4x8192xi1>
    %select_n3A_801 = arith.select %eq3A_800, %select_n3A_766, %select_n3A_788 : vector<4x8192xi1>, vector<4x8192xf32>
    %select_n3A_802 = arith.select %eq3A_800, %select_n3A_767, %select_n3A_789 : vector<4x8192xi1>, vector<4x8192xi32>
    %and3A_803 = arith.constant 16 : i32
    %and3A_804 = vector.broadcast %and3A_803 : i32 to vector<4x8192xi32>
    %and3A_805 = arith.andi %iota3A_4, %and3A_804 : vector<4x8192xi32>
    %eq3A_806 = arith.constant 0 : i32
    %eq3A_807 = vector.broadcast %eq3A_806 : i32 to vector<4x8192xi32>
    %eq3A_808 = arith.cmpi eq, %and3A_805, %eq3A_807 : vector<4x8192xi32>
    %and3A_809 = arith.constant 128 : i32
    %and3A_810 = vector.broadcast %and3A_809 : i32 to vector<4x8192xi32>
    %and3A_811 = arith.andi %iota3A_4, %and3A_810 : vector<4x8192xi32>
    %eq3A_812 = arith.constant 0 : i32
    %eq3A_813 = vector.broadcast %eq3A_812 : i32 to vector<4x8192xi32>
    %eq3A_814 = arith.cmpi eq, %and3A_811, %eq3A_813 : vector<4x8192xi32>
    %roll3A_815 = arith.constant 8176 : i32
    %roll3A_816 = tpu.dynamic_rotate %select_n3A_801 by %roll3A_815 dim 1 : vector<4x8192xf32>, i32 -> vector<4x8192xf32>
    %roll3A_817 = arith.constant 16 : i32
    %roll3A_818 = tpu.dynamic_rotate %select_n3A_801 by %roll3A_817 dim 1 : vector<4x8192xf32>, i32 -> vector<4x8192xf32>
    %roll3A_819 = arith.constant 8176 : i32
    %roll3A_820 = tpu.dynamic_rotate %select_n3A_802 by %roll3A_819 dim 1 : vector<4x8192xi32>, i32 -> vector<4x8192xi32>
    %roll3A_821 = arith.constant 16 : i32
    %roll3A_822 = tpu.dynamic_rotate %select_n3A_802 by %roll3A_821 dim 1 : vector<4x8192xi32>, i32 -> vector<4x8192xi32>
    %select_n3A_823 = arith.select %eq3A_808, %roll3A_816, %roll3A_818 : vector<4x8192xi1>, vector<4x8192xf32>
    %select_n3A_824 = arith.select %eq3A_808, %roll3A_820, %roll3A_822 : vector<4x8192xi1>, vector<4x8192xi32>
    %gt3A_825 = arith.cmpf ogt, %select_n3A_801, %select_n3A_823 : vector<4x8192xf32>
    %eq3A_826 = arith.cmpf oeq, %select_n3A_801, %select_n3A_823 : vector<4x8192xf32>
    %lt3A_827 = arith.cmpi slt, %select_n3A_802, %select_n3A_824 : vector<4x8192xi32>
    %and3A_828 = arith.andi %eq3A_826, %lt3A_827 : vector<4x8192xi1>
    %or3A_829 = arith.ori %gt3A_825, %and3A_828 : vector<4x8192xi1>
    %eq3A_830 = arith.xori %eq3A_814, %eq3A_808 : vector<4x8192xi1>
    %eq3A_831 = arith.constant dense<true> : vector<4x8192xi1>
    %eq3A_832 = arith.xori %eq3A_830, %eq3A_831 : vector<4x8192xi1>
    %eq3A_833 = arith.xori %eq3A_832, %or3A_829 : vector<4x8192xi1>
    %eq3A_834 = arith.constant dense<true> : vector<4x8192xi1>
    %eq3A_835 = arith.xori %eq3A_833, %eq3A_834 : vector<4x8192xi1>
    %select_n3A_836 = arith.select %eq3A_835, %select_n3A_801, %select_n3A_823 : vector<4x8192xi1>, vector<4x8192xf32>
    %select_n3A_837 = arith.select %eq3A_835, %select_n3A_802, %select_n3A_824 : vector<4x8192xi1>, vector<4x8192xi32>
    %and3A_838 = arith.constant 8 : i32
    %and3A_839 = vector.broadcast %and3A_838 : i32 to vector<4x8192xi32>
    %and3A_840 = arith.andi %iota3A_4, %and3A_839 : vector<4x8192xi32>
    %eq3A_841 = arith.constant 0 : i32
    %eq3A_842 = vector.broadcast %eq3A_841 : i32 to vector<4x8192xi32>
    %eq3A_843 = arith.cmpi eq, %and3A_840, %eq3A_842 : vector<4x8192xi32>
    %and3A_844 = arith.constant 128 : i32
    %and3A_845 = vector.broadcast %and3A_844 : i32 to vector<4x8192xi32>
    %and3A_846 = arith.andi %iota3A_4, %and3A_845 : vector<4x8192xi32>
    %eq3A_847 = arith.constant 0 : i32
    %eq3A_848 = vector.broadcast %eq3A_847 : i32 to vector<4x8192xi32>
    %eq3A_849 = arith.cmpi eq, %and3A_846, %eq3A_848 : vector<4x8192xi32>
    %roll3A_850 = arith.constant 8184 : i32
    %roll3A_851 = tpu.dynamic_rotate %select_n3A_836 by %roll3A_850 dim 1 : vector<4x8192xf32>, i32 -> vector<4x8192xf32>
    %roll3A_852 = arith.constant 8 : i32
    %roll3A_853 = tpu.dynamic_rotate %select_n3A_836 by %roll3A_852 dim 1 : vector<4x8192xf32>, i32 -> vector<4x8192xf32>
    %roll3A_854 = arith.constant 8184 : i32
    %roll3A_855 = tpu.dynamic_rotate %select_n3A_837 by %roll3A_854 dim 1 : vector<4x8192xi32>, i32 -> vector<4x8192xi32>
    %roll3A_856 = arith.constant 8 : i32
    %roll3A_857 = tpu.dynamic_rotate %select_n3A_837 by %roll3A_856 dim 1 : vector<4x8192xi32>, i32 -> vector<4x8192xi32>
    %select_n3A_858 = arith.select %eq3A_843, %roll3A_851, %roll3A_853 : vector<4x8192xi1>, vector<4x8192xf32>
    %select_n3A_859 = arith.select %eq3A_843, %roll3A_855, %roll3A_857 : vector<4x8192xi1>, vector<4x8192xi32>
    %gt3A_860 = arith.cmpf ogt, %select_n3A_836, %select_n3A_858 : vector<4x8192xf32>
    %eq3A_861 = arith.cmpf oeq, %select_n3A_836, %select_n3A_858 : vector<4x8192xf32>
    %lt3A_862 = arith.cmpi slt, %select_n3A_837, %select_n3A_859 : vector<4x8192xi32>
    %and3A_863 = arith.andi %eq3A_861, %lt3A_862 : vector<4x8192xi1>
    %or3A_864 = arith.ori %gt3A_860, %and3A_863 : vector<4x8192xi1>
    %eq3A_865 = arith.xori %eq3A_849, %eq3A_843 : vector<4x8192xi1>
    %eq3A_866 = arith.constant dense<true> : vector<4x8192xi1>
    %eq3A_867 = arith.xori %eq3A_865, %eq3A_866 : vector<4x8192xi1>
    %eq3A_868 = arith.xori %eq3A_867, %or3A_864 : vector<4x8192xi1>
    %eq3A_869 = arith.constant dense<true> : vector<4x8192xi1>
    %eq3A_870 = arith.xori %eq3A_868, %eq3A_869 : vector<4x8192xi1>
    %select_n3A_871 = arith.select %eq3A_870, %select_n3A_836, %select_n3A_858 : vector<4x8192xi1>, vector<4x8192xf32>
    %select_n3A_872 = arith.select %eq3A_870, %select_n3A_837, %select_n3A_859 : vector<4x8192xi1>, vector<4x8192xi32>
    %and3A_873 = arith.constant 4 : i32
    %and3A_874 = vector.broadcast %and3A_873 : i32 to vector<4x8192xi32>
    %and3A_875 = arith.andi %iota3A_4, %and3A_874 : vector<4x8192xi32>
    %eq3A_876 = arith.constant 0 : i32
    %eq3A_877 = vector.broadcast %eq3A_876 : i32 to vector<4x8192xi32>
    %eq3A_878 = arith.cmpi eq, %and3A_875, %eq3A_877 : vector<4x8192xi32>
    %and3A_879 = arith.constant 128 : i32
    %and3A_880 = vector.broadcast %and3A_879 : i32 to vector<4x8192xi32>
    %and3A_881 = arith.andi %iota3A_4, %and3A_880 : vector<4x8192xi32>
    %eq3A_882 = arith.constant 0 : i32
    %eq3A_883 = vector.broadcast %eq3A_882 : i32 to vector<4x8192xi32>
    %eq3A_884 = arith.cmpi eq, %and3A_881, %eq3A_883 : vector<4x8192xi32>
    %roll3A_885 = arith.constant 8188 : i32
    %roll3A_886 = tpu.dynamic_rotate %select_n3A_871 by %roll3A_885 dim 1 : vector<4x8192xf32>, i32 -> vector<4x8192xf32>
    %roll3A_887 = arith.constant 4 : i32
    %roll3A_888 = tpu.dynamic_rotate %select_n3A_871 by %roll3A_887 dim 1 : vector<4x8192xf32>, i32 -> vector<4x8192xf32>
    %roll3A_889 = arith.constant 8188 : i32
    %roll3A_890 = tpu.dynamic_rotate %select_n3A_872 by %roll3A_889 dim 1 : vector<4x8192xi32>, i32 -> vector<4x8192xi32>
    %roll3A_891 = arith.constant 4 : i32
    %roll3A_892 = tpu.dynamic_rotate %select_n3A_872 by %roll3A_891 dim 1 : vector<4x8192xi32>, i32 -> vector<4x8192xi32>
    %select_n3A_893 = arith.select %eq3A_878, %roll3A_886, %roll3A_888 : vector<4x8192xi1>, vector<4x8192xf32>
    %select_n3A_894 = arith.select %eq3A_878, %roll3A_890, %roll3A_892 : vector<4x8192xi1>, vector<4x8192xi32>
    %gt3A_895 = arith.cmpf ogt, %select_n3A_871, %select_n3A_893 : vector<4x8192xf32>
    %eq3A_896 = arith.cmpf oeq, %select_n3A_871, %select_n3A_893 : vector<4x8192xf32>
    %lt3A_897 = arith.cmpi slt, %select_n3A_872, %select_n3A_894 : vector<4x8192xi32>
    %and3A_898 = arith.andi %eq3A_896, %lt3A_897 : vector<4x8192xi1>
    %or3A_899 = arith.ori %gt3A_895, %and3A_898 : vector<4x8192xi1>
    %eq3A_900 = arith.xori %eq3A_884, %eq3A_878 : vector<4x8192xi1>
    %eq3A_901 = arith.constant dense<true> : vector<4x8192xi1>
    %eq3A_902 = arith.xori %eq3A_900, %eq3A_901 : vector<4x8192xi1>
    %eq3A_903 = arith.xori %eq3A_902, %or3A_899 : vector<4x8192xi1>
    %eq3A_904 = arith.constant dense<true> : vector<4x8192xi1>
    %eq3A_905 = arith.xori %eq3A_903, %eq3A_904 : vector<4x8192xi1>
    %select_n3A_906 = arith.select %eq3A_905, %select_n3A_871, %select_n3A_893 : vector<4x8192xi1>, vector<4x8192xf32>
    %select_n3A_907 = arith.select %eq3A_905, %select_n3A_872, %select_n3A_894 : vector<4x8192xi1>, vector<4x8192xi32>
    %and3A_908 = arith.constant 2 : i32
    %and3A_909 = vector.broadcast %and3A_908 : i32 to vector<4x8192xi32>
    %and3A_910 = arith.andi %iota3A_4, %and3A_909 : vector<4x8192xi32>
    %eq3A_911 = arith.constant 0 : i32
    %eq3A_912 = vector.broadcast %eq3A_911 : i32 to vector<4x8192xi32>
    %eq3A_913 = arith.cmpi eq, %and3A_910, %eq3A_912 : vector<4x8192xi32>
    %and3A_914 = arith.constant 128 : i32
    %and3A_915 = vector.broadcast %and3A_914 : i32 to vector<4x8192xi32>
    %and3A_916 = arith.andi %iota3A_4, %and3A_915 : vector<4x8192xi32>
    %eq3A_917 = arith.constant 0 : i32
    %eq3A_918 = vector.broadcast %eq3A_917 : i32 to vector<4x8192xi32>
    %eq3A_919 = arith.cmpi eq, %and3A_916, %eq3A_918 : vector<4x8192xi32>
    %roll3A_920 = arith.constant 8190 : i32
    %roll3A_921 = tpu.dynamic_rotate %select_n3A_906 by %roll3A_920 dim 1 : vector<4x8192xf32>, i32 -> vector<4x8192xf32>
    %roll3A_922 = arith.constant 2 : i32
    %roll3A_923 = tpu.dynamic_rotate %select_n3A_906 by %roll3A_922 dim 1 : vector<4x8192xf32>, i32 -> vector<4x8192xf32>
    %roll3A_924 = arith.constant 8190 : i32
    %roll3A_925 = tpu.dynamic_rotate %select_n3A_907 by %roll3A_924 dim 1 : vector<4x8192xi32>, i32 -> vector<4x8192xi32>
    %roll3A_926 = arith.constant 2 : i32
    %roll3A_927 = tpu.dynamic_rotate %select_n3A_907 by %roll3A_926 dim 1 : vector<4x8192xi32>, i32 -> vector<4x8192xi32>
    %select_n3A_928 = arith.select %eq3A_913, %roll3A_921, %roll3A_923 : vector<4x8192xi1>, vector<4x8192xf32>
    %select_n3A_929 = arith.select %eq3A_913, %roll3A_925, %roll3A_927 : vector<4x8192xi1>, vector<4x8192xi32>
    %gt3A_930 = arith.cmpf ogt, %select_n3A_906, %select_n3A_928 : vector<4x8192xf32>
    %eq3A_931 = arith.cmpf oeq, %select_n3A_906, %select_n3A_928 : vector<4x8192xf32>
    %lt3A_932 = arith.cmpi slt, %select_n3A_907, %select_n3A_929 : vector<4x8192xi32>
    %and3A_933 = arith.andi %eq3A_931, %lt3A_932 : vector<4x8192xi1>
    %or3A_934 = arith.ori %gt3A_930, %and3A_933 : vector<4x8192xi1>
    %eq3A_935 = arith.xori %eq3A_919, %eq3A_913 : vector<4x8192xi1>
    %eq3A_936 = arith.constant dense<true> : vector<4x8192xi1>
    %eq3A_937 = arith.xori %eq3A_935, %eq3A_936 : vector<4x8192xi1>
    %eq3A_938 = arith.xori %eq3A_937, %or3A_934 : vector<4x8192xi1>
    %eq3A_939 = arith.constant dense<true> : vector<4x8192xi1>
    %eq3A_940 = arith.xori %eq3A_938, %eq3A_939 : vector<4x8192xi1>
    %select_n3A_941 = arith.select %eq3A_940, %select_n3A_906, %select_n3A_928 : vector<4x8192xi1>, vector<4x8192xf32>
    %select_n3A_942 = arith.select %eq3A_940, %select_n3A_907, %select_n3A_929 : vector<4x8192xi1>, vector<4x8192xi32>
    %and3A_943 = arith.constant 1 : i32
    %and3A_944 = vector.broadcast %and3A_943 : i32 to vector<4x8192xi32>
    %and3A_945 = arith.andi %iota3A_4, %and3A_944 : vector<4x8192xi32>
    %eq3A_946 = arith.constant 0 : i32
    %eq3A_947 = vector.broadcast %eq3A_946 : i32 to vector<4x8192xi32>
    %eq3A_948 = arith.cmpi eq, %and3A_945, %eq3A_947 : vector<4x8192xi32>
    %and3A_949 = arith.constant 128 : i32
    %and3A_950 = vector.broadcast %and3A_949 : i32 to vector<4x8192xi32>
    %and3A_951 = arith.andi %iota3A_4, %and3A_950 : vector<4x8192xi32>
    %eq3A_952 = arith.constant 0 : i32
    %eq3A_953 = vector.broadcast %eq3A_952 : i32 to vector<4x8192xi32>
    %eq3A_954 = arith.cmpi eq, %and3A_951, %eq3A_953 : vector<4x8192xi32>
    %roll3A_955 = arith.constant 8191 : i32
    %roll3A_956 = tpu.dynamic_rotate %select_n3A_941 by %roll3A_955 dim 1 : vector<4x8192xf32>, i32 -> vector<4x8192xf32>
    %roll3A_957 = arith.constant 1 : i32
    %roll3A_958 = tpu.dynamic_rotate %select_n3A_941 by %roll3A_957 dim 1 : vector<4x8192xf32>, i32 -> vector<4x8192xf32>
    %roll3A_959 = arith.constant 8191 : i32
    %roll3A_960 = tpu.dynamic_rotate %select_n3A_942 by %roll3A_959 dim 1 : vector<4x8192xi32>, i32 -> vector<4x8192xi32>
    %roll3A_961 = arith.constant 1 : i32
    %roll3A_962 = tpu.dynamic_rotate %select_n3A_942 by %roll3A_961 dim 1 : vector<4x8192xi32>, i32 -> vector<4x8192xi32>
    %select_n3A_963 = arith.select %eq3A_948, %roll3A_956, %roll3A_958 : vector<4x8192xi1>, vector<4x8192xf32>
    %select_n3A_964 = arith.select %eq3A_948, %roll3A_960, %roll3A_962 : vector<4x8192xi1>, vector<4x8192xi32>
    %gt3A_965 = arith.cmpf ogt, %select_n3A_941, %select_n3A_963 : vector<4x8192xf32>
    %eq3A_966 = arith.cmpf oeq, %select_n3A_941, %select_n3A_963 : vector<4x8192xf32>
    %lt3A_967 = arith.cmpi slt, %select_n3A_942, %select_n3A_964 : vector<4x8192xi32>
    %and3A_968 = arith.andi %eq3A_966, %lt3A_967 : vector<4x8192xi1>
    %or3A_969 = arith.ori %gt3A_965, %and3A_968 : vector<4x8192xi1>
    %eq3A_970 = arith.xori %eq3A_954, %eq3A_948 : vector<4x8192xi1>
    %eq3A_971 = arith.constant dense<true> : vector<4x8192xi1>
    %eq3A_972 = arith.xori %eq3A_970, %eq3A_971 : vector<4x8192xi1>
    %eq3A_973 = arith.xori %eq3A_972, %or3A_969 : vector<4x8192xi1>
    %eq3A_974 = arith.constant dense<true> : vector<4x8192xi1>
    %eq3A_975 = arith.xori %eq3A_973, %eq3A_974 : vector<4x8192xi1>
    %select_n3A_976 = arith.select %eq3A_975, %select_n3A_941, %select_n3A_963 : vector<4x8192xi1>, vector<4x8192xf32>
    %select_n3A_977 = arith.select %eq3A_975, %select_n3A_942, %select_n3A_964 : vector<4x8192xi1>, vector<4x8192xi32>
    %and3A_978 = arith.constant 128 : i32
    %and3A_979 = vector.broadcast %and3A_978 : i32 to vector<4x8192xi32>
    %and3A_980 = arith.andi %iota3A_4, %and3A_979 : vector<4x8192xi32>
    %eq3A_981 = arith.constant 0 : i32
    %eq3A_982 = vector.broadcast %eq3A_981 : i32 to vector<4x8192xi32>
    %eq3A_983 = arith.cmpi eq, %and3A_980, %eq3A_982 : vector<4x8192xi32>
    %and3A_984 = arith.constant 256 : i32
    %and3A_985 = vector.broadcast %and3A_984 : i32 to vector<4x8192xi32>
    %and3A_986 = arith.andi %iota3A_4, %and3A_985 : vector<4x8192xi32>
    %eq3A_987 = arith.constant 0 : i32
    %eq3A_988 = vector.broadcast %eq3A_987 : i32 to vector<4x8192xi32>
    %eq3A_989 = arith.cmpi eq, %and3A_986, %eq3A_988 : vector<4x8192xi32>
    %roll3A_990 = arith.constant 8064 : i32
    %roll3A_991 = tpu.dynamic_rotate %select_n3A_976 by %roll3A_990 dim 1 : vector<4x8192xf32>, i32 -> vector<4x8192xf32>
    %roll3A_992 = arith.constant 128 : i32
    %roll3A_993 = tpu.dynamic_rotate %select_n3A_976 by %roll3A_992 dim 1 : vector<4x8192xf32>, i32 -> vector<4x8192xf32>
    %roll3A_994 = arith.constant 8064 : i32
    %roll3A_995 = tpu.dynamic_rotate %select_n3A_977 by %roll3A_994 dim 1 : vector<4x8192xi32>, i32 -> vector<4x8192xi32>
    %roll3A_996 = arith.constant 128 : i32
    %roll3A_997 = tpu.dynamic_rotate %select_n3A_977 by %roll3A_996 dim 1 : vector<4x8192xi32>, i32 -> vector<4x8192xi32>
    %select_n3A_998 = arith.select %eq3A_983, %roll3A_991, %roll3A_993 : vector<4x8192xi1>, vector<4x8192xf32>
    %select_n3A_999 = arith.select %eq3A_983, %roll3A_995, %roll3A_997 : vector<4x8192xi1>, vector<4x8192xi32>
    %gt3A_1000 = arith.cmpf ogt, %select_n3A_976, %select_n3A_998 : vector<4x8192xf32>
    %eq3A_1001 = arith.cmpf oeq, %select_n3A_976, %select_n3A_998 : vector<4x8192xf32>
    %lt3A_1002 = arith.cmpi slt, %select_n3A_977, %select_n3A_999 : vector<4x8192xi32>
    %and3A_1003 = arith.andi %eq3A_1001, %lt3A_1002 : vector<4x8192xi1>
    %or3A_1004 = arith.ori %gt3A_1000, %and3A_1003 : vector<4x8192xi1>
    %eq3A_1005 = arith.xori %eq3A_989, %eq3A_983 : vector<4x8192xi1>
    %eq3A_1006 = arith.constant dense<true> : vector<4x8192xi1>
    %eq3A_1007 = arith.xori %eq3A_1005, %eq3A_1006 : vector<4x8192xi1>
    %eq3A_1008 = arith.xori %eq3A_1007, %or3A_1004 : vector<4x8192xi1>
    %eq3A_1009 = arith.constant dense<true> : vector<4x8192xi1>
    %eq3A_1010 = arith.xori %eq3A_1008, %eq3A_1009 : vector<4x8192xi1>
    %select_n3A_1011 = arith.select %eq3A_1010, %select_n3A_976, %select_n3A_998 : vector<4x8192xi1>, vector<4x8192xf32>
    %select_n3A_1012 = arith.select %eq3A_1010, %select_n3A_977, %select_n3A_999 : vector<4x8192xi1>, vector<4x8192xi32>
    %and3A_1013 = arith.constant 64 : i32
    %and3A_1014 = vector.broadcast %and3A_1013 : i32 to vector<4x8192xi32>
    %and3A_1015 = arith.andi %iota3A_4, %and3A_1014 : vector<4x8192xi32>
    %eq3A_1016 = arith.constant 0 : i32
    %eq3A_1017 = vector.broadcast %eq3A_1016 : i32 to vector<4x8192xi32>
    %eq3A_1018 = arith.cmpi eq, %and3A_1015, %eq3A_1017 : vector<4x8192xi32>
    %and3A_1019 = arith.constant 256 : i32
    %and3A_1020 = vector.broadcast %and3A_1019 : i32 to vector<4x8192xi32>
    %and3A_1021 = arith.andi %iota3A_4, %and3A_1020 : vector<4x8192xi32>
    %eq3A_1022 = arith.constant 0 : i32
    %eq3A_1023 = vector.broadcast %eq3A_1022 : i32 to vector<4x8192xi32>
    %eq3A_1024 = arith.cmpi eq, %and3A_1021, %eq3A_1023 : vector<4x8192xi32>
    %roll3A_1025 = arith.constant 8128 : i32
    %roll3A_1026 = tpu.dynamic_rotate %select_n3A_1011 by %roll3A_1025 dim 1 : vector<4x8192xf32>, i32 -> vector<4x8192xf32>
    %roll3A_1027 = arith.constant 64 : i32
    %roll3A_1028 = tpu.dynamic_rotate %select_n3A_1011 by %roll3A_1027 dim 1 : vector<4x8192xf32>, i32 -> vector<4x8192xf32>
    %roll3A_1029 = arith.constant 8128 : i32
    %roll3A_1030 = tpu.dynamic_rotate %select_n3A_1012 by %roll3A_1029 dim 1 : vector<4x8192xi32>, i32 -> vector<4x8192xi32>
    %roll3A_1031 = arith.constant 64 : i32
    %roll3A_1032 = tpu.dynamic_rotate %select_n3A_1012 by %roll3A_1031 dim 1 : vector<4x8192xi32>, i32 -> vector<4x8192xi32>
    %select_n3A_1033 = arith.select %eq3A_1018, %roll3A_1026, %roll3A_1028 : vector<4x8192xi1>, vector<4x8192xf32>
    %select_n3A_1034 = arith.select %eq3A_1018, %roll3A_1030, %roll3A_1032 : vector<4x8192xi1>, vector<4x8192xi32>
    %gt3A_1035 = arith.cmpf ogt, %select_n3A_1011, %select_n3A_1033 : vector<4x8192xf32>
    %eq3A_1036 = arith.cmpf oeq, %select_n3A_1011, %select_n3A_1033 : vector<4x8192xf32>
    %lt3A_1037 = arith.cmpi slt, %select_n3A_1012, %select_n3A_1034 : vector<4x8192xi32>
    %and3A_1038 = arith.andi %eq3A_1036, %lt3A_1037 : vector<4x8192xi1>
    %or3A_1039 = arith.ori %gt3A_1035, %and3A_1038 : vector<4x8192xi1>
    %eq3A_1040 = arith.xori %eq3A_1024, %eq3A_1018 : vector<4x8192xi1>
    %eq3A_1041 = arith.constant dense<true> : vector<4x8192xi1>
    %eq3A_1042 = arith.xori %eq3A_1040, %eq3A_1041 : vector<4x8192xi1>
    %eq3A_1043 = arith.xori %eq3A_1042, %or3A_1039 : vector<4x8192xi1>
    %eq3A_1044 = arith.constant dense<true> : vector<4x8192xi1>
    %eq3A_1045 = arith.xori %eq3A_1043, %eq3A_1044 : vector<4x8192xi1>
    %select_n3A_1046 = arith.select %eq3A_1045, %select_n3A_1011, %select_n3A_1033 : vector<4x8192xi1>, vector<4x8192xf32>
    %select_n3A_1047 = arith.select %eq3A_1045, %select_n3A_1012, %select_n3A_1034 : vector<4x8192xi1>, vector<4x8192xi32>
    %and3A_1048 = arith.constant 32 : i32
    %and3A_1049 = vector.broadcast %and3A_1048 : i32 to vector<4x8192xi32>
    %and3A_1050 = arith.andi %iota3A_4, %and3A_1049 : vector<4x8192xi32>
    %eq3A_1051 = arith.constant 0 : i32
    %eq3A_1052 = vector.broadcast %eq3A_1051 : i32 to vector<4x8192xi32>
    %eq3A_1053 = arith.cmpi eq, %and3A_1050, %eq3A_1052 : vector<4x8192xi32>
    %and3A_1054 = arith.constant 256 : i32
    %and3A_1055 = vector.broadcast %and3A_1054 : i32 to vector<4x8192xi32>
    %and3A_1056 = arith.andi %iota3A_4, %and3A_1055 : vector<4x8192xi32>
    %eq3A_1057 = arith.constant 0 : i32
    %eq3A_1058 = vector.broadcast %eq3A_1057 : i32 to vector<4x8192xi32>
    %eq3A_1059 = arith.cmpi eq, %and3A_1056, %eq3A_1058 : vector<4x8192xi32>
    %roll3A_1060 = arith.constant 8160 : i32
    %roll3A_1061 = tpu.dynamic_rotate %select_n3A_1046 by %roll3A_1060 dim 1 : vector<4x8192xf32>, i32 -> vector<4x8192xf32>
    %roll3A_1062 = arith.constant 32 : i32
    %roll3A_1063 = tpu.dynamic_rotate %select_n3A_1046 by %roll3A_1062 dim 1 : vector<4x8192xf32>, i32 -> vector<4x8192xf32>
    %roll3A_1064 = arith.constant 8160 : i32
    %roll3A_1065 = tpu.dynamic_rotate %select_n3A_1047 by %roll3A_1064 dim 1 : vector<4x8192xi32>, i32 -> vector<4x8192xi32>
    %roll3A_1066 = arith.constant 32 : i32
    %roll3A_1067 = tpu.dynamic_rotate %select_n3A_1047 by %roll3A_1066 dim 1 : vector<4x8192xi32>, i32 -> vector<4x8192xi32>
    %select_n3A_1068 = arith.select %eq3A_1053, %roll3A_1061, %roll3A_1063 : vector<4x8192xi1>, vector<4x8192xf32>
    %select_n3A_1069 = arith.select %eq3A_1053, %roll3A_1065, %roll3A_1067 : vector<4x8192xi1>, vector<4x8192xi32>
    %gt3A_1070 = arith.cmpf ogt, %select_n3A_1046, %select_n3A_1068 : vector<4x8192xf32>
    %eq3A_1071 = arith.cmpf oeq, %select_n3A_1046, %select_n3A_1068 : vector<4x8192xf32>
    %lt3A_1072 = arith.cmpi slt, %select_n3A_1047, %select_n3A_1069 : vector<4x8192xi32>
    %and3A_1073 = arith.andi %eq3A_1071, %lt3A_1072 : vector<4x8192xi1>
    %or3A_1074 = arith.ori %gt3A_1070, %and3A_1073 : vector<4x8192xi1>
    %eq3A_1075 = arith.xori %eq3A_1059, %eq3A_1053 : vector<4x8192xi1>
    %eq3A_1076 = arith.constant dense<true> : vector<4x8192xi1>
    %eq3A_1077 = arith.xori %eq3A_1075, %eq3A_1076 : vector<4x8192xi1>
    %eq3A_1078 = arith.xori %eq3A_1077, %or3A_1074 : vector<4x8192xi1>
    %eq3A_1079 = arith.constant dense<true> : vector<4x8192xi1>
    %eq3A_1080 = arith.xori %eq3A_1078, %eq3A_1079 : vector<4x8192xi1>
    %select_n3A_1081 = arith.select %eq3A_1080, %select_n3A_1046, %select_n3A_1068 : vector<4x8192xi1>, vector<4x8192xf32>
    %select_n3A_1082 = arith.select %eq3A_1080, %select_n3A_1047, %select_n3A_1069 : vector<4x8192xi1>, vector<4x8192xi32>
    %and3A_1083 = arith.constant 16 : i32
    %and3A_1084 = vector.broadcast %and3A_1083 : i32 to vector<4x8192xi32>
    %and3A_1085 = arith.andi %iota3A_4, %and3A_1084 : vector<4x8192xi32>
    %eq3A_1086 = arith.constant 0 : i32
    %eq3A_1087 = vector.broadcast %eq3A_1086 : i32 to vector<4x8192xi32>
    %eq3A_1088 = arith.cmpi eq, %and3A_1085, %eq3A_1087 : vector<4x8192xi32>
    %and3A_1089 = arith.constant 256 : i32
    %and3A_1090 = vector.broadcast %and3A_1089 : i32 to vector<4x8192xi32>
    %and3A_1091 = arith.andi %iota3A_4, %and3A_1090 : vector<4x8192xi32>
    %eq3A_1092 = arith.constant 0 : i32
    %eq3A_1093 = vector.broadcast %eq3A_1092 : i32 to vector<4x8192xi32>
    %eq3A_1094 = arith.cmpi eq, %and3A_1091, %eq3A_1093 : vector<4x8192xi32>
    %roll3A_1095 = arith.constant 8176 : i32
    %roll3A_1096 = tpu.dynamic_rotate %select_n3A_1081 by %roll3A_1095 dim 1 : vector<4x8192xf32>, i32 -> vector<4x8192xf32>
    %roll3A_1097 = arith.constant 16 : i32
    %roll3A_1098 = tpu.dynamic_rotate %select_n3A_1081 by %roll3A_1097 dim 1 : vector<4x8192xf32>, i32 -> vector<4x8192xf32>
    %roll3A_1099 = arith.constant 8176 : i32
    %roll3A_1100 = tpu.dynamic_rotate %select_n3A_1082 by %roll3A_1099 dim 1 : vector<4x8192xi32>, i32 -> vector<4x8192xi32>
    %roll3A_1101 = arith.constant 16 : i32
    %roll3A_1102 = tpu.dynamic_rotate %select_n3A_1082 by %roll3A_1101 dim 1 : vector<4x8192xi32>, i32 -> vector<4x8192xi32>
    %select_n3A_1103 = arith.select %eq3A_1088, %roll3A_1096, %roll3A_1098 : vector<4x8192xi1>, vector<4x8192xf32>
    %select_n3A_1104 = arith.select %eq3A_1088, %roll3A_1100, %roll3A_1102 : vector<4x8192xi1>, vector<4x8192xi32>
    %gt3A_1105 = arith.cmpf ogt, %select_n3A_1081, %select_n3A_1103 : vector<4x8192xf32>
    %eq3A_1106 = arith.cmpf oeq, %select_n3A_1081, %select_n3A_1103 : vector<4x8192xf32>
    %lt3A_1107 = arith.cmpi slt, %select_n3A_1082, %select_n3A_1104 : vector<4x8192xi32>
    %and3A_1108 = arith.andi %eq3A_1106, %lt3A_1107 : vector<4x8192xi1>
    %or3A_1109 = arith.ori %gt3A_1105, %and3A_1108 : vector<4x8192xi1>
    %eq3A_1110 = arith.xori %eq3A_1094, %eq3A_1088 : vector<4x8192xi1>
    %eq3A_1111 = arith.constant dense<true> : vector<4x8192xi1>
    %eq3A_1112 = arith.xori %eq3A_1110, %eq3A_1111 : vector<4x8192xi1>
    %eq3A_1113 = arith.xori %eq3A_1112, %or3A_1109 : vector<4x8192xi1>
    %eq3A_1114 = arith.constant dense<true> : vector<4x8192xi1>
    %eq3A_1115 = arith.xori %eq3A_1113, %eq3A_1114 : vector<4x8192xi1>
    %select_n3A_1116 = arith.select %eq3A_1115, %select_n3A_1081, %select_n3A_1103 : vector<4x8192xi1>, vector<4x8192xf32>
    %select_n3A_1117 = arith.select %eq3A_1115, %select_n3A_1082, %select_n3A_1104 : vector<4x8192xi1>, vector<4x8192xi32>
    %and3A_1118 = arith.constant 8 : i32
    %and3A_1119 = vector.broadcast %and3A_1118 : i32 to vector<4x8192xi32>
    %and3A_1120 = arith.andi %iota3A_4, %and3A_1119 : vector<4x8192xi32>
    %eq3A_1121 = arith.constant 0 : i32
    %eq3A_1122 = vector.broadcast %eq3A_1121 : i32 to vector<4x8192xi32>
    %eq3A_1123 = arith.cmpi eq, %and3A_1120, %eq3A_1122 : vector<4x8192xi32>
    %and3A_1124 = arith.constant 256 : i32
    %and3A_1125 = vector.broadcast %and3A_1124 : i32 to vector<4x8192xi32>
    %and3A_1126 = arith.andi %iota3A_4, %and3A_1125 : vector<4x8192xi32>
    %eq3A_1127 = arith.constant 0 : i32
    %eq3A_1128 = vector.broadcast %eq3A_1127 : i32 to vector<4x8192xi32>
    %eq3A_1129 = arith.cmpi eq, %and3A_1126, %eq3A_1128 : vector<4x8192xi32>
    %roll3A_1130 = arith.constant 8184 : i32
    %roll3A_1131 = tpu.dynamic_rotate %select_n3A_1116 by %roll3A_1130 dim 1 : vector<4x8192xf32>, i32 -> vector<4x8192xf32>
    %roll3A_1132 = arith.constant 8 : i32
    %roll3A_1133 = tpu.dynamic_rotate %select_n3A_1116 by %roll3A_1132 dim 1 : vector<4x8192xf32>, i32 -> vector<4x8192xf32>
    %roll3A_1134 = arith.constant 8184 : i32
    %roll3A_1135 = tpu.dynamic_rotate %select_n3A_1117 by %roll3A_1134 dim 1 : vector<4x8192xi32>, i32 -> vector<4x8192xi32>
    %roll3A_1136 = arith.constant 8 : i32
    %roll3A_1137 = tpu.dynamic_rotate %select_n3A_1117 by %roll3A_1136 dim 1 : vector<4x8192xi32>, i32 -> vector<4x8192xi32>
    %select_n3A_1138 = arith.select %eq3A_1123, %roll3A_1131, %roll3A_1133 : vector<4x8192xi1>, vector<4x8192xf32>
    %select_n3A_1139 = arith.select %eq3A_1123, %roll3A_1135, %roll3A_1137 : vector<4x8192xi1>, vector<4x8192xi32>
    %gt3A_1140 = arith.cmpf ogt, %select_n3A_1116, %select_n3A_1138 : vector<4x8192xf32>
    %eq3A_1141 = arith.cmpf oeq, %select_n3A_1116, %select_n3A_1138 : vector<4x8192xf32>
    %lt3A_1142 = arith.cmpi slt, %select_n3A_1117, %select_n3A_1139 : vector<4x8192xi32>
    %and3A_1143 = arith.andi %eq3A_1141, %lt3A_1142 : vector<4x8192xi1>
    %or3A_1144 = arith.ori %gt3A_1140, %and3A_1143 : vector<4x8192xi1>
    %eq3A_1145 = arith.xori %eq3A_1129, %eq3A_1123 : vector<4x8192xi1>
    %eq3A_1146 = arith.constant dense<true> : vector<4x8192xi1>
    %eq3A_1147 = arith.xori %eq3A_1145, %eq3A_1146 : vector<4x8192xi1>
    %eq3A_1148 = arith.xori %eq3A_1147, %or3A_1144 : vector<4x8192xi1>
    %eq3A_1149 = arith.constant dense<true> : vector<4x8192xi1>
    %eq3A_1150 = arith.xori %eq3A_1148, %eq3A_1149 : vector<4x8192xi1>
    %select_n3A_1151 = arith.select %eq3A_1150, %select_n3A_1116, %select_n3A_1138 : vector<4x8192xi1>, vector<4x8192xf32>
    %select_n3A_1152 = arith.select %eq3A_1150, %select_n3A_1117, %select_n3A_1139 : vector<4x8192xi1>, vector<4x8192xi32>
    %and3A_1153 = arith.constant 4 : i32
    %and3A_1154 = vector.broadcast %and3A_1153 : i32 to vector<4x8192xi32>
    %and3A_1155 = arith.andi %iota3A_4, %and3A_1154 : vector<4x8192xi32>
    %eq3A_1156 = arith.constant 0 : i32
    %eq3A_1157 = vector.broadcast %eq3A_1156 : i32 to vector<4x8192xi32>
    %eq3A_1158 = arith.cmpi eq, %and3A_1155, %eq3A_1157 : vector<4x8192xi32>
    %and3A_1159 = arith.constant 256 : i32
    %and3A_1160 = vector.broadcast %and3A_1159 : i32 to vector<4x8192xi32>
    %and3A_1161 = arith.andi %iota3A_4, %and3A_1160 : vector<4x8192xi32>
    %eq3A_1162 = arith.constant 0 : i32
    %eq3A_1163 = vector.broadcast %eq3A_1162 : i32 to vector<4x8192xi32>
    %eq3A_1164 = arith.cmpi eq, %and3A_1161, %eq3A_1163 : vector<4x8192xi32>
    %roll3A_1165 = arith.constant 8188 : i32
    %roll3A_1166 = tpu.dynamic_rotate %select_n3A_1151 by %roll3A_1165 dim 1 : vector<4x8192xf32>, i32 -> vector<4x8192xf32>
    %roll3A_1167 = arith.constant 4 : i32
    %roll3A_1168 = tpu.dynamic_rotate %select_n3A_1151 by %roll3A_1167 dim 1 : vector<4x8192xf32>, i32 -> vector<4x8192xf32>
    %roll3A_1169 = arith.constant 8188 : i32
    %roll3A_1170 = tpu.dynamic_rotate %select_n3A_1152 by %roll3A_1169 dim 1 : vector<4x8192xi32>, i32 -> vector<4x8192xi32>
    %roll3A_1171 = arith.constant 4 : i32
    %roll3A_1172 = tpu.dynamic_rotate %select_n3A_1152 by %roll3A_1171 dim 1 : vector<4x8192xi32>, i32 -> vector<4x8192xi32>
    %select_n3A_1173 = arith.select %eq3A_1158, %roll3A_1166, %roll3A_1168 : vector<4x8192xi1>, vector<4x8192xf32>
    %select_n3A_1174 = arith.select %eq3A_1158, %roll3A_1170, %roll3A_1172 : vector<4x8192xi1>, vector<4x8192xi32>
    %gt3A_1175 = arith.cmpf ogt, %select_n3A_1151, %select_n3A_1173 : vector<4x8192xf32>
    %eq3A_1176 = arith.cmpf oeq, %select_n3A_1151, %select_n3A_1173 : vector<4x8192xf32>
    %lt3A_1177 = arith.cmpi slt, %select_n3A_1152, %select_n3A_1174 : vector<4x8192xi32>
    %and3A_1178 = arith.andi %eq3A_1176, %lt3A_1177 : vector<4x8192xi1>
    %or3A_1179 = arith.ori %gt3A_1175, %and3A_1178 : vector<4x8192xi1>
    %eq3A_1180 = arith.xori %eq3A_1164, %eq3A_1158 : vector<4x8192xi1>
    %eq3A_1181 = arith.constant dense<true> : vector<4x8192xi1>
    %eq3A_1182 = arith.xori %eq3A_1180, %eq3A_1181 : vector<4x8192xi1>
    %eq3A_1183 = arith.xori %eq3A_1182, %or3A_1179 : vector<4x8192xi1>
    %eq3A_1184 = arith.constant dense<true> : vector<4x8192xi1>
    %eq3A_1185 = arith.xori %eq3A_1183, %eq3A_1184 : vector<4x8192xi1>
    %select_n3A_1186 = arith.select %eq3A_1185, %select_n3A_1151, %select_n3A_1173 : vector<4x8192xi1>, vector<4x8192xf32>
    %select_n3A_1187 = arith.select %eq3A_1185, %select_n3A_1152, %select_n3A_1174 : vector<4x8192xi1>, vector<4x8192xi32>
    %and3A_1188 = arith.constant 2 : i32
    %and3A_1189 = vector.broadcast %and3A_1188 : i32 to vector<4x8192xi32>
    %and3A_1190 = arith.andi %iota3A_4, %and3A_1189 : vector<4x8192xi32>
    %eq3A_1191 = arith.constant 0 : i32
    %eq3A_1192 = vector.broadcast %eq3A_1191 : i32 to vector<4x8192xi32>
    %eq3A_1193 = arith.cmpi eq, %and3A_1190, %eq3A_1192 : vector<4x8192xi32>
    %and3A_1194 = arith.constant 256 : i32
    %and3A_1195 = vector.broadcast %and3A_1194 : i32 to vector<4x8192xi32>
    %and3A_1196 = arith.andi %iota3A_4, %and3A_1195 : vector<4x8192xi32>
    %eq3A_1197 = arith.constant 0 : i32
    %eq3A_1198 = vector.broadcast %eq3A_1197 : i32 to vector<4x8192xi32>
    %eq3A_1199 = arith.cmpi eq, %and3A_1196, %eq3A_1198 : vector<4x8192xi32>
    %roll3A_1200 = arith.constant 8190 : i32
    %roll3A_1201 = tpu.dynamic_rotate %select_n3A_1186 by %roll3A_1200 dim 1 : vector<4x8192xf32>, i32 -> vector<4x8192xf32>
    %roll3A_1202 = arith.constant 2 : i32
    %roll3A_1203 = tpu.dynamic_rotate %select_n3A_1186 by %roll3A_1202 dim 1 : vector<4x8192xf32>, i32 -> vector<4x8192xf32>
    %roll3A_1204 = arith.constant 8190 : i32
    %roll3A_1205 = tpu.dynamic_rotate %select_n3A_1187 by %roll3A_1204 dim 1 : vector<4x8192xi32>, i32 -> vector<4x8192xi32>
    %roll3A_1206 = arith.constant 2 : i32
    %roll3A_1207 = tpu.dynamic_rotate %select_n3A_1187 by %roll3A_1206 dim 1 : vector<4x8192xi32>, i32 -> vector<4x8192xi32>
    %select_n3A_1208 = arith.select %eq3A_1193, %roll3A_1201, %roll3A_1203 : vector<4x8192xi1>, vector<4x8192xf32>
    %select_n3A_1209 = arith.select %eq3A_1193, %roll3A_1205, %roll3A_1207 : vector<4x8192xi1>, vector<4x8192xi32>
    %gt3A_1210 = arith.cmpf ogt, %select_n3A_1186, %select_n3A_1208 : vector<4x8192xf32>
    %eq3A_1211 = arith.cmpf oeq, %select_n3A_1186, %select_n3A_1208 : vector<4x8192xf32>
    %lt3A_1212 = arith.cmpi slt, %select_n3A_1187, %select_n3A_1209 : vector<4x8192xi32>
    %and3A_1213 = arith.andi %eq3A_1211, %lt3A_1212 : vector<4x8192xi1>
    %or3A_1214 = arith.ori %gt3A_1210, %and3A_1213 : vector<4x8192xi1>
    %eq3A_1215 = arith.xori %eq3A_1199, %eq3A_1193 : vector<4x8192xi1>
    %eq3A_1216 = arith.constant dense<true> : vector<4x8192xi1>
    %eq3A_1217 = arith.xori %eq3A_1215, %eq3A_1216 : vector<4x8192xi1>
    %eq3A_1218 = arith.xori %eq3A_1217, %or3A_1214 : vector<4x8192xi1>
    %eq3A_1219 = arith.constant dense<true> : vector<4x8192xi1>
    %eq3A_1220 = arith.xori %eq3A_1218, %eq3A_1219 : vector<4x8192xi1>
    %select_n3A_1221 = arith.select %eq3A_1220, %select_n3A_1186, %select_n3A_1208 : vector<4x8192xi1>, vector<4x8192xf32>
    %select_n3A_1222 = arith.select %eq3A_1220, %select_n3A_1187, %select_n3A_1209 : vector<4x8192xi1>, vector<4x8192xi32>
    %and3A_1223 = arith.constant 1 : i32
    %and3A_1224 = vector.broadcast %and3A_1223 : i32 to vector<4x8192xi32>
    %and3A_1225 = arith.andi %iota3A_4, %and3A_1224 : vector<4x8192xi32>
    %eq3A_1226 = arith.constant 0 : i32
    %eq3A_1227 = vector.broadcast %eq3A_1226 : i32 to vector<4x8192xi32>
    %eq3A_1228 = arith.cmpi eq, %and3A_1225, %eq3A_1227 : vector<4x8192xi32>
    %and3A_1229 = arith.constant 256 : i32
    %and3A_1230 = vector.broadcast %and3A_1229 : i32 to vector<4x8192xi32>
    %and3A_1231 = arith.andi %iota3A_4, %and3A_1230 : vector<4x8192xi32>
    %eq3A_1232 = arith.constant 0 : i32
    %eq3A_1233 = vector.broadcast %eq3A_1232 : i32 to vector<4x8192xi32>
    %eq3A_1234 = arith.cmpi eq, %and3A_1231, %eq3A_1233 : vector<4x8192xi32>
    %roll3A_1235 = arith.constant 8191 : i32
    %roll3A_1236 = tpu.dynamic_rotate %select_n3A_1221 by %roll3A_1235 dim 1 : vector<4x8192xf32>, i32 -> vector<4x8192xf32>
    %roll3A_1237 = arith.constant 1 : i32
    %roll3A_1238 = tpu.dynamic_rotate %select_n3A_1221 by %roll3A_1237 dim 1 : vector<4x8192xf32>, i32 -> vector<4x8192xf32>
    %roll3A_1239 = arith.constant 8191 : i32
    %roll3A_1240 = tpu.dynamic_rotate %select_n3A_1222 by %roll3A_1239 dim 1 : vector<4x8192xi32>, i32 -> vector<4x8192xi32>
    %roll3A_1241 = arith.constant 1 : i32
    %roll3A_1242 = tpu.dynamic_rotate %select_n3A_1222 by %roll3A_1241 dim 1 : vector<4x8192xi32>, i32 -> vector<4x8192xi32>
    %select_n3A_1243 = arith.select %eq3A_1228, %roll3A_1236, %roll3A_1238 : vector<4x8192xi1>, vector<4x8192xf32>
    %select_n3A_1244 = arith.select %eq3A_1228, %roll3A_1240, %roll3A_1242 : vector<4x8192xi1>, vector<4x8192xi32>
    %gt3A_1245 = arith.cmpf ogt, %select_n3A_1221, %select_n3A_1243 : vector<4x8192xf32>
    %eq3A_1246 = arith.cmpf oeq, %select_n3A_1221, %select_n3A_1243 : vector<4x8192xf32>
    %lt3A_1247 = arith.cmpi slt, %select_n3A_1222, %select_n3A_1244 : vector<4x8192xi32>
    %and3A_1248 = arith.andi %eq3A_1246, %lt3A_1247 : vector<4x8192xi1>
    %or3A_1249 = arith.ori %gt3A_1245, %and3A_1248 : vector<4x8192xi1>
    %eq3A_1250 = arith.xori %eq3A_1234, %eq3A_1228 : vector<4x8192xi1>
    %eq3A_1251 = arith.constant dense<true> : vector<4x8192xi1>
    %eq3A_1252 = arith.xori %eq3A_1250, %eq3A_1251 : vector<4x8192xi1>
    %eq3A_1253 = arith.xori %eq3A_1252, %or3A_1249 : vector<4x8192xi1>
    %eq3A_1254 = arith.constant dense<true> : vector<4x8192xi1>
    %eq3A_1255 = arith.xori %eq3A_1253, %eq3A_1254 : vector<4x8192xi1>
    %select_n3A_1256 = arith.select %eq3A_1255, %select_n3A_1221, %select_n3A_1243 : vector<4x8192xi1>, vector<4x8192xf32>
    %select_n3A_1257 = arith.select %eq3A_1255, %select_n3A_1222, %select_n3A_1244 : vector<4x8192xi1>, vector<4x8192xi32>
    %and3A_1258 = arith.constant 256 : i32
    %and3A_1259 = vector.broadcast %and3A_1258 : i32 to vector<4x8192xi32>
    %and3A_1260 = arith.andi %iota3A_4, %and3A_1259 : vector<4x8192xi32>
    %eq3A_1261 = arith.constant 0 : i32
    %eq3A_1262 = vector.broadcast %eq3A_1261 : i32 to vector<4x8192xi32>
    %eq3A_1263 = arith.cmpi eq, %and3A_1260, %eq3A_1262 : vector<4x8192xi32>
    %and3A_1264 = arith.constant 512 : i32
    %and3A_1265 = vector.broadcast %and3A_1264 : i32 to vector<4x8192xi32>
    %and3A_1266 = arith.andi %iota3A_4, %and3A_1265 : vector<4x8192xi32>
    %eq3A_1267 = arith.constant 0 : i32
    %eq3A_1268 = vector.broadcast %eq3A_1267 : i32 to vector<4x8192xi32>
    %eq3A_1269 = arith.cmpi eq, %and3A_1266, %eq3A_1268 : vector<4x8192xi32>
    %roll3A_1270 = arith.constant 7936 : i32
    %roll3A_1271 = tpu.dynamic_rotate %select_n3A_1256 by %roll3A_1270 dim 1 : vector<4x8192xf32>, i32 -> vector<4x8192xf32>
    %roll3A_1272 = arith.constant 256 : i32
    %roll3A_1273 = tpu.dynamic_rotate %select_n3A_1256 by %roll3A_1272 dim 1 : vector<4x8192xf32>, i32 -> vector<4x8192xf32>
    %roll3A_1274 = arith.constant 7936 : i32
    %roll3A_1275 = tpu.dynamic_rotate %select_n3A_1257 by %roll3A_1274 dim 1 : vector<4x8192xi32>, i32 -> vector<4x8192xi32>
    %roll3A_1276 = arith.constant 256 : i32
    %roll3A_1277 = tpu.dynamic_rotate %select_n3A_1257 by %roll3A_1276 dim 1 : vector<4x8192xi32>, i32 -> vector<4x8192xi32>
    %select_n3A_1278 = arith.select %eq3A_1263, %roll3A_1271, %roll3A_1273 : vector<4x8192xi1>, vector<4x8192xf32>
    %select_n3A_1279 = arith.select %eq3A_1263, %roll3A_1275, %roll3A_1277 : vector<4x8192xi1>, vector<4x8192xi32>
    %gt3A_1280 = arith.cmpf ogt, %select_n3A_1256, %select_n3A_1278 : vector<4x8192xf32>
    %eq3A_1281 = arith.cmpf oeq, %select_n3A_1256, %select_n3A_1278 : vector<4x8192xf32>
    %lt3A_1282 = arith.cmpi slt, %select_n3A_1257, %select_n3A_1279 : vector<4x8192xi32>
    %and3A_1283 = arith.andi %eq3A_1281, %lt3A_1282 : vector<4x8192xi1>
    %or3A_1284 = arith.ori %gt3A_1280, %and3A_1283 : vector<4x8192xi1>
    %eq3A_1285 = arith.xori %eq3A_1269, %eq3A_1263 : vector<4x8192xi1>
    %eq3A_1286 = arith.constant dense<true> : vector<4x8192xi1>
    %eq3A_1287 = arith.xori %eq3A_1285, %eq3A_1286 : vector<4x8192xi1>
    %eq3A_1288 = arith.xori %eq3A_1287, %or3A_1284 : vector<4x8192xi1>
    %eq3A_1289 = arith.constant dense<true> : vector<4x8192xi1>
    %eq3A_1290 = arith.xori %eq3A_1288, %eq3A_1289 : vector<4x8192xi1>
    %select_n3A_1291 = arith.select %eq3A_1290, %select_n3A_1256, %select_n3A_1278 : vector<4x8192xi1>, vector<4x8192xf32>
    %select_n3A_1292 = arith.select %eq3A_1290, %select_n3A_1257, %select_n3A_1279 : vector<4x8192xi1>, vector<4x8192xi32>
    %and3A_1293 = arith.constant 128 : i32
    %and3A_1294 = vector.broadcast %and3A_1293 : i32 to vector<4x8192xi32>
    %and3A_1295 = arith.andi %iota3A_4, %and3A_1294 : vector<4x8192xi32>
    %eq3A_1296 = arith.constant 0 : i32
    %eq3A_1297 = vector.broadcast %eq3A_1296 : i32 to vector<4x8192xi32>
    %eq3A_1298 = arith.cmpi eq, %and3A_1295, %eq3A_1297 : vector<4x8192xi32>
    %and3A_1299 = arith.constant 512 : i32
    %and3A_1300 = vector.broadcast %and3A_1299 : i32 to vector<4x8192xi32>
    %and3A_1301 = arith.andi %iota3A_4, %and3A_1300 : vector<4x8192xi32>
    %eq3A_1302 = arith.constant 0 : i32
    %eq3A_1303 = vector.broadcast %eq3A_1302 : i32 to vector<4x8192xi32>
    %eq3A_1304 = arith.cmpi eq, %and3A_1301, %eq3A_1303 : vector<4x8192xi32>
    %roll3A_1305 = arith.constant 8064 : i32
    %roll3A_1306 = tpu.dynamic_rotate %select_n3A_1291 by %roll3A_1305 dim 1 : vector<4x8192xf32>, i32 -> vector<4x8192xf32>
    %roll3A_1307 = arith.constant 128 : i32
    %roll3A_1308 = tpu.dynamic_rotate %select_n3A_1291 by %roll3A_1307 dim 1 : vector<4x8192xf32>, i32 -> vector<4x8192xf32>
    %roll3A_1309 = arith.constant 8064 : i32
    %roll3A_1310 = tpu.dynamic_rotate %select_n3A_1292 by %roll3A_1309 dim 1 : vector<4x8192xi32>, i32 -> vector<4x8192xi32>
    %roll3A_1311 = arith.constant 128 : i32
    %roll3A_1312 = tpu.dynamic_rotate %select_n3A_1292 by %roll3A_1311 dim 1 : vector<4x8192xi32>, i32 -> vector<4x8192xi32>
    %select_n3A_1313 = arith.select %eq3A_1298, %roll3A_1306, %roll3A_1308 : vector<4x8192xi1>, vector<4x8192xf32>
    %select_n3A_1314 = arith.select %eq3A_1298, %roll3A_1310, %roll3A_1312 : vector<4x8192xi1>, vector<4x8192xi32>
    %gt3A_1315 = arith.cmpf ogt, %select_n3A_1291, %select_n3A_1313 : vector<4x8192xf32>
    %eq3A_1316 = arith.cmpf oeq, %select_n3A_1291, %select_n3A_1313 : vector<4x8192xf32>
    %lt3A_1317 = arith.cmpi slt, %select_n3A_1292, %select_n3A_1314 : vector<4x8192xi32>
    %and3A_1318 = arith.andi %eq3A_1316, %lt3A_1317 : vector<4x8192xi1>
    %or3A_1319 = arith.ori %gt3A_1315, %and3A_1318 : vector<4x8192xi1>
    %eq3A_1320 = arith.xori %eq3A_1304, %eq3A_1298 : vector<4x8192xi1>
    %eq3A_1321 = arith.constant dense<true> : vector<4x8192xi1>
    %eq3A_1322 = arith.xori %eq3A_1320, %eq3A_1321 : vector<4x8192xi1>
    %eq3A_1323 = arith.xori %eq3A_1322, %or3A_1319 : vector<4x8192xi1>
    %eq3A_1324 = arith.constant dense<true> : vector<4x8192xi1>
    %eq3A_1325 = arith.xori %eq3A_1323, %eq3A_1324 : vector<4x8192xi1>
    %select_n3A_1326 = arith.select %eq3A_1325, %select_n3A_1291, %select_n3A_1313 : vector<4x8192xi1>, vector<4x8192xf32>
    %select_n3A_1327 = arith.select %eq3A_1325, %select_n3A_1292, %select_n3A_1314 : vector<4x8192xi1>, vector<4x8192xi32>
    %and3A_1328 = arith.constant 64 : i32
    %and3A_1329 = vector.broadcast %and3A_1328 : i32 to vector<4x8192xi32>
    %and3A_1330 = arith.andi %iota3A_4, %and3A_1329 : vector<4x8192xi32>
    %eq3A_1331 = arith.constant 0 : i32
    %eq3A_1332 = vector.broadcast %eq3A_1331 : i32 to vector<4x8192xi32>
    %eq3A_1333 = arith.cmpi eq, %and3A_1330, %eq3A_1332 : vector<4x8192xi32>
    %and3A_1334 = arith.constant 512 : i32
    %and3A_1335 = vector.broadcast %and3A_1334 : i32 to vector<4x8192xi32>
    %and3A_1336 = arith.andi %iota3A_4, %and3A_1335 : vector<4x8192xi32>
    %eq3A_1337 = arith.constant 0 : i32
    %eq3A_1338 = vector.broadcast %eq3A_1337 : i32 to vector<4x8192xi32>
    %eq3A_1339 = arith.cmpi eq, %and3A_1336, %eq3A_1338 : vector<4x8192xi32>
    %roll3A_1340 = arith.constant 8128 : i32
    %roll3A_1341 = tpu.dynamic_rotate %select_n3A_1326 by %roll3A_1340 dim 1 : vector<4x8192xf32>, i32 -> vector<4x8192xf32>
    %roll3A_1342 = arith.constant 64 : i32
    %roll3A_1343 = tpu.dynamic_rotate %select_n3A_1326 by %roll3A_1342 dim 1 : vector<4x8192xf32>, i32 -> vector<4x8192xf32>
    %roll3A_1344 = arith.constant 8128 : i32
    %roll3A_1345 = tpu.dynamic_rotate %select_n3A_1327 by %roll3A_1344 dim 1 : vector<4x8192xi32>, i32 -> vector<4x8192xi32>
    %roll3A_1346 = arith.constant 64 : i32
    %roll3A_1347 = tpu.dynamic_rotate %select_n3A_1327 by %roll3A_1346 dim 1 : vector<4x8192xi32>, i32 -> vector<4x8192xi32>
    %select_n3A_1348 = arith.select %eq3A_1333, %roll3A_1341, %roll3A_1343 : vector<4x8192xi1>, vector<4x8192xf32>
    %select_n3A_1349 = arith.select %eq3A_1333, %roll3A_1345, %roll3A_1347 : vector<4x8192xi1>, vector<4x8192xi32>
    %gt3A_1350 = arith.cmpf ogt, %select_n3A_1326, %select_n3A_1348 : vector<4x8192xf32>
    %eq3A_1351 = arith.cmpf oeq, %select_n3A_1326, %select_n3A_1348 : vector<4x8192xf32>
    %lt3A_1352 = arith.cmpi slt, %select_n3A_1327, %select_n3A_1349 : vector<4x8192xi32>
    %and3A_1353 = arith.andi %eq3A_1351, %lt3A_1352 : vector<4x8192xi1>
    %or3A_1354 = arith.ori %gt3A_1350, %and3A_1353 : vector<4x8192xi1>
    %eq3A_1355 = arith.xori %eq3A_1339, %eq3A_1333 : vector<4x8192xi1>
    %eq3A_1356 = arith.constant dense<true> : vector<4x8192xi1>
    %eq3A_1357 = arith.xori %eq3A_1355, %eq3A_1356 : vector<4x8192xi1>
    %eq3A_1358 = arith.xori %eq3A_1357, %or3A_1354 : vector<4x8192xi1>
    %eq3A_1359 = arith.constant dense<true> : vector<4x8192xi1>
    %eq3A_1360 = arith.xori %eq3A_1358, %eq3A_1359 : vector<4x8192xi1>
    %select_n3A_1361 = arith.select %eq3A_1360, %select_n3A_1326, %select_n3A_1348 : vector<4x8192xi1>, vector<4x8192xf32>
    %select_n3A_1362 = arith.select %eq3A_1360, %select_n3A_1327, %select_n3A_1349 : vector<4x8192xi1>, vector<4x8192xi32>
    %and3A_1363 = arith.constant 32 : i32
    %and3A_1364 = vector.broadcast %and3A_1363 : i32 to vector<4x8192xi32>
    %and3A_1365 = arith.andi %iota3A_4, %and3A_1364 : vector<4x8192xi32>
    %eq3A_1366 = arith.constant 0 : i32
    %eq3A_1367 = vector.broadcast %eq3A_1366 : i32 to vector<4x8192xi32>
    %eq3A_1368 = arith.cmpi eq, %and3A_1365, %eq3A_1367 : vector<4x8192xi32>
    %and3A_1369 = arith.constant 512 : i32
    %and3A_1370 = vector.broadcast %and3A_1369 : i32 to vector<4x8192xi32>
    %and3A_1371 = arith.andi %iota3A_4, %and3A_1370 : vector<4x8192xi32>
    %eq3A_1372 = arith.constant 0 : i32
    %eq3A_1373 = vector.broadcast %eq3A_1372 : i32 to vector<4x8192xi32>
    %eq3A_1374 = arith.cmpi eq, %and3A_1371, %eq3A_1373 : vector<4x8192xi32>
    %roll3A_1375 = arith.constant 8160 : i32
    %roll3A_1376 = tpu.dynamic_rotate %select_n3A_1361 by %roll3A_1375 dim 1 : vector<4x8192xf32>, i32 -> vector<4x8192xf32>
    %roll3A_1377 = arith.constant 32 : i32
    %roll3A_1378 = tpu.dynamic_rotate %select_n3A_1361 by %roll3A_1377 dim 1 : vector<4x8192xf32>, i32 -> vector<4x8192xf32>
    %roll3A_1379 = arith.constant 8160 : i32
    %roll3A_1380 = tpu.dynamic_rotate %select_n3A_1362 by %roll3A_1379 dim 1 : vector<4x8192xi32>, i32 -> vector<4x8192xi32>
    %roll3A_1381 = arith.constant 32 : i32
    %roll3A_1382 = tpu.dynamic_rotate %select_n3A_1362 by %roll3A_1381 dim 1 : vector<4x8192xi32>, i32 -> vector<4x8192xi32>
    %select_n3A_1383 = arith.select %eq3A_1368, %roll3A_1376, %roll3A_1378 : vector<4x8192xi1>, vector<4x8192xf32>
    %select_n3A_1384 = arith.select %eq3A_1368, %roll3A_1380, %roll3A_1382 : vector<4x8192xi1>, vector<4x8192xi32>
    %gt3A_1385 = arith.cmpf ogt, %select_n3A_1361, %select_n3A_1383 : vector<4x8192xf32>
    %eq3A_1386 = arith.cmpf oeq, %select_n3A_1361, %select_n3A_1383 : vector<4x8192xf32>
    %lt3A_1387 = arith.cmpi slt, %select_n3A_1362, %select_n3A_1384 : vector<4x8192xi32>
    %and3A_1388 = arith.andi %eq3A_1386, %lt3A_1387 : vector<4x8192xi1>
    %or3A_1389 = arith.ori %gt3A_1385, %and3A_1388 : vector<4x8192xi1>
    %eq3A_1390 = arith.xori %eq3A_1374, %eq3A_1368 : vector<4x8192xi1>
    %eq3A_1391 = arith.constant dense<true> : vector<4x8192xi1>
    %eq3A_1392 = arith.xori %eq3A_1390, %eq3A_1391 : vector<4x8192xi1>
    %eq3A_1393 = arith.xori %eq3A_1392, %or3A_1389 : vector<4x8192xi1>
    %eq3A_1394 = arith.constant dense<true> : vector<4x8192xi1>
    %eq3A_1395 = arith.xori %eq3A_1393, %eq3A_1394 : vector<4x8192xi1>
    %select_n3A_1396 = arith.select %eq3A_1395, %select_n3A_1361, %select_n3A_1383 : vector<4x8192xi1>, vector<4x8192xf32>
    %select_n3A_1397 = arith.select %eq3A_1395, %select_n3A_1362, %select_n3A_1384 : vector<4x8192xi1>, vector<4x8192xi32>
    %and3A_1398 = arith.constant 16 : i32
    %and3A_1399 = vector.broadcast %and3A_1398 : i32 to vector<4x8192xi32>
    %and3A_1400 = arith.andi %iota3A_4, %and3A_1399 : vector<4x8192xi32>
    %eq3A_1401 = arith.constant 0 : i32
    %eq3A_1402 = vector.broadcast %eq3A_1401 : i32 to vector<4x8192xi32>
    %eq3A_1403 = arith.cmpi eq, %and3A_1400, %eq3A_1402 : vector<4x8192xi32>
    %and3A_1404 = arith.constant 512 : i32
    %and3A_1405 = vector.broadcast %and3A_1404 : i32 to vector<4x8192xi32>
    %and3A_1406 = arith.andi %iota3A_4, %and3A_1405 : vector<4x8192xi32>
    %eq3A_1407 = arith.constant 0 : i32
    %eq3A_1408 = vector.broadcast %eq3A_1407 : i32 to vector<4x8192xi32>
    %eq3A_1409 = arith.cmpi eq, %and3A_1406, %eq3A_1408 : vector<4x8192xi32>
    %roll3A_1410 = arith.constant 8176 : i32
    %roll3A_1411 = tpu.dynamic_rotate %select_n3A_1396 by %roll3A_1410 dim 1 : vector<4x8192xf32>, i32 -> vector<4x8192xf32>
    %roll3A_1412 = arith.constant 16 : i32
    %roll3A_1413 = tpu.dynamic_rotate %select_n3A_1396 by %roll3A_1412 dim 1 : vector<4x8192xf32>, i32 -> vector<4x8192xf32>
    %roll3A_1414 = arith.constant 8176 : i32
    %roll3A_1415 = tpu.dynamic_rotate %select_n3A_1397 by %roll3A_1414 dim 1 : vector<4x8192xi32>, i32 -> vector<4x8192xi32>
    %roll3A_1416 = arith.constant 16 : i32
    %roll3A_1417 = tpu.dynamic_rotate %select_n3A_1397 by %roll3A_1416 dim 1 : vector<4x8192xi32>, i32 -> vector<4x8192xi32>
    %select_n3A_1418 = arith.select %eq3A_1403, %roll3A_1411, %roll3A_1413 : vector<4x8192xi1>, vector<4x8192xf32>
    %select_n3A_1419 = arith.select %eq3A_1403, %roll3A_1415, %roll3A_1417 : vector<4x8192xi1>, vector<4x8192xi32>
    %gt3A_1420 = arith.cmpf ogt, %select_n3A_1396, %select_n3A_1418 : vector<4x8192xf32>
    %eq3A_1421 = arith.cmpf oeq, %select_n3A_1396, %select_n3A_1418 : vector<4x8192xf32>
    %lt3A_1422 = arith.cmpi slt, %select_n3A_1397, %select_n3A_1419 : vector<4x8192xi32>
    %and3A_1423 = arith.andi %eq3A_1421, %lt3A_1422 : vector<4x8192xi1>
    %or3A_1424 = arith.ori %gt3A_1420, %and3A_1423 : vector<4x8192xi1>
    %eq3A_1425 = arith.xori %eq3A_1409, %eq3A_1403 : vector<4x8192xi1>
    %eq3A_1426 = arith.constant dense<true> : vector<4x8192xi1>
    %eq3A_1427 = arith.xori %eq3A_1425, %eq3A_1426 : vector<4x8192xi1>
    %eq3A_1428 = arith.xori %eq3A_1427, %or3A_1424 : vector<4x8192xi1>
    %eq3A_1429 = arith.constant dense<true> : vector<4x8192xi1>
    %eq3A_1430 = arith.xori %eq3A_1428, %eq3A_1429 : vector<4x8192xi1>
    %select_n3A_1431 = arith.select %eq3A_1430, %select_n3A_1396, %select_n3A_1418 : vector<4x8192xi1>, vector<4x8192xf32>
    %select_n3A_1432 = arith.select %eq3A_1430, %select_n3A_1397, %select_n3A_1419 : vector<4x8192xi1>, vector<4x8192xi32>
    %and3A_1433 = arith.constant 8 : i32
    %and3A_1434 = vector.broadcast %and3A_1433 : i32 to vector<4x8192xi32>
    %and3A_1435 = arith.andi %iota3A_4, %and3A_1434 : vector<4x8192xi32>
    %eq3A_1436 = arith.constant 0 : i32
    %eq3A_1437 = vector.broadcast %eq3A_1436 : i32 to vector<4x8192xi32>
    %eq3A_1438 = arith.cmpi eq, %and3A_1435, %eq3A_1437 : vector<4x8192xi32>
    %and3A_1439 = arith.constant 512 : i32
    %and3A_1440 = vector.broadcast %and3A_1439 : i32 to vector<4x8192xi32>
    %and3A_1441 = arith.andi %iota3A_4, %and3A_1440 : vector<4x8192xi32>
    %eq3A_1442 = arith.constant 0 : i32
    %eq3A_1443 = vector.broadcast %eq3A_1442 : i32 to vector<4x8192xi32>
    %eq3A_1444 = arith.cmpi eq, %and3A_1441, %eq3A_1443 : vector<4x8192xi32>
    %roll3A_1445 = arith.constant 8184 : i32
    %roll3A_1446 = tpu.dynamic_rotate %select_n3A_1431 by %roll3A_1445 dim 1 : vector<4x8192xf32>, i32 -> vector<4x8192xf32>
    %roll3A_1447 = arith.constant 8 : i32
    %roll3A_1448 = tpu.dynamic_rotate %select_n3A_1431 by %roll3A_1447 dim 1 : vector<4x8192xf32>, i32 -> vector<4x8192xf32>
    %roll3A_1449 = arith.constant 8184 : i32
    %roll3A_1450 = tpu.dynamic_rotate %select_n3A_1432 by %roll3A_1449 dim 1 : vector<4x8192xi32>, i32 -> vector<4x8192xi32>
    %roll3A_1451 = arith.constant 8 : i32
    %roll3A_1452 = tpu.dynamic_rotate %select_n3A_1432 by %roll3A_1451 dim 1 : vector<4x8192xi32>, i32 -> vector<4x8192xi32>
    %select_n3A_1453 = arith.select %eq3A_1438, %roll3A_1446, %roll3A_1448 : vector<4x8192xi1>, vector<4x8192xf32>
    %select_n3A_1454 = arith.select %eq3A_1438, %roll3A_1450, %roll3A_1452 : vector<4x8192xi1>, vector<4x8192xi32>
    %gt3A_1455 = arith.cmpf ogt, %select_n3A_1431, %select_n3A_1453 : vector<4x8192xf32>
    %eq3A_1456 = arith.cmpf oeq, %select_n3A_1431, %select_n3A_1453 : vector<4x8192xf32>
    %lt3A_1457 = arith.cmpi slt, %select_n3A_1432, %select_n3A_1454 : vector<4x8192xi32>
    %and3A_1458 = arith.andi %eq3A_1456, %lt3A_1457 : vector<4x8192xi1>
    %or3A_1459 = arith.ori %gt3A_1455, %and3A_1458 : vector<4x8192xi1>
    %eq3A_1460 = arith.xori %eq3A_1444, %eq3A_1438 : vector<4x8192xi1>
    %eq3A_1461 = arith.constant dense<true> : vector<4x8192xi1>
    %eq3A_1462 = arith.xori %eq3A_1460, %eq3A_1461 : vector<4x8192xi1>
    %eq3A_1463 = arith.xori %eq3A_1462, %or3A_1459 : vector<4x8192xi1>
    %eq3A_1464 = arith.constant dense<true> : vector<4x8192xi1>
    %eq3A_1465 = arith.xori %eq3A_1463, %eq3A_1464 : vector<4x8192xi1>
    %select_n3A_1466 = arith.select %eq3A_1465, %select_n3A_1431, %select_n3A_1453 : vector<4x8192xi1>, vector<4x8192xf32>
    %select_n3A_1467 = arith.select %eq3A_1465, %select_n3A_1432, %select_n3A_1454 : vector<4x8192xi1>, vector<4x8192xi32>
    %and3A_1468 = arith.constant 4 : i32
    %and3A_1469 = vector.broadcast %and3A_1468 : i32 to vector<4x8192xi32>
    %and3A_1470 = arith.andi %iota3A_4, %and3A_1469 : vector<4x8192xi32>
    %eq3A_1471 = arith.constant 0 : i32
    %eq3A_1472 = vector.broadcast %eq3A_1471 : i32 to vector<4x8192xi32>
    %eq3A_1473 = arith.cmpi eq, %and3A_1470, %eq3A_1472 : vector<4x8192xi32>
    %and3A_1474 = arith.constant 512 : i32
    %and3A_1475 = vector.broadcast %and3A_1474 : i32 to vector<4x8192xi32>
    %and3A_1476 = arith.andi %iota3A_4, %and3A_1475 : vector<4x8192xi32>
    %eq3A_1477 = arith.constant 0 : i32
    %eq3A_1478 = vector.broadcast %eq3A_1477 : i32 to vector<4x8192xi32>
    %eq3A_1479 = arith.cmpi eq, %and3A_1476, %eq3A_1478 : vector<4x8192xi32>
    %roll3A_1480 = arith.constant 8188 : i32
    %roll3A_1481 = tpu.dynamic_rotate %select_n3A_1466 by %roll3A_1480 dim 1 : vector<4x8192xf32>, i32 -> vector<4x8192xf32>
    %roll3A_1482 = arith.constant 4 : i32
    %roll3A_1483 = tpu.dynamic_rotate %select_n3A_1466 by %roll3A_1482 dim 1 : vector<4x8192xf32>, i32 -> vector<4x8192xf32>
    %roll3A_1484 = arith.constant 8188 : i32
    %roll3A_1485 = tpu.dynamic_rotate %select_n3A_1467 by %roll3A_1484 dim 1 : vector<4x8192xi32>, i32 -> vector<4x8192xi32>
    %roll3A_1486 = arith.constant 4 : i32
    %roll3A_1487 = tpu.dynamic_rotate %select_n3A_1467 by %roll3A_1486 dim 1 : vector<4x8192xi32>, i32 -> vector<4x8192xi32>
    %select_n3A_1488 = arith.select %eq3A_1473, %roll3A_1481, %roll3A_1483 : vector<4x8192xi1>, vector<4x8192xf32>
    %select_n3A_1489 = arith.select %eq3A_1473, %roll3A_1485, %roll3A_1487 : vector<4x8192xi1>, vector<4x8192xi32>
    %gt3A_1490 = arith.cmpf ogt, %select_n3A_1466, %select_n3A_1488 : vector<4x8192xf32>
    %eq3A_1491 = arith.cmpf oeq, %select_n3A_1466, %select_n3A_1488 : vector<4x8192xf32>
    %lt3A_1492 = arith.cmpi slt, %select_n3A_1467, %select_n3A_1489 : vector<4x8192xi32>
    %and3A_1493 = arith.andi %eq3A_1491, %lt3A_1492 : vector<4x8192xi1>
    %or3A_1494 = arith.ori %gt3A_1490, %and3A_1493 : vector<4x8192xi1>
    %eq3A_1495 = arith.xori %eq3A_1479, %eq3A_1473 : vector<4x8192xi1>
    %eq3A_1496 = arith.constant dense<true> : vector<4x8192xi1>
    %eq3A_1497 = arith.xori %eq3A_1495, %eq3A_1496 : vector<4x8192xi1>
    %eq3A_1498 = arith.xori %eq3A_1497, %or3A_1494 : vector<4x8192xi1>
    %eq3A_1499 = arith.constant dense<true> : vector<4x8192xi1>
    %eq3A_1500 = arith.xori %eq3A_1498, %eq3A_1499 : vector<4x8192xi1>
    %select_n3A_1501 = arith.select %eq3A_1500, %select_n3A_1466, %select_n3A_1488 : vector<4x8192xi1>, vector<4x8192xf32>
    %select_n3A_1502 = arith.select %eq3A_1500, %select_n3A_1467, %select_n3A_1489 : vector<4x8192xi1>, vector<4x8192xi32>
    %and3A_1503 = arith.constant 2 : i32
    %and3A_1504 = vector.broadcast %and3A_1503 : i32 to vector<4x8192xi32>
    %and3A_1505 = arith.andi %iota3A_4, %and3A_1504 : vector<4x8192xi32>
    %eq3A_1506 = arith.constant 0 : i32
    %eq3A_1507 = vector.broadcast %eq3A_1506 : i32 to vector<4x8192xi32>
    %eq3A_1508 = arith.cmpi eq, %and3A_1505, %eq3A_1507 : vector<4x8192xi32>
    %and3A_1509 = arith.constant 512 : i32
    %and3A_1510 = vector.broadcast %and3A_1509 : i32 to vector<4x8192xi32>
    %and3A_1511 = arith.andi %iota3A_4, %and3A_1510 : vector<4x8192xi32>
    %eq3A_1512 = arith.constant 0 : i32
    %eq3A_1513 = vector.broadcast %eq3A_1512 : i32 to vector<4x8192xi32>
    %eq3A_1514 = arith.cmpi eq, %and3A_1511, %eq3A_1513 : vector<4x8192xi32>
    %roll3A_1515 = arith.constant 8190 : i32
    %roll3A_1516 = tpu.dynamic_rotate %select_n3A_1501 by %roll3A_1515 dim 1 : vector<4x8192xf32>, i32 -> vector<4x8192xf32>
    %roll3A_1517 = arith.constant 2 : i32
    %roll3A_1518 = tpu.dynamic_rotate %select_n3A_1501 by %roll3A_1517 dim 1 : vector<4x8192xf32>, i32 -> vector<4x8192xf32>
    %roll3A_1519 = arith.constant 8190 : i32
    %roll3A_1520 = tpu.dynamic_rotate %select_n3A_1502 by %roll3A_1519 dim 1 : vector<4x8192xi32>, i32 -> vector<4x8192xi32>
    %roll3A_1521 = arith.constant 2 : i32
    %roll3A_1522 = tpu.dynamic_rotate %select_n3A_1502 by %roll3A_1521 dim 1 : vector<4x8192xi32>, i32 -> vector<4x8192xi32>
    %select_n3A_1523 = arith.select %eq3A_1508, %roll3A_1516, %roll3A_1518 : vector<4x8192xi1>, vector<4x8192xf32>
    %select_n3A_1524 = arith.select %eq3A_1508, %roll3A_1520, %roll3A_1522 : vector<4x8192xi1>, vector<4x8192xi32>
    %gt3A_1525 = arith.cmpf ogt, %select_n3A_1501, %select_n3A_1523 : vector<4x8192xf32>
    %eq3A_1526 = arith.cmpf oeq, %select_n3A_1501, %select_n3A_1523 : vector<4x8192xf32>
    %lt3A_1527 = arith.cmpi slt, %select_n3A_1502, %select_n3A_1524 : vector<4x8192xi32>
    %and3A_1528 = arith.andi %eq3A_1526, %lt3A_1527 : vector<4x8192xi1>
    %or3A_1529 = arith.ori %gt3A_1525, %and3A_1528 : vector<4x8192xi1>
    %eq3A_1530 = arith.xori %eq3A_1514, %eq3A_1508 : vector<4x8192xi1>
    %eq3A_1531 = arith.constant dense<true> : vector<4x8192xi1>
    %eq3A_1532 = arith.xori %eq3A_1530, %eq3A_1531 : vector<4x8192xi1>
    %eq3A_1533 = arith.xori %eq3A_1532, %or3A_1529 : vector<4x8192xi1>
    %eq3A_1534 = arith.constant dense<true> : vector<4x8192xi1>
    %eq3A_1535 = arith.xori %eq3A_1533, %eq3A_1534 : vector<4x8192xi1>
    %select_n3A_1536 = arith.select %eq3A_1535, %select_n3A_1501, %select_n3A_1523 : vector<4x8192xi1>, vector<4x8192xf32>
    %select_n3A_1537 = arith.select %eq3A_1535, %select_n3A_1502, %select_n3A_1524 : vector<4x8192xi1>, vector<4x8192xi32>
    %and3A_1538 = arith.constant 1 : i32
    %and3A_1539 = vector.broadcast %and3A_1538 : i32 to vector<4x8192xi32>
    %and3A_1540 = arith.andi %iota3A_4, %and3A_1539 : vector<4x8192xi32>
    %eq3A_1541 = arith.constant 0 : i32
    %eq3A_1542 = vector.broadcast %eq3A_1541 : i32 to vector<4x8192xi32>
    %eq3A_1543 = arith.cmpi eq, %and3A_1540, %eq3A_1542 : vector<4x8192xi32>
    %and3A_1544 = arith.constant 512 : i32
    %and3A_1545 = vector.broadcast %and3A_1544 : i32 to vector<4x8192xi32>
    %and3A_1546 = arith.andi %iota3A_4, %and3A_1545 : vector<4x8192xi32>
    %eq3A_1547 = arith.constant 0 : i32
    %eq3A_1548 = vector.broadcast %eq3A_1547 : i32 to vector<4x8192xi32>
    %eq3A_1549 = arith.cmpi eq, %and3A_1546, %eq3A_1548 : vector<4x8192xi32>
    %roll3A_1550 = arith.constant 8191 : i32
    %roll3A_1551 = tpu.dynamic_rotate %select_n3A_1536 by %roll3A_1550 dim 1 : vector<4x8192xf32>, i32 -> vector<4x8192xf32>
    %roll3A_1552 = arith.constant 1 : i32
    %roll3A_1553 = tpu.dynamic_rotate %select_n3A_1536 by %roll3A_1552 dim 1 : vector<4x8192xf32>, i32 -> vector<4x8192xf32>
    %roll3A_1554 = arith.constant 8191 : i32
    %roll3A_1555 = tpu.dynamic_rotate %select_n3A_1537 by %roll3A_1554 dim 1 : vector<4x8192xi32>, i32 -> vector<4x8192xi32>
    %roll3A_1556 = arith.constant 1 : i32
    %roll3A_1557 = tpu.dynamic_rotate %select_n3A_1537 by %roll3A_1556 dim 1 : vector<4x8192xi32>, i32 -> vector<4x8192xi32>
    %select_n3A_1558 = arith.select %eq3A_1543, %roll3A_1551, %roll3A_1553 : vector<4x8192xi1>, vector<4x8192xf32>
    %select_n3A_1559 = arith.select %eq3A_1543, %roll3A_1555, %roll3A_1557 : vector<4x8192xi1>, vector<4x8192xi32>
    %gt3A_1560 = arith.cmpf ogt, %select_n3A_1536, %select_n3A_1558 : vector<4x8192xf32>
    %eq3A_1561 = arith.cmpf oeq, %select_n3A_1536, %select_n3A_1558 : vector<4x8192xf32>
    %lt3A_1562 = arith.cmpi slt, %select_n3A_1537, %select_n3A_1559 : vector<4x8192xi32>
    %and3A_1563 = arith.andi %eq3A_1561, %lt3A_1562 : vector<4x8192xi1>
    %or3A_1564 = arith.ori %gt3A_1560, %and3A_1563 : vector<4x8192xi1>
    %eq3A_1565 = arith.xori %eq3A_1549, %eq3A_1543 : vector<4x8192xi1>
    %eq3A_1566 = arith.constant dense<true> : vector<4x8192xi1>
    %eq3A_1567 = arith.xori %eq3A_1565, %eq3A_1566 : vector<4x8192xi1>
    %eq3A_1568 = arith.xori %eq3A_1567, %or3A_1564 : vector<4x8192xi1>
    %eq3A_1569 = arith.constant dense<true> : vector<4x8192xi1>
    %eq3A_1570 = arith.xori %eq3A_1568, %eq3A_1569 : vector<4x8192xi1>
    %select_n3A_1571 = arith.select %eq3A_1570, %select_n3A_1536, %select_n3A_1558 : vector<4x8192xi1>, vector<4x8192xf32>
    %select_n3A_1572 = arith.select %eq3A_1570, %select_n3A_1537, %select_n3A_1559 : vector<4x8192xi1>, vector<4x8192xi32>
    %and3A_1573 = arith.constant 512 : i32
    %and3A_1574 = vector.broadcast %and3A_1573 : i32 to vector<4x8192xi32>
    %and3A_1575 = arith.andi %iota3A_4, %and3A_1574 : vector<4x8192xi32>
    %eq3A_1576 = arith.constant 0 : i32
    %eq3A_1577 = vector.broadcast %eq3A_1576 : i32 to vector<4x8192xi32>
    %eq3A_1578 = arith.cmpi eq, %and3A_1575, %eq3A_1577 : vector<4x8192xi32>
    %and3A_1579 = arith.constant 1024 : i32
    %and3A_1580 = vector.broadcast %and3A_1579 : i32 to vector<4x8192xi32>
    %and3A_1581 = arith.andi %iota3A_4, %and3A_1580 : vector<4x8192xi32>
    %eq3A_1582 = arith.constant 0 : i32
    %eq3A_1583 = vector.broadcast %eq3A_1582 : i32 to vector<4x8192xi32>
    %eq3A_1584 = arith.cmpi eq, %and3A_1581, %eq3A_1583 : vector<4x8192xi32>
    %roll3A_1585 = arith.constant 7680 : i32
    %roll3A_1586 = tpu.dynamic_rotate %select_n3A_1571 by %roll3A_1585 dim 1 : vector<4x8192xf32>, i32 -> vector<4x8192xf32>
    %roll3A_1587 = arith.constant 512 : i32
    %roll3A_1588 = tpu.dynamic_rotate %select_n3A_1571 by %roll3A_1587 dim 1 : vector<4x8192xf32>, i32 -> vector<4x8192xf32>
    %roll3A_1589 = arith.constant 7680 : i32
    %roll3A_1590 = tpu.dynamic_rotate %select_n3A_1572 by %roll3A_1589 dim 1 : vector<4x8192xi32>, i32 -> vector<4x8192xi32>
    %roll3A_1591 = arith.constant 512 : i32
    %roll3A_1592 = tpu.dynamic_rotate %select_n3A_1572 by %roll3A_1591 dim 1 : vector<4x8192xi32>, i32 -> vector<4x8192xi32>
    %select_n3A_1593 = arith.select %eq3A_1578, %roll3A_1586, %roll3A_1588 : vector<4x8192xi1>, vector<4x8192xf32>
    %select_n3A_1594 = arith.select %eq3A_1578, %roll3A_1590, %roll3A_1592 : vector<4x8192xi1>, vector<4x8192xi32>
    %gt3A_1595 = arith.cmpf ogt, %select_n3A_1571, %select_n3A_1593 : vector<4x8192xf32>
    %eq3A_1596 = arith.cmpf oeq, %select_n3A_1571, %select_n3A_1593 : vector<4x8192xf32>
    %lt3A_1597 = arith.cmpi slt, %select_n3A_1572, %select_n3A_1594 : vector<4x8192xi32>
    %and3A_1598 = arith.andi %eq3A_1596, %lt3A_1597 : vector<4x8192xi1>
    %or3A_1599 = arith.ori %gt3A_1595, %and3A_1598 : vector<4x8192xi1>
    %eq3A_1600 = arith.xori %eq3A_1584, %eq3A_1578 : vector<4x8192xi1>
    %eq3A_1601 = arith.constant dense<true> : vector<4x8192xi1>
    %eq3A_1602 = arith.xori %eq3A_1600, %eq3A_1601 : vector<4x8192xi1>
    %eq3A_1603 = arith.xori %eq3A_1602, %or3A_1599 : vector<4x8192xi1>
    %eq3A_1604 = arith.constant dense<true> : vector<4x8192xi1>
    %eq3A_1605 = arith.xori %eq3A_1603, %eq3A_1604 : vector<4x8192xi1>
    %select_n3A_1606 = arith.select %eq3A_1605, %select_n3A_1571, %select_n3A_1593 : vector<4x8192xi1>, vector<4x8192xf32>
    %select_n3A_1607 = arith.select %eq3A_1605, %select_n3A_1572, %select_n3A_1594 : vector<4x8192xi1>, vector<4x8192xi32>
    %and3A_1608 = arith.constant 256 : i32
    %and3A_1609 = vector.broadcast %and3A_1608 : i32 to vector<4x8192xi32>
    %and3A_1610 = arith.andi %iota3A_4, %and3A_1609 : vector<4x8192xi32>
    %eq3A_1611 = arith.constant 0 : i32
    %eq3A_1612 = vector.broadcast %eq3A_1611 : i32 to vector<4x8192xi32>
    %eq3A_1613 = arith.cmpi eq, %and3A_1610, %eq3A_1612 : vector<4x8192xi32>
    %and3A_1614 = arith.constant 1024 : i32
    %and3A_1615 = vector.broadcast %and3A_1614 : i32 to vector<4x8192xi32>
    %and3A_1616 = arith.andi %iota3A_4, %and3A_1615 : vector<4x8192xi32>
    %eq3A_1617 = arith.constant 0 : i32
    %eq3A_1618 = vector.broadcast %eq3A_1617 : i32 to vector<4x8192xi32>
    %eq3A_1619 = arith.cmpi eq, %and3A_1616, %eq3A_1618 : vector<4x8192xi32>
    %roll3A_1620 = arith.constant 7936 : i32
    %roll3A_1621 = tpu.dynamic_rotate %select_n3A_1606 by %roll3A_1620 dim 1 : vector<4x8192xf32>, i32 -> vector<4x8192xf32>
    %roll3A_1622 = arith.constant 256 : i32
    %roll3A_1623 = tpu.dynamic_rotate %select_n3A_1606 by %roll3A_1622 dim 1 : vector<4x8192xf32>, i32 -> vector<4x8192xf32>
    %roll3A_1624 = arith.constant 7936 : i32
    %roll3A_1625 = tpu.dynamic_rotate %select_n3A_1607 by %roll3A_1624 dim 1 : vector<4x8192xi32>, i32 -> vector<4x8192xi32>
    %roll3A_1626 = arith.constant 256 : i32
    %roll3A_1627 = tpu.dynamic_rotate %select_n3A_1607 by %roll3A_1626 dim 1 : vector<4x8192xi32>, i32 -> vector<4x8192xi32>
    %select_n3A_1628 = arith.select %eq3A_1613, %roll3A_1621, %roll3A_1623 : vector<4x8192xi1>, vector<4x8192xf32>
    %select_n3A_1629 = arith.select %eq3A_1613, %roll3A_1625, %roll3A_1627 : vector<4x8192xi1>, vector<4x8192xi32>
    %gt3A_1630 = arith.cmpf ogt, %select_n3A_1606, %select_n3A_1628 : vector<4x8192xf32>
    %eq3A_1631 = arith.cmpf oeq, %select_n3A_1606, %select_n3A_1628 : vector<4x8192xf32>
    %lt3A_1632 = arith.cmpi slt, %select_n3A_1607, %select_n3A_1629 : vector<4x8192xi32>
    %and3A_1633 = arith.andi %eq3A_1631, %lt3A_1632 : vector<4x8192xi1>
    %or3A_1634 = arith.ori %gt3A_1630, %and3A_1633 : vector<4x8192xi1>
    %eq3A_1635 = arith.xori %eq3A_1619, %eq3A_1613 : vector<4x8192xi1>
    %eq3A_1636 = arith.constant dense<true> : vector<4x8192xi1>
    %eq3A_1637 = arith.xori %eq3A_1635, %eq3A_1636 : vector<4x8192xi1>
    %eq3A_1638 = arith.xori %eq3A_1637, %or3A_1634 : vector<4x8192xi1>
    %eq3A_1639 = arith.constant dense<true> : vector<4x8192xi1>
    %eq3A_1640 = arith.xori %eq3A_1638, %eq3A_1639 : vector<4x8192xi1>
    %select_n3A_1641 = arith.select %eq3A_1640, %select_n3A_1606, %select_n3A_1628 : vector<4x8192xi1>, vector<4x8192xf32>
    %select_n3A_1642 = arith.select %eq3A_1640, %select_n3A_1607, %select_n3A_1629 : vector<4x8192xi1>, vector<4x8192xi32>
    %and3A_1643 = arith.constant 128 : i32
    %and3A_1644 = vector.broadcast %and3A_1643 : i32 to vector<4x8192xi32>
    %and3A_1645 = arith.andi %iota3A_4, %and3A_1644 : vector<4x8192xi32>
    %eq3A_1646 = arith.constant 0 : i32
    %eq3A_1647 = vector.broadcast %eq3A_1646 : i32 to vector<4x8192xi32>
    %eq3A_1648 = arith.cmpi eq, %and3A_1645, %eq3A_1647 : vector<4x8192xi32>
    %and3A_1649 = arith.constant 1024 : i32
    %and3A_1650 = vector.broadcast %and3A_1649 : i32 to vector<4x8192xi32>
    %and3A_1651 = arith.andi %iota3A_4, %and3A_1650 : vector<4x8192xi32>
    %eq3A_1652 = arith.constant 0 : i32
    %eq3A_1653 = vector.broadcast %eq3A_1652 : i32 to vector<4x8192xi32>
    %eq3A_1654 = arith.cmpi eq, %and3A_1651, %eq3A_1653 : vector<4x8192xi32>
    %roll3A_1655 = arith.constant 8064 : i32
    %roll3A_1656 = tpu.dynamic_rotate %select_n3A_1641 by %roll3A_1655 dim 1 : vector<4x8192xf32>, i32 -> vector<4x8192xf32>
    %roll3A_1657 = arith.constant 128 : i32
    %roll3A_1658 = tpu.dynamic_rotate %select_n3A_1641 by %roll3A_1657 dim 1 : vector<4x8192xf32>, i32 -> vector<4x8192xf32>
    %roll3A_1659 = arith.constant 8064 : i32
    %roll3A_1660 = tpu.dynamic_rotate %select_n3A_1642 by %roll3A_1659 dim 1 : vector<4x8192xi32>, i32 -> vector<4x8192xi32>
    %roll3A_1661 = arith.constant 128 : i32
    %roll3A_1662 = tpu.dynamic_rotate %select_n3A_1642 by %roll3A_1661 dim 1 : vector<4x8192xi32>, i32 -> vector<4x8192xi32>
    %select_n3A_1663 = arith.select %eq3A_1648, %roll3A_1656, %roll3A_1658 : vector<4x8192xi1>, vector<4x8192xf32>
    %select_n3A_1664 = arith.select %eq3A_1648, %roll3A_1660, %roll3A_1662 : vector<4x8192xi1>, vector<4x8192xi32>
    %gt3A_1665 = arith.cmpf ogt, %select_n3A_1641, %select_n3A_1663 : vector<4x8192xf32>
    %eq3A_1666 = arith.cmpf oeq, %select_n3A_1641, %select_n3A_1663 : vector<4x8192xf32>
    %lt3A_1667 = arith.cmpi slt, %select_n3A_1642, %select_n3A_1664 : vector<4x8192xi32>
    %and3A_1668 = arith.andi %eq3A_1666, %lt3A_1667 : vector<4x8192xi1>
    %or3A_1669 = arith.ori %gt3A_1665, %and3A_1668 : vector<4x8192xi1>
    %eq3A_1670 = arith.xori %eq3A_1654, %eq3A_1648 : vector<4x8192xi1>
    %eq3A_1671 = arith.constant dense<true> : vector<4x8192xi1>
    %eq3A_1672 = arith.xori %eq3A_1670, %eq3A_1671 : vector<4x8192xi1>
    %eq3A_1673 = arith.xori %eq3A_1672, %or3A_1669 : vector<4x8192xi1>
    %eq3A_1674 = arith.constant dense<true> : vector<4x8192xi1>
    %eq3A_1675 = arith.xori %eq3A_1673, %eq3A_1674 : vector<4x8192xi1>
    %select_n3A_1676 = arith.select %eq3A_1675, %select_n3A_1641, %select_n3A_1663 : vector<4x8192xi1>, vector<4x8192xf32>
    %select_n3A_1677 = arith.select %eq3A_1675, %select_n3A_1642, %select_n3A_1664 : vector<4x8192xi1>, vector<4x8192xi32>
    %and3A_1678 = arith.constant 64 : i32
    %and3A_1679 = vector.broadcast %and3A_1678 : i32 to vector<4x8192xi32>
    %and3A_1680 = arith.andi %iota3A_4, %and3A_1679 : vector<4x8192xi32>
    %eq3A_1681 = arith.constant 0 : i32
    %eq3A_1682 = vector.broadcast %eq3A_1681 : i32 to vector<4x8192xi32>
    %eq3A_1683 = arith.cmpi eq, %and3A_1680, %eq3A_1682 : vector<4x8192xi32>
    %and3A_1684 = arith.constant 1024 : i32
    %and3A_1685 = vector.broadcast %and3A_1684 : i32 to vector<4x8192xi32>
    %and3A_1686 = arith.andi %iota3A_4, %and3A_1685 : vector<4x8192xi32>
    %eq3A_1687 = arith.constant 0 : i32
    %eq3A_1688 = vector.broadcast %eq3A_1687 : i32 to vector<4x8192xi32>
    %eq3A_1689 = arith.cmpi eq, %and3A_1686, %eq3A_1688 : vector<4x8192xi32>
    %roll3A_1690 = arith.constant 8128 : i32
    %roll3A_1691 = tpu.dynamic_rotate %select_n3A_1676 by %roll3A_1690 dim 1 : vector<4x8192xf32>, i32 -> vector<4x8192xf32>
    %roll3A_1692 = arith.constant 64 : i32
    %roll3A_1693 = tpu.dynamic_rotate %select_n3A_1676 by %roll3A_1692 dim 1 : vector<4x8192xf32>, i32 -> vector<4x8192xf32>
    %roll3A_1694 = arith.constant 8128 : i32
    %roll3A_1695 = tpu.dynamic_rotate %select_n3A_1677 by %roll3A_1694 dim 1 : vector<4x8192xi32>, i32 -> vector<4x8192xi32>
    %roll3A_1696 = arith.constant 64 : i32
    %roll3A_1697 = tpu.dynamic_rotate %select_n3A_1677 by %roll3A_1696 dim 1 : vector<4x8192xi32>, i32 -> vector<4x8192xi32>
    %select_n3A_1698 = arith.select %eq3A_1683, %roll3A_1691, %roll3A_1693 : vector<4x8192xi1>, vector<4x8192xf32>
    %select_n3A_1699 = arith.select %eq3A_1683, %roll3A_1695, %roll3A_1697 : vector<4x8192xi1>, vector<4x8192xi32>
    %gt3A_1700 = arith.cmpf ogt, %select_n3A_1676, %select_n3A_1698 : vector<4x8192xf32>
    %eq3A_1701 = arith.cmpf oeq, %select_n3A_1676, %select_n3A_1698 : vector<4x8192xf32>
    %lt3A_1702 = arith.cmpi slt, %select_n3A_1677, %select_n3A_1699 : vector<4x8192xi32>
    %and3A_1703 = arith.andi %eq3A_1701, %lt3A_1702 : vector<4x8192xi1>
    %or3A_1704 = arith.ori %gt3A_1700, %and3A_1703 : vector<4x8192xi1>
    %eq3A_1705 = arith.xori %eq3A_1689, %eq3A_1683 : vector<4x8192xi1>
    %eq3A_1706 = arith.constant dense<true> : vector<4x8192xi1>
    %eq3A_1707 = arith.xori %eq3A_1705, %eq3A_1706 : vector<4x8192xi1>
    %eq3A_1708 = arith.xori %eq3A_1707, %or3A_1704 : vector<4x8192xi1>
    %eq3A_1709 = arith.constant dense<true> : vector<4x8192xi1>
    %eq3A_1710 = arith.xori %eq3A_1708, %eq3A_1709 : vector<4x8192xi1>
    %select_n3A_1711 = arith.select %eq3A_1710, %select_n3A_1676, %select_n3A_1698 : vector<4x8192xi1>, vector<4x8192xf32>
    %select_n3A_1712 = arith.select %eq3A_1710, %select_n3A_1677, %select_n3A_1699 : vector<4x8192xi1>, vector<4x8192xi32>
    %and3A_1713 = arith.constant 32 : i32
    %and3A_1714 = vector.broadcast %and3A_1713 : i32 to vector<4x8192xi32>
    %and3A_1715 = arith.andi %iota3A_4, %and3A_1714 : vector<4x8192xi32>
    %eq3A_1716 = arith.constant 0 : i32
    %eq3A_1717 = vector.broadcast %eq3A_1716 : i32 to vector<4x8192xi32>
    %eq3A_1718 = arith.cmpi eq, %and3A_1715, %eq3A_1717 : vector<4x8192xi32>
    %and3A_1719 = arith.constant 1024 : i32
    %and3A_1720 = vector.broadcast %and3A_1719 : i32 to vector<4x8192xi32>
    %and3A_1721 = arith.andi %iota3A_4, %and3A_1720 : vector<4x8192xi32>
    %eq3A_1722 = arith.constant 0 : i32
    %eq3A_1723 = vector.broadcast %eq3A_1722 : i32 to vector<4x8192xi32>
    %eq3A_1724 = arith.cmpi eq, %and3A_1721, %eq3A_1723 : vector<4x8192xi32>
    %roll3A_1725 = arith.constant 8160 : i32
    %roll3A_1726 = tpu.dynamic_rotate %select_n3A_1711 by %roll3A_1725 dim 1 : vector<4x8192xf32>, i32 -> vector<4x8192xf32>
    %roll3A_1727 = arith.constant 32 : i32
    %roll3A_1728 = tpu.dynamic_rotate %select_n3A_1711 by %roll3A_1727 dim 1 : vector<4x8192xf32>, i32 -> vector<4x8192xf32>
    %roll3A_1729 = arith.constant 8160 : i32
    %roll3A_1730 = tpu.dynamic_rotate %select_n3A_1712 by %roll3A_1729 dim 1 : vector<4x8192xi32>, i32 -> vector<4x8192xi32>
    %roll3A_1731 = arith.constant 32 : i32
    %roll3A_1732 = tpu.dynamic_rotate %select_n3A_1712 by %roll3A_1731 dim 1 : vector<4x8192xi32>, i32 -> vector<4x8192xi32>
    %select_n3A_1733 = arith.select %eq3A_1718, %roll3A_1726, %roll3A_1728 : vector<4x8192xi1>, vector<4x8192xf32>
    %select_n3A_1734 = arith.select %eq3A_1718, %roll3A_1730, %roll3A_1732 : vector<4x8192xi1>, vector<4x8192xi32>
    %gt3A_1735 = arith.cmpf ogt, %select_n3A_1711, %select_n3A_1733 : vector<4x8192xf32>
    %eq3A_1736 = arith.cmpf oeq, %select_n3A_1711, %select_n3A_1733 : vector<4x8192xf32>
    %lt3A_1737 = arith.cmpi slt, %select_n3A_1712, %select_n3A_1734 : vector<4x8192xi32>
    %and3A_1738 = arith.andi %eq3A_1736, %lt3A_1737 : vector<4x8192xi1>
    %or3A_1739 = arith.ori %gt3A_1735, %and3A_1738 : vector<4x8192xi1>
    %eq3A_1740 = arith.xori %eq3A_1724, %eq3A_1718 : vector<4x8192xi1>
    %eq3A_1741 = arith.constant dense<true> : vector<4x8192xi1>
    %eq3A_1742 = arith.xori %eq3A_1740, %eq3A_1741 : vector<4x8192xi1>
    %eq3A_1743 = arith.xori %eq3A_1742, %or3A_1739 : vector<4x8192xi1>
    %eq3A_1744 = arith.constant dense<true> : vector<4x8192xi1>
    %eq3A_1745 = arith.xori %eq3A_1743, %eq3A_1744 : vector<4x8192xi1>
    %select_n3A_1746 = arith.select %eq3A_1745, %select_n3A_1711, %select_n3A_1733 : vector<4x8192xi1>, vector<4x8192xf32>
    %select_n3A_1747 = arith.select %eq3A_1745, %select_n3A_1712, %select_n3A_1734 : vector<4x8192xi1>, vector<4x8192xi32>
    %and3A_1748 = arith.constant 16 : i32
    %and3A_1749 = vector.broadcast %and3A_1748 : i32 to vector<4x8192xi32>
    %and3A_1750 = arith.andi %iota3A_4, %and3A_1749 : vector<4x8192xi32>
    %eq3A_1751 = arith.constant 0 : i32
    %eq3A_1752 = vector.broadcast %eq3A_1751 : i32 to vector<4x8192xi32>
    %eq3A_1753 = arith.cmpi eq, %and3A_1750, %eq3A_1752 : vector<4x8192xi32>
    %and3A_1754 = arith.constant 1024 : i32
    %and3A_1755 = vector.broadcast %and3A_1754 : i32 to vector<4x8192xi32>
    %and3A_1756 = arith.andi %iota3A_4, %and3A_1755 : vector<4x8192xi32>
    %eq3A_1757 = arith.constant 0 : i32
    %eq3A_1758 = vector.broadcast %eq3A_1757 : i32 to vector<4x8192xi32>
    %eq3A_1759 = arith.cmpi eq, %and3A_1756, %eq3A_1758 : vector<4x8192xi32>
    %roll3A_1760 = arith.constant 8176 : i32
    %roll3A_1761 = tpu.dynamic_rotate %select_n3A_1746 by %roll3A_1760 dim 1 : vector<4x8192xf32>, i32 -> vector<4x8192xf32>
    %roll3A_1762 = arith.constant 16 : i32
    %roll3A_1763 = tpu.dynamic_rotate %select_n3A_1746 by %roll3A_1762 dim 1 : vector<4x8192xf32>, i32 -> vector<4x8192xf32>
    %roll3A_1764 = arith.constant 8176 : i32
    %roll3A_1765 = tpu.dynamic_rotate %select_n3A_1747 by %roll3A_1764 dim 1 : vector<4x8192xi32>, i32 -> vector<4x8192xi32>
    %roll3A_1766 = arith.constant 16 : i32
    %roll3A_1767 = tpu.dynamic_rotate %select_n3A_1747 by %roll3A_1766 dim 1 : vector<4x8192xi32>, i32 -> vector<4x8192xi32>
    %select_n3A_1768 = arith.select %eq3A_1753, %roll3A_1761, %roll3A_1763 : vector<4x8192xi1>, vector<4x8192xf32>
    %select_n3A_1769 = arith.select %eq3A_1753, %roll3A_1765, %roll3A_1767 : vector<4x8192xi1>, vector<4x8192xi32>
    %gt3A_1770 = arith.cmpf ogt, %select_n3A_1746, %select_n3A_1768 : vector<4x8192xf32>
    %eq3A_1771 = arith.cmpf oeq, %select_n3A_1746, %select_n3A_1768 : vector<4x8192xf32>
    %lt3A_1772 = arith.cmpi slt, %select_n3A_1747, %select_n3A_1769 : vector<4x8192xi32>
    %and3A_1773 = arith.andi %eq3A_1771, %lt3A_1772 : vector<4x8192xi1>
    %or3A_1774 = arith.ori %gt3A_1770, %and3A_1773 : vector<4x8192xi1>
    %eq3A_1775 = arith.xori %eq3A_1759, %eq3A_1753 : vector<4x8192xi1>
    %eq3A_1776 = arith.constant dense<true> : vector<4x8192xi1>
    %eq3A_1777 = arith.xori %eq3A_1775, %eq3A_1776 : vector<4x8192xi1>
    %eq3A_1778 = arith.xori %eq3A_1777, %or3A_1774 : vector<4x8192xi1>
    %eq3A_1779 = arith.constant dense<true> : vector<4x8192xi1>
    %eq3A_1780 = arith.xori %eq3A_1778, %eq3A_1779 : vector<4x8192xi1>
    %select_n3A_1781 = arith.select %eq3A_1780, %select_n3A_1746, %select_n3A_1768 : vector<4x8192xi1>, vector<4x8192xf32>
    %select_n3A_1782 = arith.select %eq3A_1780, %select_n3A_1747, %select_n3A_1769 : vector<4x8192xi1>, vector<4x8192xi32>
    %and3A_1783 = arith.constant 8 : i32
    %and3A_1784 = vector.broadcast %and3A_1783 : i32 to vector<4x8192xi32>
    %and3A_1785 = arith.andi %iota3A_4, %and3A_1784 : vector<4x8192xi32>
    %eq3A_1786 = arith.constant 0 : i32
    %eq3A_1787 = vector.broadcast %eq3A_1786 : i32 to vector<4x8192xi32>
    %eq3A_1788 = arith.cmpi eq, %and3A_1785, %eq3A_1787 : vector<4x8192xi32>
    %and3A_1789 = arith.constant 1024 : i32
    %and3A_1790 = vector.broadcast %and3A_1789 : i32 to vector<4x8192xi32>
    %and3A_1791 = arith.andi %iota3A_4, %and3A_1790 : vector<4x8192xi32>
    %eq3A_1792 = arith.constant 0 : i32
    %eq3A_1793 = vector.broadcast %eq3A_1792 : i32 to vector<4x8192xi32>
    %eq3A_1794 = arith.cmpi eq, %and3A_1791, %eq3A_1793 : vector<4x8192xi32>
    %roll3A_1795 = arith.constant 8184 : i32
    %roll3A_1796 = tpu.dynamic_rotate %select_n3A_1781 by %roll3A_1795 dim 1 : vector<4x8192xf32>, i32 -> vector<4x8192xf32>
    %roll3A_1797 = arith.constant 8 : i32
    %roll3A_1798 = tpu.dynamic_rotate %select_n3A_1781 by %roll3A_1797 dim 1 : vector<4x8192xf32>, i32 -> vector<4x8192xf32>
    %roll3A_1799 = arith.constant 8184 : i32
    %roll3A_1800 = tpu.dynamic_rotate %select_n3A_1782 by %roll3A_1799 dim 1 : vector<4x8192xi32>, i32 -> vector<4x8192xi32>
    %roll3A_1801 = arith.constant 8 : i32
    %roll3A_1802 = tpu.dynamic_rotate %select_n3A_1782 by %roll3A_1801 dim 1 : vector<4x8192xi32>, i32 -> vector<4x8192xi32>
    %select_n3A_1803 = arith.select %eq3A_1788, %roll3A_1796, %roll3A_1798 : vector<4x8192xi1>, vector<4x8192xf32>
    %select_n3A_1804 = arith.select %eq3A_1788, %roll3A_1800, %roll3A_1802 : vector<4x8192xi1>, vector<4x8192xi32>
    %gt3A_1805 = arith.cmpf ogt, %select_n3A_1781, %select_n3A_1803 : vector<4x8192xf32>
    %eq3A_1806 = arith.cmpf oeq, %select_n3A_1781, %select_n3A_1803 : vector<4x8192xf32>
    %lt3A_1807 = arith.cmpi slt, %select_n3A_1782, %select_n3A_1804 : vector<4x8192xi32>
    %and3A_1808 = arith.andi %eq3A_1806, %lt3A_1807 : vector<4x8192xi1>
    %or3A_1809 = arith.ori %gt3A_1805, %and3A_1808 : vector<4x8192xi1>
    %eq3A_1810 = arith.xori %eq3A_1794, %eq3A_1788 : vector<4x8192xi1>
    %eq3A_1811 = arith.constant dense<true> : vector<4x8192xi1>
    %eq3A_1812 = arith.xori %eq3A_1810, %eq3A_1811 : vector<4x8192xi1>
    %eq3A_1813 = arith.xori %eq3A_1812, %or3A_1809 : vector<4x8192xi1>
    %eq3A_1814 = arith.constant dense<true> : vector<4x8192xi1>
    %eq3A_1815 = arith.xori %eq3A_1813, %eq3A_1814 : vector<4x8192xi1>
    %select_n3A_1816 = arith.select %eq3A_1815, %select_n3A_1781, %select_n3A_1803 : vector<4x8192xi1>, vector<4x8192xf32>
    %select_n3A_1817 = arith.select %eq3A_1815, %select_n3A_1782, %select_n3A_1804 : vector<4x8192xi1>, vector<4x8192xi32>
    %and3A_1818 = arith.constant 4 : i32
    %and3A_1819 = vector.broadcast %and3A_1818 : i32 to vector<4x8192xi32>
    %and3A_1820 = arith.andi %iota3A_4, %and3A_1819 : vector<4x8192xi32>
    %eq3A_1821 = arith.constant 0 : i32
    %eq3A_1822 = vector.broadcast %eq3A_1821 : i32 to vector<4x8192xi32>
    %eq3A_1823 = arith.cmpi eq, %and3A_1820, %eq3A_1822 : vector<4x8192xi32>
    %and3A_1824 = arith.constant 1024 : i32
    %and3A_1825 = vector.broadcast %and3A_1824 : i32 to vector<4x8192xi32>
    %and3A_1826 = arith.andi %iota3A_4, %and3A_1825 : vector<4x8192xi32>
    %eq3A_1827 = arith.constant 0 : i32
    %eq3A_1828 = vector.broadcast %eq3A_1827 : i32 to vector<4x8192xi32>
    %eq3A_1829 = arith.cmpi eq, %and3A_1826, %eq3A_1828 : vector<4x8192xi32>
    %roll3A_1830 = arith.constant 8188 : i32
    %roll3A_1831 = tpu.dynamic_rotate %select_n3A_1816 by %roll3A_1830 dim 1 : vector<4x8192xf32>, i32 -> vector<4x8192xf32>
    %roll3A_1832 = arith.constant 4 : i32
    %roll3A_1833 = tpu.dynamic_rotate %select_n3A_1816 by %roll3A_1832 dim 1 : vector<4x8192xf32>, i32 -> vector<4x8192xf32>
    %roll3A_1834 = arith.constant 8188 : i32
    %roll3A_1835 = tpu.dynamic_rotate %select_n3A_1817 by %roll3A_1834 dim 1 : vector<4x8192xi32>, i32 -> vector<4x8192xi32>
    %roll3A_1836 = arith.constant 4 : i32
    %roll3A_1837 = tpu.dynamic_rotate %select_n3A_1817 by %roll3A_1836 dim 1 : vector<4x8192xi32>, i32 -> vector<4x8192xi32>
    %select_n3A_1838 = arith.select %eq3A_1823, %roll3A_1831, %roll3A_1833 : vector<4x8192xi1>, vector<4x8192xf32>
    %select_n3A_1839 = arith.select %eq3A_1823, %roll3A_1835, %roll3A_1837 : vector<4x8192xi1>, vector<4x8192xi32>
    %gt3A_1840 = arith.cmpf ogt, %select_n3A_1816, %select_n3A_1838 : vector<4x8192xf32>
    %eq3A_1841 = arith.cmpf oeq, %select_n3A_1816, %select_n3A_1838 : vector<4x8192xf32>
    %lt3A_1842 = arith.cmpi slt, %select_n3A_1817, %select_n3A_1839 : vector<4x8192xi32>
    %and3A_1843 = arith.andi %eq3A_1841, %lt3A_1842 : vector<4x8192xi1>
    %or3A_1844 = arith.ori %gt3A_1840, %and3A_1843 : vector<4x8192xi1>
    %eq3A_1845 = arith.xori %eq3A_1829, %eq3A_1823 : vector<4x8192xi1>
    %eq3A_1846 = arith.constant dense<true> : vector<4x8192xi1>
    %eq3A_1847 = arith.xori %eq3A_1845, %eq3A_1846 : vector<4x8192xi1>
    %eq3A_1848 = arith.xori %eq3A_1847, %or3A_1844 : vector<4x8192xi1>
    %eq3A_1849 = arith.constant dense<true> : vector<4x8192xi1>
    %eq3A_1850 = arith.xori %eq3A_1848, %eq3A_1849 : vector<4x8192xi1>
    %select_n3A_1851 = arith.select %eq3A_1850, %select_n3A_1816, %select_n3A_1838 : vector<4x8192xi1>, vector<4x8192xf32>
    %select_n3A_1852 = arith.select %eq3A_1850, %select_n3A_1817, %select_n3A_1839 : vector<4x8192xi1>, vector<4x8192xi32>
    %and3A_1853 = arith.constant 2 : i32
    %and3A_1854 = vector.broadcast %and3A_1853 : i32 to vector<4x8192xi32>
    %and3A_1855 = arith.andi %iota3A_4, %and3A_1854 : vector<4x8192xi32>
    %eq3A_1856 = arith.constant 0 : i32
    %eq3A_1857 = vector.broadcast %eq3A_1856 : i32 to vector<4x8192xi32>
    %eq3A_1858 = arith.cmpi eq, %and3A_1855, %eq3A_1857 : vector<4x8192xi32>
    %and3A_1859 = arith.constant 1024 : i32
    %and3A_1860 = vector.broadcast %and3A_1859 : i32 to vector<4x8192xi32>
    %and3A_1861 = arith.andi %iota3A_4, %and3A_1860 : vector<4x8192xi32>
    %eq3A_1862 = arith.constant 0 : i32
    %eq3A_1863 = vector.broadcast %eq3A_1862 : i32 to vector<4x8192xi32>
    %eq3A_1864 = arith.cmpi eq, %and3A_1861, %eq3A_1863 : vector<4x8192xi32>
    %roll3A_1865 = arith.constant 8190 : i32
    %roll3A_1866 = tpu.dynamic_rotate %select_n3A_1851 by %roll3A_1865 dim 1 : vector<4x8192xf32>, i32 -> vector<4x8192xf32>
    %roll3A_1867 = arith.constant 2 : i32
    %roll3A_1868 = tpu.dynamic_rotate %select_n3A_1851 by %roll3A_1867 dim 1 : vector<4x8192xf32>, i32 -> vector<4x8192xf32>
    %roll3A_1869 = arith.constant 8190 : i32
    %roll3A_1870 = tpu.dynamic_rotate %select_n3A_1852 by %roll3A_1869 dim 1 : vector<4x8192xi32>, i32 -> vector<4x8192xi32>
    %roll3A_1871 = arith.constant 2 : i32
    %roll3A_1872 = tpu.dynamic_rotate %select_n3A_1852 by %roll3A_1871 dim 1 : vector<4x8192xi32>, i32 -> vector<4x8192xi32>
    %select_n3A_1873 = arith.select %eq3A_1858, %roll3A_1866, %roll3A_1868 : vector<4x8192xi1>, vector<4x8192xf32>
    %select_n3A_1874 = arith.select %eq3A_1858, %roll3A_1870, %roll3A_1872 : vector<4x8192xi1>, vector<4x8192xi32>
    %gt3A_1875 = arith.cmpf ogt, %select_n3A_1851, %select_n3A_1873 : vector<4x8192xf32>
    %eq3A_1876 = arith.cmpf oeq, %select_n3A_1851, %select_n3A_1873 : vector<4x8192xf32>
    %lt3A_1877 = arith.cmpi slt, %select_n3A_1852, %select_n3A_1874 : vector<4x8192xi32>
    %and3A_1878 = arith.andi %eq3A_1876, %lt3A_1877 : vector<4x8192xi1>
    %or3A_1879 = arith.ori %gt3A_1875, %and3A_1878 : vector<4x8192xi1>
    %eq3A_1880 = arith.xori %eq3A_1864, %eq3A_1858 : vector<4x8192xi1>
    %eq3A_1881 = arith.constant dense<true> : vector<4x8192xi1>
    %eq3A_1882 = arith.xori %eq3A_1880, %eq3A_1881 : vector<4x8192xi1>
    %eq3A_1883 = arith.xori %eq3A_1882, %or3A_1879 : vector<4x8192xi1>
    %eq3A_1884 = arith.constant dense<true> : vector<4x8192xi1>
    %eq3A_1885 = arith.xori %eq3A_1883, %eq3A_1884 : vector<4x8192xi1>
    %select_n3A_1886 = arith.select %eq3A_1885, %select_n3A_1851, %select_n3A_1873 : vector<4x8192xi1>, vector<4x8192xf32>
    %select_n3A_1887 = arith.select %eq3A_1885, %select_n3A_1852, %select_n3A_1874 : vector<4x8192xi1>, vector<4x8192xi32>
    %and3A_1888 = arith.constant 1 : i32
    %and3A_1889 = vector.broadcast %and3A_1888 : i32 to vector<4x8192xi32>
    %and3A_1890 = arith.andi %iota3A_4, %and3A_1889 : vector<4x8192xi32>
    %eq3A_1891 = arith.constant 0 : i32
    %eq3A_1892 = vector.broadcast %eq3A_1891 : i32 to vector<4x8192xi32>
    %eq3A_1893 = arith.cmpi eq, %and3A_1890, %eq3A_1892 : vector<4x8192xi32>
    %and3A_1894 = arith.constant 1024 : i32
    %and3A_1895 = vector.broadcast %and3A_1894 : i32 to vector<4x8192xi32>
    %and3A_1896 = arith.andi %iota3A_4, %and3A_1895 : vector<4x8192xi32>
    %eq3A_1897 = arith.constant 0 : i32
    %eq3A_1898 = vector.broadcast %eq3A_1897 : i32 to vector<4x8192xi32>
    %eq3A_1899 = arith.cmpi eq, %and3A_1896, %eq3A_1898 : vector<4x8192xi32>
    %roll3A_1900 = arith.constant 8191 : i32
    %roll3A_1901 = tpu.dynamic_rotate %select_n3A_1886 by %roll3A_1900 dim 1 : vector<4x8192xf32>, i32 -> vector<4x8192xf32>
    %roll3A_1902 = arith.constant 1 : i32
    %roll3A_1903 = tpu.dynamic_rotate %select_n3A_1886 by %roll3A_1902 dim 1 : vector<4x8192xf32>, i32 -> vector<4x8192xf32>
    %roll3A_1904 = arith.constant 8191 : i32
    %roll3A_1905 = tpu.dynamic_rotate %select_n3A_1887 by %roll3A_1904 dim 1 : vector<4x8192xi32>, i32 -> vector<4x8192xi32>
    %roll3A_1906 = arith.constant 1 : i32
    %roll3A_1907 = tpu.dynamic_rotate %select_n3A_1887 by %roll3A_1906 dim 1 : vector<4x8192xi32>, i32 -> vector<4x8192xi32>
    %select_n3A_1908 = arith.select %eq3A_1893, %roll3A_1901, %roll3A_1903 : vector<4x8192xi1>, vector<4x8192xf32>
    %select_n3A_1909 = arith.select %eq3A_1893, %roll3A_1905, %roll3A_1907 : vector<4x8192xi1>, vector<4x8192xi32>
    %gt3A_1910 = arith.cmpf ogt, %select_n3A_1886, %select_n3A_1908 : vector<4x8192xf32>
    %eq3A_1911 = arith.cmpf oeq, %select_n3A_1886, %select_n3A_1908 : vector<4x8192xf32>
    %lt3A_1912 = arith.cmpi slt, %select_n3A_1887, %select_n3A_1909 : vector<4x8192xi32>
    %and3A_1913 = arith.andi %eq3A_1911, %lt3A_1912 : vector<4x8192xi1>
    %or3A_1914 = arith.ori %gt3A_1910, %and3A_1913 : vector<4x8192xi1>
    %eq3A_1915 = arith.xori %eq3A_1899, %eq3A_1893 : vector<4x8192xi1>
    %eq3A_1916 = arith.constant dense<true> : vector<4x8192xi1>
    %eq3A_1917 = arith.xori %eq3A_1915, %eq3A_1916 : vector<4x8192xi1>
    %eq3A_1918 = arith.xori %eq3A_1917, %or3A_1914 : vector<4x8192xi1>
    %eq3A_1919 = arith.constant dense<true> : vector<4x8192xi1>
    %eq3A_1920 = arith.xori %eq3A_1918, %eq3A_1919 : vector<4x8192xi1>
    %select_n3A_1921 = arith.select %eq3A_1920, %select_n3A_1886, %select_n3A_1908 : vector<4x8192xi1>, vector<4x8192xf32>
    %select_n3A_1922 = arith.select %eq3A_1920, %select_n3A_1887, %select_n3A_1909 : vector<4x8192xi1>, vector<4x8192xi32>
    %and3A_1923 = arith.constant 1024 : i32
    %and3A_1924 = vector.broadcast %and3A_1923 : i32 to vector<4x8192xi32>
    %and3A_1925 = arith.andi %iota3A_4, %and3A_1924 : vector<4x8192xi32>
    %eq3A_1926 = arith.constant 0 : i32
    %eq3A_1927 = vector.broadcast %eq3A_1926 : i32 to vector<4x8192xi32>
    %eq3A_1928 = arith.cmpi eq, %and3A_1925, %eq3A_1927 : vector<4x8192xi32>
    %and3A_1929 = arith.constant 2048 : i32
    %and3A_1930 = vector.broadcast %and3A_1929 : i32 to vector<4x8192xi32>
    %and3A_1931 = arith.andi %iota3A_4, %and3A_1930 : vector<4x8192xi32>
    %eq3A_1932 = arith.constant 0 : i32
    %eq3A_1933 = vector.broadcast %eq3A_1932 : i32 to vector<4x8192xi32>
    %eq3A_1934 = arith.cmpi eq, %and3A_1931, %eq3A_1933 : vector<4x8192xi32>
    %roll3A_1935 = arith.constant 7168 : i32
    %roll3A_1936 = tpu.dynamic_rotate %select_n3A_1921 by %roll3A_1935 dim 1 : vector<4x8192xf32>, i32 -> vector<4x8192xf32>
    %roll3A_1937 = arith.constant 1024 : i32
    %roll3A_1938 = tpu.dynamic_rotate %select_n3A_1921 by %roll3A_1937 dim 1 : vector<4x8192xf32>, i32 -> vector<4x8192xf32>
    %roll3A_1939 = arith.constant 7168 : i32
    %roll3A_1940 = tpu.dynamic_rotate %select_n3A_1922 by %roll3A_1939 dim 1 : vector<4x8192xi32>, i32 -> vector<4x8192xi32>
    %roll3A_1941 = arith.constant 1024 : i32
    %roll3A_1942 = tpu.dynamic_rotate %select_n3A_1922 by %roll3A_1941 dim 1 : vector<4x8192xi32>, i32 -> vector<4x8192xi32>
    %select_n3A_1943 = arith.select %eq3A_1928, %roll3A_1936, %roll3A_1938 : vector<4x8192xi1>, vector<4x8192xf32>
    %select_n3A_1944 = arith.select %eq3A_1928, %roll3A_1940, %roll3A_1942 : vector<4x8192xi1>, vector<4x8192xi32>
    %gt3A_1945 = arith.cmpf ogt, %select_n3A_1921, %select_n3A_1943 : vector<4x8192xf32>
    %eq3A_1946 = arith.cmpf oeq, %select_n3A_1921, %select_n3A_1943 : vector<4x8192xf32>
    %lt3A_1947 = arith.cmpi slt, %select_n3A_1922, %select_n3A_1944 : vector<4x8192xi32>
    %and3A_1948 = arith.andi %eq3A_1946, %lt3A_1947 : vector<4x8192xi1>
    %or3A_1949 = arith.ori %gt3A_1945, %and3A_1948 : vector<4x8192xi1>
    %eq3A_1950 = arith.xori %eq3A_1934, %eq3A_1928 : vector<4x8192xi1>
    %eq3A_1951 = arith.constant dense<true> : vector<4x8192xi1>
    %eq3A_1952 = arith.xori %eq3A_1950, %eq3A_1951 : vector<4x8192xi1>
    %eq3A_1953 = arith.xori %eq3A_1952, %or3A_1949 : vector<4x8192xi1>
    %eq3A_1954 = arith.constant dense<true> : vector<4x8192xi1>
    %eq3A_1955 = arith.xori %eq3A_1953, %eq3A_1954 : vector<4x8192xi1>
    %select_n3A_1956 = arith.select %eq3A_1955, %select_n3A_1921, %select_n3A_1943 : vector<4x8192xi1>, vector<4x8192xf32>
    %select_n3A_1957 = arith.select %eq3A_1955, %select_n3A_1922, %select_n3A_1944 : vector<4x8192xi1>, vector<4x8192xi32>
    %and3A_1958 = arith.constant 512 : i32
    %and3A_1959 = vector.broadcast %and3A_1958 : i32 to vector<4x8192xi32>
    %and3A_1960 = arith.andi %iota3A_4, %and3A_1959 : vector<4x8192xi32>
    %eq3A_1961 = arith.constant 0 : i32
    %eq3A_1962 = vector.broadcast %eq3A_1961 : i32 to vector<4x8192xi32>
    %eq3A_1963 = arith.cmpi eq, %and3A_1960, %eq3A_1962 : vector<4x8192xi32>
    %and3A_1964 = arith.constant 2048 : i32
    %and3A_1965 = vector.broadcast %and3A_1964 : i32 to vector<4x8192xi32>
    %and3A_1966 = arith.andi %iota3A_4, %and3A_1965 : vector<4x8192xi32>
    %eq3A_1967 = arith.constant 0 : i32
    %eq3A_1968 = vector.broadcast %eq3A_1967 : i32 to vector<4x8192xi32>
    %eq3A_1969 = arith.cmpi eq, %and3A_1966, %eq3A_1968 : vector<4x8192xi32>
    %roll3A_1970 = arith.constant 7680 : i32
    %roll3A_1971 = tpu.dynamic_rotate %select_n3A_1956 by %roll3A_1970 dim 1 : vector<4x8192xf32>, i32 -> vector<4x8192xf32>
    %roll3A_1972 = arith.constant 512 : i32
    %roll3A_1973 = tpu.dynamic_rotate %select_n3A_1956 by %roll3A_1972 dim 1 : vector<4x8192xf32>, i32 -> vector<4x8192xf32>
    %roll3A_1974 = arith.constant 7680 : i32
    %roll3A_1975 = tpu.dynamic_rotate %select_n3A_1957 by %roll3A_1974 dim 1 : vector<4x8192xi32>, i32 -> vector<4x8192xi32>
    %roll3A_1976 = arith.constant 512 : i32
    %roll3A_1977 = tpu.dynamic_rotate %select_n3A_1957 by %roll3A_1976 dim 1 : vector<4x8192xi32>, i32 -> vector<4x8192xi32>
    %select_n3A_1978 = arith.select %eq3A_1963, %roll3A_1971, %roll3A_1973 : vector<4x8192xi1>, vector<4x8192xf32>
    %select_n3A_1979 = arith.select %eq3A_1963, %roll3A_1975, %roll3A_1977 : vector<4x8192xi1>, vector<4x8192xi32>
    %gt3A_1980 = arith.cmpf ogt, %select_n3A_1956, %select_n3A_1978 : vector<4x8192xf32>
    %eq3A_1981 = arith.cmpf oeq, %select_n3A_1956, %select_n3A_1978 : vector<4x8192xf32>
    %lt3A_1982 = arith.cmpi slt, %select_n3A_1957, %select_n3A_1979 : vector<4x8192xi32>
    %and3A_1983 = arith.andi %eq3A_1981, %lt3A_1982 : vector<4x8192xi1>
    %or3A_1984 = arith.ori %gt3A_1980, %and3A_1983 : vector<4x8192xi1>
    %eq3A_1985 = arith.xori %eq3A_1969, %eq3A_1963 : vector<4x8192xi1>
    %eq3A_1986 = arith.constant dense<true> : vector<4x8192xi1>
    %eq3A_1987 = arith.xori %eq3A_1985, %eq3A_1986 : vector<4x8192xi1>
    %eq3A_1988 = arith.xori %eq3A_1987, %or3A_1984 : vector<4x8192xi1>
    %eq3A_1989 = arith.constant dense<true> : vector<4x8192xi1>
    %eq3A_1990 = arith.xori %eq3A_1988, %eq3A_1989 : vector<4x8192xi1>
    %select_n3A_1991 = arith.select %eq3A_1990, %select_n3A_1956, %select_n3A_1978 : vector<4x8192xi1>, vector<4x8192xf32>
    %select_n3A_1992 = arith.select %eq3A_1990, %select_n3A_1957, %select_n3A_1979 : vector<4x8192xi1>, vector<4x8192xi32>
    %and3A_1993 = arith.constant 256 : i32
    %and3A_1994 = vector.broadcast %and3A_1993 : i32 to vector<4x8192xi32>
    %and3A_1995 = arith.andi %iota3A_4, %and3A_1994 : vector<4x8192xi32>
    %eq3A_1996 = arith.constant 0 : i32
    %eq3A_1997 = vector.broadcast %eq3A_1996 : i32 to vector<4x8192xi32>
    %eq3A_1998 = arith.cmpi eq, %and3A_1995, %eq3A_1997 : vector<4x8192xi32>
    %and3A_1999 = arith.constant 2048 : i32
    %and3A_2000 = vector.broadcast %and3A_1999 : i32 to vector<4x8192xi32>
    %and3A_2001 = arith.andi %iota3A_4, %and3A_2000 : vector<4x8192xi32>
    %eq3A_2002 = arith.constant 0 : i32
    %eq3A_2003 = vector.broadcast %eq3A_2002 : i32 to vector<4x8192xi32>
    %eq3A_2004 = arith.cmpi eq, %and3A_2001, %eq3A_2003 : vector<4x8192xi32>
    %roll3A_2005 = arith.constant 7936 : i32
    %roll3A_2006 = tpu.dynamic_rotate %select_n3A_1991 by %roll3A_2005 dim 1 : vector<4x8192xf32>, i32 -> vector<4x8192xf32>
    %roll3A_2007 = arith.constant 256 : i32
    %roll3A_2008 = tpu.dynamic_rotate %select_n3A_1991 by %roll3A_2007 dim 1 : vector<4x8192xf32>, i32 -> vector<4x8192xf32>
    %roll3A_2009 = arith.constant 7936 : i32
    %roll3A_2010 = tpu.dynamic_rotate %select_n3A_1992 by %roll3A_2009 dim 1 : vector<4x8192xi32>, i32 -> vector<4x8192xi32>
    %roll3A_2011 = arith.constant 256 : i32
    %roll3A_2012 = tpu.dynamic_rotate %select_n3A_1992 by %roll3A_2011 dim 1 : vector<4x8192xi32>, i32 -> vector<4x8192xi32>
    %select_n3A_2013 = arith.select %eq3A_1998, %roll3A_2006, %roll3A_2008 : vector<4x8192xi1>, vector<4x8192xf32>
    %select_n3A_2014 = arith.select %eq3A_1998, %roll3A_2010, %roll3A_2012 : vector<4x8192xi1>, vector<4x8192xi32>
    %gt3A_2015 = arith.cmpf ogt, %select_n3A_1991, %select_n3A_2013 : vector<4x8192xf32>
    %eq3A_2016 = arith.cmpf oeq, %select_n3A_1991, %select_n3A_2013 : vector<4x8192xf32>
    %lt3A_2017 = arith.cmpi slt, %select_n3A_1992, %select_n3A_2014 : vector<4x8192xi32>
    %and3A_2018 = arith.andi %eq3A_2016, %lt3A_2017 : vector<4x8192xi1>
    %or3A_2019 = arith.ori %gt3A_2015, %and3A_2018 : vector<4x8192xi1>
    %eq3A_2020 = arith.xori %eq3A_2004, %eq3A_1998 : vector<4x8192xi1>
    %eq3A_2021 = arith.constant dense<true> : vector<4x8192xi1>
    %eq3A_2022 = arith.xori %eq3A_2020, %eq3A_2021 : vector<4x8192xi1>
    %eq3A_2023 = arith.xori %eq3A_2022, %or3A_2019 : vector<4x8192xi1>
    %eq3A_2024 = arith.constant dense<true> : vector<4x8192xi1>
    %eq3A_2025 = arith.xori %eq3A_2023, %eq3A_2024 : vector<4x8192xi1>
    %select_n3A_2026 = arith.select %eq3A_2025, %select_n3A_1991, %select_n3A_2013 : vector<4x8192xi1>, vector<4x8192xf32>
    %select_n3A_2027 = arith.select %eq3A_2025, %select_n3A_1992, %select_n3A_2014 : vector<4x8192xi1>, vector<4x8192xi32>
    %and3A_2028 = arith.constant 128 : i32
    %and3A_2029 = vector.broadcast %and3A_2028 : i32 to vector<4x8192xi32>
    %and3A_2030 = arith.andi %iota3A_4, %and3A_2029 : vector<4x8192xi32>
    %eq3A_2031 = arith.constant 0 : i32
    %eq3A_2032 = vector.broadcast %eq3A_2031 : i32 to vector<4x8192xi32>
    %eq3A_2033 = arith.cmpi eq, %and3A_2030, %eq3A_2032 : vector<4x8192xi32>
    %and3A_2034 = arith.constant 2048 : i32
    %and3A_2035 = vector.broadcast %and3A_2034 : i32 to vector<4x8192xi32>
    %and3A_2036 = arith.andi %iota3A_4, %and3A_2035 : vector<4x8192xi32>
    %eq3A_2037 = arith.constant 0 : i32
    %eq3A_2038 = vector.broadcast %eq3A_2037 : i32 to vector<4x8192xi32>
    %eq3A_2039 = arith.cmpi eq, %and3A_2036, %eq3A_2038 : vector<4x8192xi32>
    %roll3A_2040 = arith.constant 8064 : i32
    %roll3A_2041 = tpu.dynamic_rotate %select_n3A_2026 by %roll3A_2040 dim 1 : vector<4x8192xf32>, i32 -> vector<4x8192xf32>
    %roll3A_2042 = arith.constant 128 : i32
    %roll3A_2043 = tpu.dynamic_rotate %select_n3A_2026 by %roll3A_2042 dim 1 : vector<4x8192xf32>, i32 -> vector<4x8192xf32>
    %roll3A_2044 = arith.constant 8064 : i32
    %roll3A_2045 = tpu.dynamic_rotate %select_n3A_2027 by %roll3A_2044 dim 1 : vector<4x8192xi32>, i32 -> vector<4x8192xi32>
    %roll3A_2046 = arith.constant 128 : i32
    %roll3A_2047 = tpu.dynamic_rotate %select_n3A_2027 by %roll3A_2046 dim 1 : vector<4x8192xi32>, i32 -> vector<4x8192xi32>
    %select_n3A_2048 = arith.select %eq3A_2033, %roll3A_2041, %roll3A_2043 : vector<4x8192xi1>, vector<4x8192xf32>
    %select_n3A_2049 = arith.select %eq3A_2033, %roll3A_2045, %roll3A_2047 : vector<4x8192xi1>, vector<4x8192xi32>
    %gt3A_2050 = arith.cmpf ogt, %select_n3A_2026, %select_n3A_2048 : vector<4x8192xf32>
    %eq3A_2051 = arith.cmpf oeq, %select_n3A_2026, %select_n3A_2048 : vector<4x8192xf32>
    %lt3A_2052 = arith.cmpi slt, %select_n3A_2027, %select_n3A_2049 : vector<4x8192xi32>
    %and3A_2053 = arith.andi %eq3A_2051, %lt3A_2052 : vector<4x8192xi1>
    %or3A_2054 = arith.ori %gt3A_2050, %and3A_2053 : vector<4x8192xi1>
    %eq3A_2055 = arith.xori %eq3A_2039, %eq3A_2033 : vector<4x8192xi1>
    %eq3A_2056 = arith.constant dense<true> : vector<4x8192xi1>
    %eq3A_2057 = arith.xori %eq3A_2055, %eq3A_2056 : vector<4x8192xi1>
    %eq3A_2058 = arith.xori %eq3A_2057, %or3A_2054 : vector<4x8192xi1>
    %eq3A_2059 = arith.constant dense<true> : vector<4x8192xi1>
    %eq3A_2060 = arith.xori %eq3A_2058, %eq3A_2059 : vector<4x8192xi1>
    %select_n3A_2061 = arith.select %eq3A_2060, %select_n3A_2026, %select_n3A_2048 : vector<4x8192xi1>, vector<4x8192xf32>
    %select_n3A_2062 = arith.select %eq3A_2060, %select_n3A_2027, %select_n3A_2049 : vector<4x8192xi1>, vector<4x8192xi32>
    %and3A_2063 = arith.constant 64 : i32
    %and3A_2064 = vector.broadcast %and3A_2063 : i32 to vector<4x8192xi32>
    %and3A_2065 = arith.andi %iota3A_4, %and3A_2064 : vector<4x8192xi32>
    %eq3A_2066 = arith.constant 0 : i32
    %eq3A_2067 = vector.broadcast %eq3A_2066 : i32 to vector<4x8192xi32>
    %eq3A_2068 = arith.cmpi eq, %and3A_2065, %eq3A_2067 : vector<4x8192xi32>
    %and3A_2069 = arith.constant 2048 : i32
    %and3A_2070 = vector.broadcast %and3A_2069 : i32 to vector<4x8192xi32>
    %and3A_2071 = arith.andi %iota3A_4, %and3A_2070 : vector<4x8192xi32>
    %eq3A_2072 = arith.constant 0 : i32
    %eq3A_2073 = vector.broadcast %eq3A_2072 : i32 to vector<4x8192xi32>
    %eq3A_2074 = arith.cmpi eq, %and3A_2071, %eq3A_2073 : vector<4x8192xi32>
    %roll3A_2075 = arith.constant 8128 : i32
    %roll3A_2076 = tpu.dynamic_rotate %select_n3A_2061 by %roll3A_2075 dim 1 : vector<4x8192xf32>, i32 -> vector<4x8192xf32>
    %roll3A_2077 = arith.constant 64 : i32
    %roll3A_2078 = tpu.dynamic_rotate %select_n3A_2061 by %roll3A_2077 dim 1 : vector<4x8192xf32>, i32 -> vector<4x8192xf32>
    %roll3A_2079 = arith.constant 8128 : i32
    %roll3A_2080 = tpu.dynamic_rotate %select_n3A_2062 by %roll3A_2079 dim 1 : vector<4x8192xi32>, i32 -> vector<4x8192xi32>
    %roll3A_2081 = arith.constant 64 : i32
    %roll3A_2082 = tpu.dynamic_rotate %select_n3A_2062 by %roll3A_2081 dim 1 : vector<4x8192xi32>, i32 -> vector<4x8192xi32>
    %select_n3A_2083 = arith.select %eq3A_2068, %roll3A_2076, %roll3A_2078 : vector<4x8192xi1>, vector<4x8192xf32>
    %select_n3A_2084 = arith.select %eq3A_2068, %roll3A_2080, %roll3A_2082 : vector<4x8192xi1>, vector<4x8192xi32>
    %gt3A_2085 = arith.cmpf ogt, %select_n3A_2061, %select_n3A_2083 : vector<4x8192xf32>
    %eq3A_2086 = arith.cmpf oeq, %select_n3A_2061, %select_n3A_2083 : vector<4x8192xf32>
    %lt3A_2087 = arith.cmpi slt, %select_n3A_2062, %select_n3A_2084 : vector<4x8192xi32>
    %and3A_2088 = arith.andi %eq3A_2086, %lt3A_2087 : vector<4x8192xi1>
    %or3A_2089 = arith.ori %gt3A_2085, %and3A_2088 : vector<4x8192xi1>
    %eq3A_2090 = arith.xori %eq3A_2074, %eq3A_2068 : vector<4x8192xi1>
    %eq3A_2091 = arith.constant dense<true> : vector<4x8192xi1>
    %eq3A_2092 = arith.xori %eq3A_2090, %eq3A_2091 : vector<4x8192xi1>
    %eq3A_2093 = arith.xori %eq3A_2092, %or3A_2089 : vector<4x8192xi1>
    %eq3A_2094 = arith.constant dense<true> : vector<4x8192xi1>
    %eq3A_2095 = arith.xori %eq3A_2093, %eq3A_2094 : vector<4x8192xi1>
    %select_n3A_2096 = arith.select %eq3A_2095, %select_n3A_2061, %select_n3A_2083 : vector<4x8192xi1>, vector<4x8192xf32>
    %select_n3A_2097 = arith.select %eq3A_2095, %select_n3A_2062, %select_n3A_2084 : vector<4x8192xi1>, vector<4x8192xi32>
    %and3A_2098 = arith.constant 32 : i32
    %and3A_2099 = vector.broadcast %and3A_2098 : i32 to vector<4x8192xi32>
    %and3A_2100 = arith.andi %iota3A_4, %and3A_2099 : vector<4x8192xi32>
    %eq3A_2101 = arith.constant 0 : i32
    %eq3A_2102 = vector.broadcast %eq3A_2101 : i32 to vector<4x8192xi32>
    %eq3A_2103 = arith.cmpi eq, %and3A_2100, %eq3A_2102 : vector<4x8192xi32>
    %and3A_2104 = arith.constant 2048 : i32
    %and3A_2105 = vector.broadcast %and3A_2104 : i32 to vector<4x8192xi32>
    %and3A_2106 = arith.andi %iota3A_4, %and3A_2105 : vector<4x8192xi32>
    %eq3A_2107 = arith.constant 0 : i32
    %eq3A_2108 = vector.broadcast %eq3A_2107 : i32 to vector<4x8192xi32>
    %eq3A_2109 = arith.cmpi eq, %and3A_2106, %eq3A_2108 : vector<4x8192xi32>
    %roll3A_2110 = arith.constant 8160 : i32
    %roll3A_2111 = tpu.dynamic_rotate %select_n3A_2096 by %roll3A_2110 dim 1 : vector<4x8192xf32>, i32 -> vector<4x8192xf32>
    %roll3A_2112 = arith.constant 32 : i32
    %roll3A_2113 = tpu.dynamic_rotate %select_n3A_2096 by %roll3A_2112 dim 1 : vector<4x8192xf32>, i32 -> vector<4x8192xf32>
    %roll3A_2114 = arith.constant 8160 : i32
    %roll3A_2115 = tpu.dynamic_rotate %select_n3A_2097 by %roll3A_2114 dim 1 : vector<4x8192xi32>, i32 -> vector<4x8192xi32>
    %roll3A_2116 = arith.constant 32 : i32
    %roll3A_2117 = tpu.dynamic_rotate %select_n3A_2097 by %roll3A_2116 dim 1 : vector<4x8192xi32>, i32 -> vector<4x8192xi32>
    %select_n3A_2118 = arith.select %eq3A_2103, %roll3A_2111, %roll3A_2113 : vector<4x8192xi1>, vector<4x8192xf32>
    %select_n3A_2119 = arith.select %eq3A_2103, %roll3A_2115, %roll3A_2117 : vector<4x8192xi1>, vector<4x8192xi32>
    %gt3A_2120 = arith.cmpf ogt, %select_n3A_2096, %select_n3A_2118 : vector<4x8192xf32>
    %eq3A_2121 = arith.cmpf oeq, %select_n3A_2096, %select_n3A_2118 : vector<4x8192xf32>
    %lt3A_2122 = arith.cmpi slt, %select_n3A_2097, %select_n3A_2119 : vector<4x8192xi32>
    %and3A_2123 = arith.andi %eq3A_2121, %lt3A_2122 : vector<4x8192xi1>
    %or3A_2124 = arith.ori %gt3A_2120, %and3A_2123 : vector<4x8192xi1>
    %eq3A_2125 = arith.xori %eq3A_2109, %eq3A_2103 : vector<4x8192xi1>
    %eq3A_2126 = arith.constant dense<true> : vector<4x8192xi1>
    %eq3A_2127 = arith.xori %eq3A_2125, %eq3A_2126 : vector<4x8192xi1>
    %eq3A_2128 = arith.xori %eq3A_2127, %or3A_2124 : vector<4x8192xi1>
    %eq3A_2129 = arith.constant dense<true> : vector<4x8192xi1>
    %eq3A_2130 = arith.xori %eq3A_2128, %eq3A_2129 : vector<4x8192xi1>
    %select_n3A_2131 = arith.select %eq3A_2130, %select_n3A_2096, %select_n3A_2118 : vector<4x8192xi1>, vector<4x8192xf32>
    %select_n3A_2132 = arith.select %eq3A_2130, %select_n3A_2097, %select_n3A_2119 : vector<4x8192xi1>, vector<4x8192xi32>
    %and3A_2133 = arith.constant 16 : i32
    %and3A_2134 = vector.broadcast %and3A_2133 : i32 to vector<4x8192xi32>
    %and3A_2135 = arith.andi %iota3A_4, %and3A_2134 : vector<4x8192xi32>
    %eq3A_2136 = arith.constant 0 : i32
    %eq3A_2137 = vector.broadcast %eq3A_2136 : i32 to vector<4x8192xi32>
    %eq3A_2138 = arith.cmpi eq, %and3A_2135, %eq3A_2137 : vector<4x8192xi32>
    %and3A_2139 = arith.constant 2048 : i32
    %and3A_2140 = vector.broadcast %and3A_2139 : i32 to vector<4x8192xi32>
    %and3A_2141 = arith.andi %iota3A_4, %and3A_2140 : vector<4x8192xi32>
    %eq3A_2142 = arith.constant 0 : i32
    %eq3A_2143 = vector.broadcast %eq3A_2142 : i32 to vector<4x8192xi32>
    %eq3A_2144 = arith.cmpi eq, %and3A_2141, %eq3A_2143 : vector<4x8192xi32>
    %roll3A_2145 = arith.constant 8176 : i32
    %roll3A_2146 = tpu.dynamic_rotate %select_n3A_2131 by %roll3A_2145 dim 1 : vector<4x8192xf32>, i32 -> vector<4x8192xf32>
    %roll3A_2147 = arith.constant 16 : i32
    %roll3A_2148 = tpu.dynamic_rotate %select_n3A_2131 by %roll3A_2147 dim 1 : vector<4x8192xf32>, i32 -> vector<4x8192xf32>
    %roll3A_2149 = arith.constant 8176 : i32
    %roll3A_2150 = tpu.dynamic_rotate %select_n3A_2132 by %roll3A_2149 dim 1 : vector<4x8192xi32>, i32 -> vector<4x8192xi32>
    %roll3A_2151 = arith.constant 16 : i32
    %roll3A_2152 = tpu.dynamic_rotate %select_n3A_2132 by %roll3A_2151 dim 1 : vector<4x8192xi32>, i32 -> vector<4x8192xi32>
    %select_n3A_2153 = arith.select %eq3A_2138, %roll3A_2146, %roll3A_2148 : vector<4x8192xi1>, vector<4x8192xf32>
    %select_n3A_2154 = arith.select %eq3A_2138, %roll3A_2150, %roll3A_2152 : vector<4x8192xi1>, vector<4x8192xi32>
    %gt3A_2155 = arith.cmpf ogt, %select_n3A_2131, %select_n3A_2153 : vector<4x8192xf32>
    %eq3A_2156 = arith.cmpf oeq, %select_n3A_2131, %select_n3A_2153 : vector<4x8192xf32>
    %lt3A_2157 = arith.cmpi slt, %select_n3A_2132, %select_n3A_2154 : vector<4x8192xi32>
    %and3A_2158 = arith.andi %eq3A_2156, %lt3A_2157 : vector<4x8192xi1>
    %or3A_2159 = arith.ori %gt3A_2155, %and3A_2158 : vector<4x8192xi1>
    %eq3A_2160 = arith.xori %eq3A_2144, %eq3A_2138 : vector<4x8192xi1>
    %eq3A_2161 = arith.constant dense<true> : vector<4x8192xi1>
    %eq3A_2162 = arith.xori %eq3A_2160, %eq3A_2161 : vector<4x8192xi1>
    %eq3A_2163 = arith.xori %eq3A_2162, %or3A_2159 : vector<4x8192xi1>
    %eq3A_2164 = arith.constant dense<true> : vector<4x8192xi1>
    %eq3A_2165 = arith.xori %eq3A_2163, %eq3A_2164 : vector<4x8192xi1>
    %select_n3A_2166 = arith.select %eq3A_2165, %select_n3A_2131, %select_n3A_2153 : vector<4x8192xi1>, vector<4x8192xf32>
    %select_n3A_2167 = arith.select %eq3A_2165, %select_n3A_2132, %select_n3A_2154 : vector<4x8192xi1>, vector<4x8192xi32>
    %and3A_2168 = arith.constant 8 : i32
    %and3A_2169 = vector.broadcast %and3A_2168 : i32 to vector<4x8192xi32>
    %and3A_2170 = arith.andi %iota3A_4, %and3A_2169 : vector<4x8192xi32>
    %eq3A_2171 = arith.constant 0 : i32
    %eq3A_2172 = vector.broadcast %eq3A_2171 : i32 to vector<4x8192xi32>
    %eq3A_2173 = arith.cmpi eq, %and3A_2170, %eq3A_2172 : vector<4x8192xi32>
    %and3A_2174 = arith.constant 2048 : i32
    %and3A_2175 = vector.broadcast %and3A_2174 : i32 to vector<4x8192xi32>
    %and3A_2176 = arith.andi %iota3A_4, %and3A_2175 : vector<4x8192xi32>
    %eq3A_2177 = arith.constant 0 : i32
    %eq3A_2178 = vector.broadcast %eq3A_2177 : i32 to vector<4x8192xi32>
    %eq3A_2179 = arith.cmpi eq, %and3A_2176, %eq3A_2178 : vector<4x8192xi32>
    %roll3A_2180 = arith.constant 8184 : i32
    %roll3A_2181 = tpu.dynamic_rotate %select_n3A_2166 by %roll3A_2180 dim 1 : vector<4x8192xf32>, i32 -> vector<4x8192xf32>
    %roll3A_2182 = arith.constant 8 : i32
    %roll3A_2183 = tpu.dynamic_rotate %select_n3A_2166 by %roll3A_2182 dim 1 : vector<4x8192xf32>, i32 -> vector<4x8192xf32>
    %roll3A_2184 = arith.constant 8184 : i32
    %roll3A_2185 = tpu.dynamic_rotate %select_n3A_2167 by %roll3A_2184 dim 1 : vector<4x8192xi32>, i32 -> vector<4x8192xi32>
    %roll3A_2186 = arith.constant 8 : i32
    %roll3A_2187 = tpu.dynamic_rotate %select_n3A_2167 by %roll3A_2186 dim 1 : vector<4x8192xi32>, i32 -> vector<4x8192xi32>
    %select_n3A_2188 = arith.select %eq3A_2173, %roll3A_2181, %roll3A_2183 : vector<4x8192xi1>, vector<4x8192xf32>
    %select_n3A_2189 = arith.select %eq3A_2173, %roll3A_2185, %roll3A_2187 : vector<4x8192xi1>, vector<4x8192xi32>
    %gt3A_2190 = arith.cmpf ogt, %select_n3A_2166, %select_n3A_2188 : vector<4x8192xf32>
    %eq3A_2191 = arith.cmpf oeq, %select_n3A_2166, %select_n3A_2188 : vector<4x8192xf32>
    %lt3A_2192 = arith.cmpi slt, %select_n3A_2167, %select_n3A_2189 : vector<4x8192xi32>
    %and3A_2193 = arith.andi %eq3A_2191, %lt3A_2192 : vector<4x8192xi1>
    %or3A_2194 = arith.ori %gt3A_2190, %and3A_2193 : vector<4x8192xi1>
    %eq3A_2195 = arith.xori %eq3A_2179, %eq3A_2173 : vector<4x8192xi1>
    %eq3A_2196 = arith.constant dense<true> : vector<4x8192xi1>
    %eq3A_2197 = arith.xori %eq3A_2195, %eq3A_2196 : vector<4x8192xi1>
    %eq3A_2198 = arith.xori %eq3A_2197, %or3A_2194 : vector<4x8192xi1>
    %eq3A_2199 = arith.constant dense<true> : vector<4x8192xi1>
    %eq3A_2200 = arith.xori %eq3A_2198, %eq3A_2199 : vector<4x8192xi1>
    %select_n3A_2201 = arith.select %eq3A_2200, %select_n3A_2166, %select_n3A_2188 : vector<4x8192xi1>, vector<4x8192xf32>
    %select_n3A_2202 = arith.select %eq3A_2200, %select_n3A_2167, %select_n3A_2189 : vector<4x8192xi1>, vector<4x8192xi32>
    %and3A_2203 = arith.constant 4 : i32
    %and3A_2204 = vector.broadcast %and3A_2203 : i32 to vector<4x8192xi32>
    %and3A_2205 = arith.andi %iota3A_4, %and3A_2204 : vector<4x8192xi32>
    %eq3A_2206 = arith.constant 0 : i32
    %eq3A_2207 = vector.broadcast %eq3A_2206 : i32 to vector<4x8192xi32>
    %eq3A_2208 = arith.cmpi eq, %and3A_2205, %eq3A_2207 : vector<4x8192xi32>
    %and3A_2209 = arith.constant 2048 : i32
    %and3A_2210 = vector.broadcast %and3A_2209 : i32 to vector<4x8192xi32>
    %and3A_2211 = arith.andi %iota3A_4, %and3A_2210 : vector<4x8192xi32>
    %eq3A_2212 = arith.constant 0 : i32
    %eq3A_2213 = vector.broadcast %eq3A_2212 : i32 to vector<4x8192xi32>
    %eq3A_2214 = arith.cmpi eq, %and3A_2211, %eq3A_2213 : vector<4x8192xi32>
    %roll3A_2215 = arith.constant 8188 : i32
    %roll3A_2216 = tpu.dynamic_rotate %select_n3A_2201 by %roll3A_2215 dim 1 : vector<4x8192xf32>, i32 -> vector<4x8192xf32>
    %roll3A_2217 = arith.constant 4 : i32
    %roll3A_2218 = tpu.dynamic_rotate %select_n3A_2201 by %roll3A_2217 dim 1 : vector<4x8192xf32>, i32 -> vector<4x8192xf32>
    %roll3A_2219 = arith.constant 8188 : i32
    %roll3A_2220 = tpu.dynamic_rotate %select_n3A_2202 by %roll3A_2219 dim 1 : vector<4x8192xi32>, i32 -> vector<4x8192xi32>
    %roll3A_2221 = arith.constant 4 : i32
    %roll3A_2222 = tpu.dynamic_rotate %select_n3A_2202 by %roll3A_2221 dim 1 : vector<4x8192xi32>, i32 -> vector<4x8192xi32>
    %select_n3A_2223 = arith.select %eq3A_2208, %roll3A_2216, %roll3A_2218 : vector<4x8192xi1>, vector<4x8192xf32>
    %select_n3A_2224 = arith.select %eq3A_2208, %roll3A_2220, %roll3A_2222 : vector<4x8192xi1>, vector<4x8192xi32>
    %gt3A_2225 = arith.cmpf ogt, %select_n3A_2201, %select_n3A_2223 : vector<4x8192xf32>
    %eq3A_2226 = arith.cmpf oeq, %select_n3A_2201, %select_n3A_2223 : vector<4x8192xf32>
    %lt3A_2227 = arith.cmpi slt, %select_n3A_2202, %select_n3A_2224 : vector<4x8192xi32>
    %and3A_2228 = arith.andi %eq3A_2226, %lt3A_2227 : vector<4x8192xi1>
    %or3A_2229 = arith.ori %gt3A_2225, %and3A_2228 : vector<4x8192xi1>
    %eq3A_2230 = arith.xori %eq3A_2214, %eq3A_2208 : vector<4x8192xi1>
    %eq3A_2231 = arith.constant dense<true> : vector<4x8192xi1>
    %eq3A_2232 = arith.xori %eq3A_2230, %eq3A_2231 : vector<4x8192xi1>
    %eq3A_2233 = arith.xori %eq3A_2232, %or3A_2229 : vector<4x8192xi1>
    %eq3A_2234 = arith.constant dense<true> : vector<4x8192xi1>
    %eq3A_2235 = arith.xori %eq3A_2233, %eq3A_2234 : vector<4x8192xi1>
    %select_n3A_2236 = arith.select %eq3A_2235, %select_n3A_2201, %select_n3A_2223 : vector<4x8192xi1>, vector<4x8192xf32>
    %select_n3A_2237 = arith.select %eq3A_2235, %select_n3A_2202, %select_n3A_2224 : vector<4x8192xi1>, vector<4x8192xi32>
    %and3A_2238 = arith.constant 2 : i32
    %and3A_2239 = vector.broadcast %and3A_2238 : i32 to vector<4x8192xi32>
    %and3A_2240 = arith.andi %iota3A_4, %and3A_2239 : vector<4x8192xi32>
    %eq3A_2241 = arith.constant 0 : i32
    %eq3A_2242 = vector.broadcast %eq3A_2241 : i32 to vector<4x8192xi32>
    %eq3A_2243 = arith.cmpi eq, %and3A_2240, %eq3A_2242 : vector<4x8192xi32>
    %and3A_2244 = arith.constant 2048 : i32
    %and3A_2245 = vector.broadcast %and3A_2244 : i32 to vector<4x8192xi32>
    %and3A_2246 = arith.andi %iota3A_4, %and3A_2245 : vector<4x8192xi32>
    %eq3A_2247 = arith.constant 0 : i32
    %eq3A_2248 = vector.broadcast %eq3A_2247 : i32 to vector<4x8192xi32>
    %eq3A_2249 = arith.cmpi eq, %and3A_2246, %eq3A_2248 : vector<4x8192xi32>
    %roll3A_2250 = arith.constant 8190 : i32
    %roll3A_2251 = tpu.dynamic_rotate %select_n3A_2236 by %roll3A_2250 dim 1 : vector<4x8192xf32>, i32 -> vector<4x8192xf32>
    %roll3A_2252 = arith.constant 2 : i32
    %roll3A_2253 = tpu.dynamic_rotate %select_n3A_2236 by %roll3A_2252 dim 1 : vector<4x8192xf32>, i32 -> vector<4x8192xf32>
    %roll3A_2254 = arith.constant 8190 : i32
    %roll3A_2255 = tpu.dynamic_rotate %select_n3A_2237 by %roll3A_2254 dim 1 : vector<4x8192xi32>, i32 -> vector<4x8192xi32>
    %roll3A_2256 = arith.constant 2 : i32
    %roll3A_2257 = tpu.dynamic_rotate %select_n3A_2237 by %roll3A_2256 dim 1 : vector<4x8192xi32>, i32 -> vector<4x8192xi32>
    %select_n3A_2258 = arith.select %eq3A_2243, %roll3A_2251, %roll3A_2253 : vector<4x8192xi1>, vector<4x8192xf32>
    %select_n3A_2259 = arith.select %eq3A_2243, %roll3A_2255, %roll3A_2257 : vector<4x8192xi1>, vector<4x8192xi32>
    %gt3A_2260 = arith.cmpf ogt, %select_n3A_2236, %select_n3A_2258 : vector<4x8192xf32>
    %eq3A_2261 = arith.cmpf oeq, %select_n3A_2236, %select_n3A_2258 : vector<4x8192xf32>
    %lt3A_2262 = arith.cmpi slt, %select_n3A_2237, %select_n3A_2259 : vector<4x8192xi32>
    %and3A_2263 = arith.andi %eq3A_2261, %lt3A_2262 : vector<4x8192xi1>
    %or3A_2264 = arith.ori %gt3A_2260, %and3A_2263 : vector<4x8192xi1>
    %eq3A_2265 = arith.xori %eq3A_2249, %eq3A_2243 : vector<4x8192xi1>
    %eq3A_2266 = arith.constant dense<true> : vector<4x8192xi1>
    %eq3A_2267 = arith.xori %eq3A_2265, %eq3A_2266 : vector<4x8192xi1>
    %eq3A_2268 = arith.xori %eq3A_2267, %or3A_2264 : vector<4x8192xi1>
    %eq3A_2269 = arith.constant dense<true> : vector<4x8192xi1>
    %eq3A_2270 = arith.xori %eq3A_2268, %eq3A_2269 : vector<4x8192xi1>
    %select_n3A_2271 = arith.select %eq3A_2270, %select_n3A_2236, %select_n3A_2258 : vector<4x8192xi1>, vector<4x8192xf32>
    %select_n3A_2272 = arith.select %eq3A_2270, %select_n3A_2237, %select_n3A_2259 : vector<4x8192xi1>, vector<4x8192xi32>
    %and3A_2273 = arith.constant 1 : i32
    %and3A_2274 = vector.broadcast %and3A_2273 : i32 to vector<4x8192xi32>
    %and3A_2275 = arith.andi %iota3A_4, %and3A_2274 : vector<4x8192xi32>
    %eq3A_2276 = arith.constant 0 : i32
    %eq3A_2277 = vector.broadcast %eq3A_2276 : i32 to vector<4x8192xi32>
    %eq3A_2278 = arith.cmpi eq, %and3A_2275, %eq3A_2277 : vector<4x8192xi32>
    %and3A_2279 = arith.constant 2048 : i32
    %and3A_2280 = vector.broadcast %and3A_2279 : i32 to vector<4x8192xi32>
    %and3A_2281 = arith.andi %iota3A_4, %and3A_2280 : vector<4x8192xi32>
    %eq3A_2282 = arith.constant 0 : i32
    %eq3A_2283 = vector.broadcast %eq3A_2282 : i32 to vector<4x8192xi32>
    %eq3A_2284 = arith.cmpi eq, %and3A_2281, %eq3A_2283 : vector<4x8192xi32>
    %roll3A_2285 = arith.constant 8191 : i32
    %roll3A_2286 = tpu.dynamic_rotate %select_n3A_2271 by %roll3A_2285 dim 1 : vector<4x8192xf32>, i32 -> vector<4x8192xf32>
    %roll3A_2287 = arith.constant 1 : i32
    %roll3A_2288 = tpu.dynamic_rotate %select_n3A_2271 by %roll3A_2287 dim 1 : vector<4x8192xf32>, i32 -> vector<4x8192xf32>
    %roll3A_2289 = arith.constant 8191 : i32
    %roll3A_2290 = tpu.dynamic_rotate %select_n3A_2272 by %roll3A_2289 dim 1 : vector<4x8192xi32>, i32 -> vector<4x8192xi32>
    %roll3A_2291 = arith.constant 1 : i32
    %roll3A_2292 = tpu.dynamic_rotate %select_n3A_2272 by %roll3A_2291 dim 1 : vector<4x8192xi32>, i32 -> vector<4x8192xi32>
    %select_n3A_2293 = arith.select %eq3A_2278, %roll3A_2286, %roll3A_2288 : vector<4x8192xi1>, vector<4x8192xf32>
    %select_n3A_2294 = arith.select %eq3A_2278, %roll3A_2290, %roll3A_2292 : vector<4x8192xi1>, vector<4x8192xi32>
    %gt3A_2295 = arith.cmpf ogt, %select_n3A_2271, %select_n3A_2293 : vector<4x8192xf32>
    %eq3A_2296 = arith.cmpf oeq, %select_n3A_2271, %select_n3A_2293 : vector<4x8192xf32>
    %lt3A_2297 = arith.cmpi slt, %select_n3A_2272, %select_n3A_2294 : vector<4x8192xi32>
    %and3A_2298 = arith.andi %eq3A_2296, %lt3A_2297 : vector<4x8192xi1>
    %or3A_2299 = arith.ori %gt3A_2295, %and3A_2298 : vector<4x8192xi1>
    %eq3A_2300 = arith.xori %eq3A_2284, %eq3A_2278 : vector<4x8192xi1>
    %eq3A_2301 = arith.constant dense<true> : vector<4x8192xi1>
    %eq3A_2302 = arith.xori %eq3A_2300, %eq3A_2301 : vector<4x8192xi1>
    %eq3A_2303 = arith.xori %eq3A_2302, %or3A_2299 : vector<4x8192xi1>
    %eq3A_2304 = arith.constant dense<true> : vector<4x8192xi1>
    %eq3A_2305 = arith.xori %eq3A_2303, %eq3A_2304 : vector<4x8192xi1>
    %select_n3A_2306 = arith.select %eq3A_2305, %select_n3A_2271, %select_n3A_2293 : vector<4x8192xi1>, vector<4x8192xf32>
    %select_n3A_2307 = arith.select %eq3A_2305, %select_n3A_2272, %select_n3A_2294 : vector<4x8192xi1>, vector<4x8192xi32>
    %and3A_2308 = arith.constant 2048 : i32
    %and3A_2309 = vector.broadcast %and3A_2308 : i32 to vector<4x8192xi32>
    %and3A_2310 = arith.andi %iota3A_4, %and3A_2309 : vector<4x8192xi32>
    %eq3A_2311 = arith.constant 0 : i32
    %eq3A_2312 = vector.broadcast %eq3A_2311 : i32 to vector<4x8192xi32>
    %eq3A_2313 = arith.cmpi eq, %and3A_2310, %eq3A_2312 : vector<4x8192xi32>
    %and3A_2314 = arith.constant 4096 : i32
    %and3A_2315 = vector.broadcast %and3A_2314 : i32 to vector<4x8192xi32>
    %and3A_2316 = arith.andi %iota3A_4, %and3A_2315 : vector<4x8192xi32>
    %eq3A_2317 = arith.constant 0 : i32
    %eq3A_2318 = vector.broadcast %eq3A_2317 : i32 to vector<4x8192xi32>
    %eq3A_2319 = arith.cmpi eq, %and3A_2316, %eq3A_2318 : vector<4x8192xi32>
    %roll3A_2320 = arith.constant 6144 : i32
    %roll3A_2321 = tpu.dynamic_rotate %select_n3A_2306 by %roll3A_2320 dim 1 : vector<4x8192xf32>, i32 -> vector<4x8192xf32>
    %roll3A_2322 = arith.constant 2048 : i32
    %roll3A_2323 = tpu.dynamic_rotate %select_n3A_2306 by %roll3A_2322 dim 1 : vector<4x8192xf32>, i32 -> vector<4x8192xf32>
    %roll3A_2324 = arith.constant 6144 : i32
    %roll3A_2325 = tpu.dynamic_rotate %select_n3A_2307 by %roll3A_2324 dim 1 : vector<4x8192xi32>, i32 -> vector<4x8192xi32>
    %roll3A_2326 = arith.constant 2048 : i32
    %roll3A_2327 = tpu.dynamic_rotate %select_n3A_2307 by %roll3A_2326 dim 1 : vector<4x8192xi32>, i32 -> vector<4x8192xi32>
    %select_n3A_2328 = arith.select %eq3A_2313, %roll3A_2321, %roll3A_2323 : vector<4x8192xi1>, vector<4x8192xf32>
    %select_n3A_2329 = arith.select %eq3A_2313, %roll3A_2325, %roll3A_2327 : vector<4x8192xi1>, vector<4x8192xi32>
    %gt3A_2330 = arith.cmpf ogt, %select_n3A_2306, %select_n3A_2328 : vector<4x8192xf32>
    %eq3A_2331 = arith.cmpf oeq, %select_n3A_2306, %select_n3A_2328 : vector<4x8192xf32>
    %lt3A_2332 = arith.cmpi slt, %select_n3A_2307, %select_n3A_2329 : vector<4x8192xi32>
    %and3A_2333 = arith.andi %eq3A_2331, %lt3A_2332 : vector<4x8192xi1>
    %or3A_2334 = arith.ori %gt3A_2330, %and3A_2333 : vector<4x8192xi1>
    %eq3A_2335 = arith.xori %eq3A_2319, %eq3A_2313 : vector<4x8192xi1>
    %eq3A_2336 = arith.constant dense<true> : vector<4x8192xi1>
    %eq3A_2337 = arith.xori %eq3A_2335, %eq3A_2336 : vector<4x8192xi1>
    %eq3A_2338 = arith.xori %eq3A_2337, %or3A_2334 : vector<4x8192xi1>
    %eq3A_2339 = arith.constant dense<true> : vector<4x8192xi1>
    %eq3A_2340 = arith.xori %eq3A_2338, %eq3A_2339 : vector<4x8192xi1>
    %select_n3A_2341 = arith.select %eq3A_2340, %select_n3A_2306, %select_n3A_2328 : vector<4x8192xi1>, vector<4x8192xf32>
    %select_n3A_2342 = arith.select %eq3A_2340, %select_n3A_2307, %select_n3A_2329 : vector<4x8192xi1>, vector<4x8192xi32>
    %and3A_2343 = arith.constant 1024 : i32
    %and3A_2344 = vector.broadcast %and3A_2343 : i32 to vector<4x8192xi32>
    %and3A_2345 = arith.andi %iota3A_4, %and3A_2344 : vector<4x8192xi32>
    %eq3A_2346 = arith.constant 0 : i32
    %eq3A_2347 = vector.broadcast %eq3A_2346 : i32 to vector<4x8192xi32>
    %eq3A_2348 = arith.cmpi eq, %and3A_2345, %eq3A_2347 : vector<4x8192xi32>
    %and3A_2349 = arith.constant 4096 : i32
    %and3A_2350 = vector.broadcast %and3A_2349 : i32 to vector<4x8192xi32>
    %and3A_2351 = arith.andi %iota3A_4, %and3A_2350 : vector<4x8192xi32>
    %eq3A_2352 = arith.constant 0 : i32
    %eq3A_2353 = vector.broadcast %eq3A_2352 : i32 to vector<4x8192xi32>
    %eq3A_2354 = arith.cmpi eq, %and3A_2351, %eq3A_2353 : vector<4x8192xi32>
    %roll3A_2355 = arith.constant 7168 : i32
    %roll3A_2356 = tpu.dynamic_rotate %select_n3A_2341 by %roll3A_2355 dim 1 : vector<4x8192xf32>, i32 -> vector<4x8192xf32>
    %roll3A_2357 = arith.constant 1024 : i32
    %roll3A_2358 = tpu.dynamic_rotate %select_n3A_2341 by %roll3A_2357 dim 1 : vector<4x8192xf32>, i32 -> vector<4x8192xf32>
    %roll3A_2359 = arith.constant 7168 : i32
    %roll3A_2360 = tpu.dynamic_rotate %select_n3A_2342 by %roll3A_2359 dim 1 : vector<4x8192xi32>, i32 -> vector<4x8192xi32>
    %roll3A_2361 = arith.constant 1024 : i32
    %roll3A_2362 = tpu.dynamic_rotate %select_n3A_2342 by %roll3A_2361 dim 1 : vector<4x8192xi32>, i32 -> vector<4x8192xi32>
    %select_n3A_2363 = arith.select %eq3A_2348, %roll3A_2356, %roll3A_2358 : vector<4x8192xi1>, vector<4x8192xf32>
    %select_n3A_2364 = arith.select %eq3A_2348, %roll3A_2360, %roll3A_2362 : vector<4x8192xi1>, vector<4x8192xi32>
    %gt3A_2365 = arith.cmpf ogt, %select_n3A_2341, %select_n3A_2363 : vector<4x8192xf32>
    %eq3A_2366 = arith.cmpf oeq, %select_n3A_2341, %select_n3A_2363 : vector<4x8192xf32>
    %lt3A_2367 = arith.cmpi slt, %select_n3A_2342, %select_n3A_2364 : vector<4x8192xi32>
    %and3A_2368 = arith.andi %eq3A_2366, %lt3A_2367 : vector<4x8192xi1>
    %or3A_2369 = arith.ori %gt3A_2365, %and3A_2368 : vector<4x8192xi1>
    %eq3A_2370 = arith.xori %eq3A_2354, %eq3A_2348 : vector<4x8192xi1>
    %eq3A_2371 = arith.constant dense<true> : vector<4x8192xi1>
    %eq3A_2372 = arith.xori %eq3A_2370, %eq3A_2371 : vector<4x8192xi1>
    %eq3A_2373 = arith.xori %eq3A_2372, %or3A_2369 : vector<4x8192xi1>
    %eq3A_2374 = arith.constant dense<true> : vector<4x8192xi1>
    %eq3A_2375 = arith.xori %eq3A_2373, %eq3A_2374 : vector<4x8192xi1>
    %select_n3A_2376 = arith.select %eq3A_2375, %select_n3A_2341, %select_n3A_2363 : vector<4x8192xi1>, vector<4x8192xf32>
    %select_n3A_2377 = arith.select %eq3A_2375, %select_n3A_2342, %select_n3A_2364 : vector<4x8192xi1>, vector<4x8192xi32>
    %and3A_2378 = arith.constant 512 : i32
    %and3A_2379 = vector.broadcast %and3A_2378 : i32 to vector<4x8192xi32>
    %and3A_2380 = arith.andi %iota3A_4, %and3A_2379 : vector<4x8192xi32>
    %eq3A_2381 = arith.constant 0 : i32
    %eq3A_2382 = vector.broadcast %eq3A_2381 : i32 to vector<4x8192xi32>
    %eq3A_2383 = arith.cmpi eq, %and3A_2380, %eq3A_2382 : vector<4x8192xi32>
    %and3A_2384 = arith.constant 4096 : i32
    %and3A_2385 = vector.broadcast %and3A_2384 : i32 to vector<4x8192xi32>
    %and3A_2386 = arith.andi %iota3A_4, %and3A_2385 : vector<4x8192xi32>
    %eq3A_2387 = arith.constant 0 : i32
    %eq3A_2388 = vector.broadcast %eq3A_2387 : i32 to vector<4x8192xi32>
    %eq3A_2389 = arith.cmpi eq, %and3A_2386, %eq3A_2388 : vector<4x8192xi32>
    %roll3A_2390 = arith.constant 7680 : i32
    %roll3A_2391 = tpu.dynamic_rotate %select_n3A_2376 by %roll3A_2390 dim 1 : vector<4x8192xf32>, i32 -> vector<4x8192xf32>
    %roll3A_2392 = arith.constant 512 : i32
    %roll3A_2393 = tpu.dynamic_rotate %select_n3A_2376 by %roll3A_2392 dim 1 : vector<4x8192xf32>, i32 -> vector<4x8192xf32>
    %roll3A_2394 = arith.constant 7680 : i32
    %roll3A_2395 = tpu.dynamic_rotate %select_n3A_2377 by %roll3A_2394 dim 1 : vector<4x8192xi32>, i32 -> vector<4x8192xi32>
    %roll3A_2396 = arith.constant 512 : i32
    %roll3A_2397 = tpu.dynamic_rotate %select_n3A_2377 by %roll3A_2396 dim 1 : vector<4x8192xi32>, i32 -> vector<4x8192xi32>
    %select_n3A_2398 = arith.select %eq3A_2383, %roll3A_2391, %roll3A_2393 : vector<4x8192xi1>, vector<4x8192xf32>
    %select_n3A_2399 = arith.select %eq3A_2383, %roll3A_2395, %roll3A_2397 : vector<4x8192xi1>, vector<4x8192xi32>
    %gt3A_2400 = arith.cmpf ogt, %select_n3A_2376, %select_n3A_2398 : vector<4x8192xf32>
    %eq3A_2401 = arith.cmpf oeq, %select_n3A_2376, %select_n3A_2398 : vector<4x8192xf32>
    %lt3A_2402 = arith.cmpi slt, %select_n3A_2377, %select_n3A_2399 : vector<4x8192xi32>
    %and3A_2403 = arith.andi %eq3A_2401, %lt3A_2402 : vector<4x8192xi1>
    %or3A_2404 = arith.ori %gt3A_2400, %and3A_2403 : vector<4x8192xi1>
    %eq3A_2405 = arith.xori %eq3A_2389, %eq3A_2383 : vector<4x8192xi1>
    %eq3A_2406 = arith.constant dense<true> : vector<4x8192xi1>
    %eq3A_2407 = arith.xori %eq3A_2405, %eq3A_2406 : vector<4x8192xi1>
    %eq3A_2408 = arith.xori %eq3A_2407, %or3A_2404 : vector<4x8192xi1>
    %eq3A_2409 = arith.constant dense<true> : vector<4x8192xi1>
    %eq3A_2410 = arith.xori %eq3A_2408, %eq3A_2409 : vector<4x8192xi1>
    %select_n3A_2411 = arith.select %eq3A_2410, %select_n3A_2376, %select_n3A_2398 : vector<4x8192xi1>, vector<4x8192xf32>
    %select_n3A_2412 = arith.select %eq3A_2410, %select_n3A_2377, %select_n3A_2399 : vector<4x8192xi1>, vector<4x8192xi32>
    %and3A_2413 = arith.constant 256 : i32
    %and3A_2414 = vector.broadcast %and3A_2413 : i32 to vector<4x8192xi32>
    %and3A_2415 = arith.andi %iota3A_4, %and3A_2414 : vector<4x8192xi32>
    %eq3A_2416 = arith.constant 0 : i32
    %eq3A_2417 = vector.broadcast %eq3A_2416 : i32 to vector<4x8192xi32>
    %eq3A_2418 = arith.cmpi eq, %and3A_2415, %eq3A_2417 : vector<4x8192xi32>
    %and3A_2419 = arith.constant 4096 : i32
    %and3A_2420 = vector.broadcast %and3A_2419 : i32 to vector<4x8192xi32>
    %and3A_2421 = arith.andi %iota3A_4, %and3A_2420 : vector<4x8192xi32>
    %eq3A_2422 = arith.constant 0 : i32
    %eq3A_2423 = vector.broadcast %eq3A_2422 : i32 to vector<4x8192xi32>
    %eq3A_2424 = arith.cmpi eq, %and3A_2421, %eq3A_2423 : vector<4x8192xi32>
    %roll3A_2425 = arith.constant 7936 : i32
    %roll3A_2426 = tpu.dynamic_rotate %select_n3A_2411 by %roll3A_2425 dim 1 : vector<4x8192xf32>, i32 -> vector<4x8192xf32>
    %roll3A_2427 = arith.constant 256 : i32
    %roll3A_2428 = tpu.dynamic_rotate %select_n3A_2411 by %roll3A_2427 dim 1 : vector<4x8192xf32>, i32 -> vector<4x8192xf32>
    %roll3A_2429 = arith.constant 7936 : i32
    %roll3A_2430 = tpu.dynamic_rotate %select_n3A_2412 by %roll3A_2429 dim 1 : vector<4x8192xi32>, i32 -> vector<4x8192xi32>
    %roll3A_2431 = arith.constant 256 : i32
    %roll3A_2432 = tpu.dynamic_rotate %select_n3A_2412 by %roll3A_2431 dim 1 : vector<4x8192xi32>, i32 -> vector<4x8192xi32>
    %select_n3A_2433 = arith.select %eq3A_2418, %roll3A_2426, %roll3A_2428 : vector<4x8192xi1>, vector<4x8192xf32>
    %select_n3A_2434 = arith.select %eq3A_2418, %roll3A_2430, %roll3A_2432 : vector<4x8192xi1>, vector<4x8192xi32>
    %gt3A_2435 = arith.cmpf ogt, %select_n3A_2411, %select_n3A_2433 : vector<4x8192xf32>
    %eq3A_2436 = arith.cmpf oeq, %select_n3A_2411, %select_n3A_2433 : vector<4x8192xf32>
    %lt3A_2437 = arith.cmpi slt, %select_n3A_2412, %select_n3A_2434 : vector<4x8192xi32>
    %and3A_2438 = arith.andi %eq3A_2436, %lt3A_2437 : vector<4x8192xi1>
    %or3A_2439 = arith.ori %gt3A_2435, %and3A_2438 : vector<4x8192xi1>
    %eq3A_2440 = arith.xori %eq3A_2424, %eq3A_2418 : vector<4x8192xi1>
    %eq3A_2441 = arith.constant dense<true> : vector<4x8192xi1>
    %eq3A_2442 = arith.xori %eq3A_2440, %eq3A_2441 : vector<4x8192xi1>
    %eq3A_2443 = arith.xori %eq3A_2442, %or3A_2439 : vector<4x8192xi1>
    %eq3A_2444 = arith.constant dense<true> : vector<4x8192xi1>
    %eq3A_2445 = arith.xori %eq3A_2443, %eq3A_2444 : vector<4x8192xi1>
    %select_n3A_2446 = arith.select %eq3A_2445, %select_n3A_2411, %select_n3A_2433 : vector<4x8192xi1>, vector<4x8192xf32>
    %select_n3A_2447 = arith.select %eq3A_2445, %select_n3A_2412, %select_n3A_2434 : vector<4x8192xi1>, vector<4x8192xi32>
    %and3A_2448 = arith.constant 128 : i32
    %and3A_2449 = vector.broadcast %and3A_2448 : i32 to vector<4x8192xi32>
    %and3A_2450 = arith.andi %iota3A_4, %and3A_2449 : vector<4x8192xi32>
    %eq3A_2451 = arith.constant 0 : i32
    %eq3A_2452 = vector.broadcast %eq3A_2451 : i32 to vector<4x8192xi32>
    %eq3A_2453 = arith.cmpi eq, %and3A_2450, %eq3A_2452 : vector<4x8192xi32>
    %and3A_2454 = arith.constant 4096 : i32
    %and3A_2455 = vector.broadcast %and3A_2454 : i32 to vector<4x8192xi32>
    %and3A_2456 = arith.andi %iota3A_4, %and3A_2455 : vector<4x8192xi32>
    %eq3A_2457 = arith.constant 0 : i32
    %eq3A_2458 = vector.broadcast %eq3A_2457 : i32 to vector<4x8192xi32>
    %eq3A_2459 = arith.cmpi eq, %and3A_2456, %eq3A_2458 : vector<4x8192xi32>
    %roll3A_2460 = arith.constant 8064 : i32
    %roll3A_2461 = tpu.dynamic_rotate %select_n3A_2446 by %roll3A_2460 dim 1 : vector<4x8192xf32>, i32 -> vector<4x8192xf32>
    %roll3A_2462 = arith.constant 128 : i32
    %roll3A_2463 = tpu.dynamic_rotate %select_n3A_2446 by %roll3A_2462 dim 1 : vector<4x8192xf32>, i32 -> vector<4x8192xf32>
    %roll3A_2464 = arith.constant 8064 : i32
    %roll3A_2465 = tpu.dynamic_rotate %select_n3A_2447 by %roll3A_2464 dim 1 : vector<4x8192xi32>, i32 -> vector<4x8192xi32>
    %roll3A_2466 = arith.constant 128 : i32
    %roll3A_2467 = tpu.dynamic_rotate %select_n3A_2447 by %roll3A_2466 dim 1 : vector<4x8192xi32>, i32 -> vector<4x8192xi32>
    %select_n3A_2468 = arith.select %eq3A_2453, %roll3A_2461, %roll3A_2463 : vector<4x8192xi1>, vector<4x8192xf32>
    %select_n3A_2469 = arith.select %eq3A_2453, %roll3A_2465, %roll3A_2467 : vector<4x8192xi1>, vector<4x8192xi32>
    %gt3A_2470 = arith.cmpf ogt, %select_n3A_2446, %select_n3A_2468 : vector<4x8192xf32>
    %eq3A_2471 = arith.cmpf oeq, %select_n3A_2446, %select_n3A_2468 : vector<4x8192xf32>
    %lt3A_2472 = arith.cmpi slt, %select_n3A_2447, %select_n3A_2469 : vector<4x8192xi32>
    %and3A_2473 = arith.andi %eq3A_2471, %lt3A_2472 : vector<4x8192xi1>
    %or3A_2474 = arith.ori %gt3A_2470, %and3A_2473 : vector<4x8192xi1>
    %eq3A_2475 = arith.xori %eq3A_2459, %eq3A_2453 : vector<4x8192xi1>
    %eq3A_2476 = arith.constant dense<true> : vector<4x8192xi1>
    %eq3A_2477 = arith.xori %eq3A_2475, %eq3A_2476 : vector<4x8192xi1>
    %eq3A_2478 = arith.xori %eq3A_2477, %or3A_2474 : vector<4x8192xi1>
    %eq3A_2479 = arith.constant dense<true> : vector<4x8192xi1>
    %eq3A_2480 = arith.xori %eq3A_2478, %eq3A_2479 : vector<4x8192xi1>
    %select_n3A_2481 = arith.select %eq3A_2480, %select_n3A_2446, %select_n3A_2468 : vector<4x8192xi1>, vector<4x8192xf32>
    %select_n3A_2482 = arith.select %eq3A_2480, %select_n3A_2447, %select_n3A_2469 : vector<4x8192xi1>, vector<4x8192xi32>
    %and3A_2483 = arith.constant 64 : i32
    %and3A_2484 = vector.broadcast %and3A_2483 : i32 to vector<4x8192xi32>
    %and3A_2485 = arith.andi %iota3A_4, %and3A_2484 : vector<4x8192xi32>
    %eq3A_2486 = arith.constant 0 : i32
    %eq3A_2487 = vector.broadcast %eq3A_2486 : i32 to vector<4x8192xi32>
    %eq3A_2488 = arith.cmpi eq, %and3A_2485, %eq3A_2487 : vector<4x8192xi32>
    %and3A_2489 = arith.constant 4096 : i32
    %and3A_2490 = vector.broadcast %and3A_2489 : i32 to vector<4x8192xi32>
    %and3A_2491 = arith.andi %iota3A_4, %and3A_2490 : vector<4x8192xi32>
    %eq3A_2492 = arith.constant 0 : i32
    %eq3A_2493 = vector.broadcast %eq3A_2492 : i32 to vector<4x8192xi32>
    %eq3A_2494 = arith.cmpi eq, %and3A_2491, %eq3A_2493 : vector<4x8192xi32>
    %roll3A_2495 = arith.constant 8128 : i32
    %roll3A_2496 = tpu.dynamic_rotate %select_n3A_2481 by %roll3A_2495 dim 1 : vector<4x8192xf32>, i32 -> vector<4x8192xf32>
    %roll3A_2497 = arith.constant 64 : i32
    %roll3A_2498 = tpu.dynamic_rotate %select_n3A_2481 by %roll3A_2497 dim 1 : vector<4x8192xf32>, i32 -> vector<4x8192xf32>
    %roll3A_2499 = arith.constant 8128 : i32
    %roll3A_2500 = tpu.dynamic_rotate %select_n3A_2482 by %roll3A_2499 dim 1 : vector<4x8192xi32>, i32 -> vector<4x8192xi32>
    %roll3A_2501 = arith.constant 64 : i32
    %roll3A_2502 = tpu.dynamic_rotate %select_n3A_2482 by %roll3A_2501 dim 1 : vector<4x8192xi32>, i32 -> vector<4x8192xi32>
    %select_n3A_2503 = arith.select %eq3A_2488, %roll3A_2496, %roll3A_2498 : vector<4x8192xi1>, vector<4x8192xf32>
    %select_n3A_2504 = arith.select %eq3A_2488, %roll3A_2500, %roll3A_2502 : vector<4x8192xi1>, vector<4x8192xi32>
    %gt3A_2505 = arith.cmpf ogt, %select_n3A_2481, %select_n3A_2503 : vector<4x8192xf32>
    %eq3A_2506 = arith.cmpf oeq, %select_n3A_2481, %select_n3A_2503 : vector<4x8192xf32>
    %lt3A_2507 = arith.cmpi slt, %select_n3A_2482, %select_n3A_2504 : vector<4x8192xi32>
    %and3A_2508 = arith.andi %eq3A_2506, %lt3A_2507 : vector<4x8192xi1>
    %or3A_2509 = arith.ori %gt3A_2505, %and3A_2508 : vector<4x8192xi1>
    %eq3A_2510 = arith.xori %eq3A_2494, %eq3A_2488 : vector<4x8192xi1>
    %eq3A_2511 = arith.constant dense<true> : vector<4x8192xi1>
    %eq3A_2512 = arith.xori %eq3A_2510, %eq3A_2511 : vector<4x8192xi1>
    %eq3A_2513 = arith.xori %eq3A_2512, %or3A_2509 : vector<4x8192xi1>
    %eq3A_2514 = arith.constant dense<true> : vector<4x8192xi1>
    %eq3A_2515 = arith.xori %eq3A_2513, %eq3A_2514 : vector<4x8192xi1>
    %select_n3A_2516 = arith.select %eq3A_2515, %select_n3A_2481, %select_n3A_2503 : vector<4x8192xi1>, vector<4x8192xf32>
    %select_n3A_2517 = arith.select %eq3A_2515, %select_n3A_2482, %select_n3A_2504 : vector<4x8192xi1>, vector<4x8192xi32>
    %and3A_2518 = arith.constant 32 : i32
    %and3A_2519 = vector.broadcast %and3A_2518 : i32 to vector<4x8192xi32>
    %and3A_2520 = arith.andi %iota3A_4, %and3A_2519 : vector<4x8192xi32>
    %eq3A_2521 = arith.constant 0 : i32
    %eq3A_2522 = vector.broadcast %eq3A_2521 : i32 to vector<4x8192xi32>
    %eq3A_2523 = arith.cmpi eq, %and3A_2520, %eq3A_2522 : vector<4x8192xi32>
    %and3A_2524 = arith.constant 4096 : i32
    %and3A_2525 = vector.broadcast %and3A_2524 : i32 to vector<4x8192xi32>
    %and3A_2526 = arith.andi %iota3A_4, %and3A_2525 : vector<4x8192xi32>
    %eq3A_2527 = arith.constant 0 : i32
    %eq3A_2528 = vector.broadcast %eq3A_2527 : i32 to vector<4x8192xi32>
    %eq3A_2529 = arith.cmpi eq, %and3A_2526, %eq3A_2528 : vector<4x8192xi32>
    %roll3A_2530 = arith.constant 8160 : i32
    %roll3A_2531 = tpu.dynamic_rotate %select_n3A_2516 by %roll3A_2530 dim 1 : vector<4x8192xf32>, i32 -> vector<4x8192xf32>
    %roll3A_2532 = arith.constant 32 : i32
    %roll3A_2533 = tpu.dynamic_rotate %select_n3A_2516 by %roll3A_2532 dim 1 : vector<4x8192xf32>, i32 -> vector<4x8192xf32>
    %roll3A_2534 = arith.constant 8160 : i32
    %roll3A_2535 = tpu.dynamic_rotate %select_n3A_2517 by %roll3A_2534 dim 1 : vector<4x8192xi32>, i32 -> vector<4x8192xi32>
    %roll3A_2536 = arith.constant 32 : i32
    %roll3A_2537 = tpu.dynamic_rotate %select_n3A_2517 by %roll3A_2536 dim 1 : vector<4x8192xi32>, i32 -> vector<4x8192xi32>
    %select_n3A_2538 = arith.select %eq3A_2523, %roll3A_2531, %roll3A_2533 : vector<4x8192xi1>, vector<4x8192xf32>
    %select_n3A_2539 = arith.select %eq3A_2523, %roll3A_2535, %roll3A_2537 : vector<4x8192xi1>, vector<4x8192xi32>
    %gt3A_2540 = arith.cmpf ogt, %select_n3A_2516, %select_n3A_2538 : vector<4x8192xf32>
    %eq3A_2541 = arith.cmpf oeq, %select_n3A_2516, %select_n3A_2538 : vector<4x8192xf32>
    %lt3A_2542 = arith.cmpi slt, %select_n3A_2517, %select_n3A_2539 : vector<4x8192xi32>
    %and3A_2543 = arith.andi %eq3A_2541, %lt3A_2542 : vector<4x8192xi1>
    %or3A_2544 = arith.ori %gt3A_2540, %and3A_2543 : vector<4x8192xi1>
    %eq3A_2545 = arith.xori %eq3A_2529, %eq3A_2523 : vector<4x8192xi1>
    %eq3A_2546 = arith.constant dense<true> : vector<4x8192xi1>
    %eq3A_2547 = arith.xori %eq3A_2545, %eq3A_2546 : vector<4x8192xi1>
    %eq3A_2548 = arith.xori %eq3A_2547, %or3A_2544 : vector<4x8192xi1>
    %eq3A_2549 = arith.constant dense<true> : vector<4x8192xi1>
    %eq3A_2550 = arith.xori %eq3A_2548, %eq3A_2549 : vector<4x8192xi1>
    %select_n3A_2551 = arith.select %eq3A_2550, %select_n3A_2516, %select_n3A_2538 : vector<4x8192xi1>, vector<4x8192xf32>
    %select_n3A_2552 = arith.select %eq3A_2550, %select_n3A_2517, %select_n3A_2539 : vector<4x8192xi1>, vector<4x8192xi32>
    %and3A_2553 = arith.constant 16 : i32
    %and3A_2554 = vector.broadcast %and3A_2553 : i32 to vector<4x8192xi32>
    %and3A_2555 = arith.andi %iota3A_4, %and3A_2554 : vector<4x8192xi32>
    %eq3A_2556 = arith.constant 0 : i32
    %eq3A_2557 = vector.broadcast %eq3A_2556 : i32 to vector<4x8192xi32>
    %eq3A_2558 = arith.cmpi eq, %and3A_2555, %eq3A_2557 : vector<4x8192xi32>
    %and3A_2559 = arith.constant 4096 : i32
    %and3A_2560 = vector.broadcast %and3A_2559 : i32 to vector<4x8192xi32>
    %and3A_2561 = arith.andi %iota3A_4, %and3A_2560 : vector<4x8192xi32>
    %eq3A_2562 = arith.constant 0 : i32
    %eq3A_2563 = vector.broadcast %eq3A_2562 : i32 to vector<4x8192xi32>
    %eq3A_2564 = arith.cmpi eq, %and3A_2561, %eq3A_2563 : vector<4x8192xi32>
    %roll3A_2565 = arith.constant 8176 : i32
    %roll3A_2566 = tpu.dynamic_rotate %select_n3A_2551 by %roll3A_2565 dim 1 : vector<4x8192xf32>, i32 -> vector<4x8192xf32>
    %roll3A_2567 = arith.constant 16 : i32
    %roll3A_2568 = tpu.dynamic_rotate %select_n3A_2551 by %roll3A_2567 dim 1 : vector<4x8192xf32>, i32 -> vector<4x8192xf32>
    %roll3A_2569 = arith.constant 8176 : i32
    %roll3A_2570 = tpu.dynamic_rotate %select_n3A_2552 by %roll3A_2569 dim 1 : vector<4x8192xi32>, i32 -> vector<4x8192xi32>
    %roll3A_2571 = arith.constant 16 : i32
    %roll3A_2572 = tpu.dynamic_rotate %select_n3A_2552 by %roll3A_2571 dim 1 : vector<4x8192xi32>, i32 -> vector<4x8192xi32>
    %select_n3A_2573 = arith.select %eq3A_2558, %roll3A_2566, %roll3A_2568 : vector<4x8192xi1>, vector<4x8192xf32>
    %select_n3A_2574 = arith.select %eq3A_2558, %roll3A_2570, %roll3A_2572 : vector<4x8192xi1>, vector<4x8192xi32>
    %gt3A_2575 = arith.cmpf ogt, %select_n3A_2551, %select_n3A_2573 : vector<4x8192xf32>
    %eq3A_2576 = arith.cmpf oeq, %select_n3A_2551, %select_n3A_2573 : vector<4x8192xf32>
    %lt3A_2577 = arith.cmpi slt, %select_n3A_2552, %select_n3A_2574 : vector<4x8192xi32>
    %and3A_2578 = arith.andi %eq3A_2576, %lt3A_2577 : vector<4x8192xi1>
    %or3A_2579 = arith.ori %gt3A_2575, %and3A_2578 : vector<4x8192xi1>
    %eq3A_2580 = arith.xori %eq3A_2564, %eq3A_2558 : vector<4x8192xi1>
    %eq3A_2581 = arith.constant dense<true> : vector<4x8192xi1>
    %eq3A_2582 = arith.xori %eq3A_2580, %eq3A_2581 : vector<4x8192xi1>
    %eq3A_2583 = arith.xori %eq3A_2582, %or3A_2579 : vector<4x8192xi1>
    %eq3A_2584 = arith.constant dense<true> : vector<4x8192xi1>
    %eq3A_2585 = arith.xori %eq3A_2583, %eq3A_2584 : vector<4x8192xi1>
    %select_n3A_2586 = arith.select %eq3A_2585, %select_n3A_2551, %select_n3A_2573 : vector<4x8192xi1>, vector<4x8192xf32>
    %select_n3A_2587 = arith.select %eq3A_2585, %select_n3A_2552, %select_n3A_2574 : vector<4x8192xi1>, vector<4x8192xi32>
    %and3A_2588 = arith.constant 8 : i32
    %and3A_2589 = vector.broadcast %and3A_2588 : i32 to vector<4x8192xi32>
    %and3A_2590 = arith.andi %iota3A_4, %and3A_2589 : vector<4x8192xi32>
    %eq3A_2591 = arith.constant 0 : i32
    %eq3A_2592 = vector.broadcast %eq3A_2591 : i32 to vector<4x8192xi32>
    %eq3A_2593 = arith.cmpi eq, %and3A_2590, %eq3A_2592 : vector<4x8192xi32>
    %and3A_2594 = arith.constant 4096 : i32
    %and3A_2595 = vector.broadcast %and3A_2594 : i32 to vector<4x8192xi32>
    %and3A_2596 = arith.andi %iota3A_4, %and3A_2595 : vector<4x8192xi32>
    %eq3A_2597 = arith.constant 0 : i32
    %eq3A_2598 = vector.broadcast %eq3A_2597 : i32 to vector<4x8192xi32>
    %eq3A_2599 = arith.cmpi eq, %and3A_2596, %eq3A_2598 : vector<4x8192xi32>
    %roll3A_2600 = arith.constant 8184 : i32
    %roll3A_2601 = tpu.dynamic_rotate %select_n3A_2586 by %roll3A_2600 dim 1 : vector<4x8192xf32>, i32 -> vector<4x8192xf32>
    %roll3A_2602 = arith.constant 8 : i32
    %roll3A_2603 = tpu.dynamic_rotate %select_n3A_2586 by %roll3A_2602 dim 1 : vector<4x8192xf32>, i32 -> vector<4x8192xf32>
    %roll3A_2604 = arith.constant 8184 : i32
    %roll3A_2605 = tpu.dynamic_rotate %select_n3A_2587 by %roll3A_2604 dim 1 : vector<4x8192xi32>, i32 -> vector<4x8192xi32>
    %roll3A_2606 = arith.constant 8 : i32
    %roll3A_2607 = tpu.dynamic_rotate %select_n3A_2587 by %roll3A_2606 dim 1 : vector<4x8192xi32>, i32 -> vector<4x8192xi32>
    %select_n3A_2608 = arith.select %eq3A_2593, %roll3A_2601, %roll3A_2603 : vector<4x8192xi1>, vector<4x8192xf32>
    %select_n3A_2609 = arith.select %eq3A_2593, %roll3A_2605, %roll3A_2607 : vector<4x8192xi1>, vector<4x8192xi32>
    %gt3A_2610 = arith.cmpf ogt, %select_n3A_2586, %select_n3A_2608 : vector<4x8192xf32>
    %eq3A_2611 = arith.cmpf oeq, %select_n3A_2586, %select_n3A_2608 : vector<4x8192xf32>
    %lt3A_2612 = arith.cmpi slt, %select_n3A_2587, %select_n3A_2609 : vector<4x8192xi32>
    %and3A_2613 = arith.andi %eq3A_2611, %lt3A_2612 : vector<4x8192xi1>
    %or3A_2614 = arith.ori %gt3A_2610, %and3A_2613 : vector<4x8192xi1>
    %eq3A_2615 = arith.xori %eq3A_2599, %eq3A_2593 : vector<4x8192xi1>
    %eq3A_2616 = arith.constant dense<true> : vector<4x8192xi1>
    %eq3A_2617 = arith.xori %eq3A_2615, %eq3A_2616 : vector<4x8192xi1>
    %eq3A_2618 = arith.xori %eq3A_2617, %or3A_2614 : vector<4x8192xi1>
    %eq3A_2619 = arith.constant dense<true> : vector<4x8192xi1>
    %eq3A_2620 = arith.xori %eq3A_2618, %eq3A_2619 : vector<4x8192xi1>
    %select_n3A_2621 = arith.select %eq3A_2620, %select_n3A_2586, %select_n3A_2608 : vector<4x8192xi1>, vector<4x8192xf32>
    %select_n3A_2622 = arith.select %eq3A_2620, %select_n3A_2587, %select_n3A_2609 : vector<4x8192xi1>, vector<4x8192xi32>
    %and3A_2623 = arith.constant 4 : i32
    %and3A_2624 = vector.broadcast %and3A_2623 : i32 to vector<4x8192xi32>
    %and3A_2625 = arith.andi %iota3A_4, %and3A_2624 : vector<4x8192xi32>
    %eq3A_2626 = arith.constant 0 : i32
    %eq3A_2627 = vector.broadcast %eq3A_2626 : i32 to vector<4x8192xi32>
    %eq3A_2628 = arith.cmpi eq, %and3A_2625, %eq3A_2627 : vector<4x8192xi32>
    %and3A_2629 = arith.constant 4096 : i32
    %and3A_2630 = vector.broadcast %and3A_2629 : i32 to vector<4x8192xi32>
    %and3A_2631 = arith.andi %iota3A_4, %and3A_2630 : vector<4x8192xi32>
    %eq3A_2632 = arith.constant 0 : i32
    %eq3A_2633 = vector.broadcast %eq3A_2632 : i32 to vector<4x8192xi32>
    %eq3A_2634 = arith.cmpi eq, %and3A_2631, %eq3A_2633 : vector<4x8192xi32>
    %roll3A_2635 = arith.constant 8188 : i32
    %roll3A_2636 = tpu.dynamic_rotate %select_n3A_2621 by %roll3A_2635 dim 1 : vector<4x8192xf32>, i32 -> vector<4x8192xf32>
    %roll3A_2637 = arith.constant 4 : i32
    %roll3A_2638 = tpu.dynamic_rotate %select_n3A_2621 by %roll3A_2637 dim 1 : vector<4x8192xf32>, i32 -> vector<4x8192xf32>
    %roll3A_2639 = arith.constant 8188 : i32
    %roll3A_2640 = tpu.dynamic_rotate %select_n3A_2622 by %roll3A_2639 dim 1 : vector<4x8192xi32>, i32 -> vector<4x8192xi32>
    %roll3A_2641 = arith.constant 4 : i32
    %roll3A_2642 = tpu.dynamic_rotate %select_n3A_2622 by %roll3A_2641 dim 1 : vector<4x8192xi32>, i32 -> vector<4x8192xi32>
    %select_n3A_2643 = arith.select %eq3A_2628, %roll3A_2636, %roll3A_2638 : vector<4x8192xi1>, vector<4x8192xf32>
    %select_n3A_2644 = arith.select %eq3A_2628, %roll3A_2640, %roll3A_2642 : vector<4x8192xi1>, vector<4x8192xi32>
    %gt3A_2645 = arith.cmpf ogt, %select_n3A_2621, %select_n3A_2643 : vector<4x8192xf32>
    %eq3A_2646 = arith.cmpf oeq, %select_n3A_2621, %select_n3A_2643 : vector<4x8192xf32>
    %lt3A_2647 = arith.cmpi slt, %select_n3A_2622, %select_n3A_2644 : vector<4x8192xi32>
    %and3A_2648 = arith.andi %eq3A_2646, %lt3A_2647 : vector<4x8192xi1>
    %or3A_2649 = arith.ori %gt3A_2645, %and3A_2648 : vector<4x8192xi1>
    %eq3A_2650 = arith.xori %eq3A_2634, %eq3A_2628 : vector<4x8192xi1>
    %eq3A_2651 = arith.constant dense<true> : vector<4x8192xi1>
    %eq3A_2652 = arith.xori %eq3A_2650, %eq3A_2651 : vector<4x8192xi1>
    %eq3A_2653 = arith.xori %eq3A_2652, %or3A_2649 : vector<4x8192xi1>
    %eq3A_2654 = arith.constant dense<true> : vector<4x8192xi1>
    %eq3A_2655 = arith.xori %eq3A_2653, %eq3A_2654 : vector<4x8192xi1>
    %select_n3A_2656 = arith.select %eq3A_2655, %select_n3A_2621, %select_n3A_2643 : vector<4x8192xi1>, vector<4x8192xf32>
    %select_n3A_2657 = arith.select %eq3A_2655, %select_n3A_2622, %select_n3A_2644 : vector<4x8192xi1>, vector<4x8192xi32>
    %and3A_2658 = arith.constant 2 : i32
    %and3A_2659 = vector.broadcast %and3A_2658 : i32 to vector<4x8192xi32>
    %and3A_2660 = arith.andi %iota3A_4, %and3A_2659 : vector<4x8192xi32>
    %eq3A_2661 = arith.constant 0 : i32
    %eq3A_2662 = vector.broadcast %eq3A_2661 : i32 to vector<4x8192xi32>
    %eq3A_2663 = arith.cmpi eq, %and3A_2660, %eq3A_2662 : vector<4x8192xi32>
    %and3A_2664 = arith.constant 4096 : i32
    %and3A_2665 = vector.broadcast %and3A_2664 : i32 to vector<4x8192xi32>
    %and3A_2666 = arith.andi %iota3A_4, %and3A_2665 : vector<4x8192xi32>
    %eq3A_2667 = arith.constant 0 : i32
    %eq3A_2668 = vector.broadcast %eq3A_2667 : i32 to vector<4x8192xi32>
    %eq3A_2669 = arith.cmpi eq, %and3A_2666, %eq3A_2668 : vector<4x8192xi32>
    %roll3A_2670 = arith.constant 8190 : i32
    %roll3A_2671 = tpu.dynamic_rotate %select_n3A_2656 by %roll3A_2670 dim 1 : vector<4x8192xf32>, i32 -> vector<4x8192xf32>
    %roll3A_2672 = arith.constant 2 : i32
    %roll3A_2673 = tpu.dynamic_rotate %select_n3A_2656 by %roll3A_2672 dim 1 : vector<4x8192xf32>, i32 -> vector<4x8192xf32>
    %roll3A_2674 = arith.constant 8190 : i32
    %roll3A_2675 = tpu.dynamic_rotate %select_n3A_2657 by %roll3A_2674 dim 1 : vector<4x8192xi32>, i32 -> vector<4x8192xi32>
    %roll3A_2676 = arith.constant 2 : i32
    %roll3A_2677 = tpu.dynamic_rotate %select_n3A_2657 by %roll3A_2676 dim 1 : vector<4x8192xi32>, i32 -> vector<4x8192xi32>
    %select_n3A_2678 = arith.select %eq3A_2663, %roll3A_2671, %roll3A_2673 : vector<4x8192xi1>, vector<4x8192xf32>
    %select_n3A_2679 = arith.select %eq3A_2663, %roll3A_2675, %roll3A_2677 : vector<4x8192xi1>, vector<4x8192xi32>
    %gt3A_2680 = arith.cmpf ogt, %select_n3A_2656, %select_n3A_2678 : vector<4x8192xf32>
    %eq3A_2681 = arith.cmpf oeq, %select_n3A_2656, %select_n3A_2678 : vector<4x8192xf32>
    %lt3A_2682 = arith.cmpi slt, %select_n3A_2657, %select_n3A_2679 : vector<4x8192xi32>
    %and3A_2683 = arith.andi %eq3A_2681, %lt3A_2682 : vector<4x8192xi1>
    %or3A_2684 = arith.ori %gt3A_2680, %and3A_2683 : vector<4x8192xi1>
    %eq3A_2685 = arith.xori %eq3A_2669, %eq3A_2663 : vector<4x8192xi1>
    %eq3A_2686 = arith.constant dense<true> : vector<4x8192xi1>
    %eq3A_2687 = arith.xori %eq3A_2685, %eq3A_2686 : vector<4x8192xi1>
    %eq3A_2688 = arith.xori %eq3A_2687, %or3A_2684 : vector<4x8192xi1>
    %eq3A_2689 = arith.constant dense<true> : vector<4x8192xi1>
    %eq3A_2690 = arith.xori %eq3A_2688, %eq3A_2689 : vector<4x8192xi1>
    %select_n3A_2691 = arith.select %eq3A_2690, %select_n3A_2656, %select_n3A_2678 : vector<4x8192xi1>, vector<4x8192xf32>
    %select_n3A_2692 = arith.select %eq3A_2690, %select_n3A_2657, %select_n3A_2679 : vector<4x8192xi1>, vector<4x8192xi32>
    %and3A_2693 = arith.constant 1 : i32
    %and3A_2694 = vector.broadcast %and3A_2693 : i32 to vector<4x8192xi32>
    %and3A_2695 = arith.andi %iota3A_4, %and3A_2694 : vector<4x8192xi32>
    %eq3A_2696 = arith.constant 0 : i32
    %eq3A_2697 = vector.broadcast %eq3A_2696 : i32 to vector<4x8192xi32>
    %eq3A_2698 = arith.cmpi eq, %and3A_2695, %eq3A_2697 : vector<4x8192xi32>
    %and3A_2699 = arith.constant 4096 : i32
    %and3A_2700 = vector.broadcast %and3A_2699 : i32 to vector<4x8192xi32>
    %and3A_2701 = arith.andi %iota3A_4, %and3A_2700 : vector<4x8192xi32>
    %eq3A_2702 = arith.constant 0 : i32
    %eq3A_2703 = vector.broadcast %eq3A_2702 : i32 to vector<4x8192xi32>
    %eq3A_2704 = arith.cmpi eq, %and3A_2701, %eq3A_2703 : vector<4x8192xi32>
    %roll3A_2705 = arith.constant 8191 : i32
    %roll3A_2706 = tpu.dynamic_rotate %select_n3A_2691 by %roll3A_2705 dim 1 : vector<4x8192xf32>, i32 -> vector<4x8192xf32>
    %roll3A_2707 = arith.constant 1 : i32
    %roll3A_2708 = tpu.dynamic_rotate %select_n3A_2691 by %roll3A_2707 dim 1 : vector<4x8192xf32>, i32 -> vector<4x8192xf32>
    %roll3A_2709 = arith.constant 8191 : i32
    %roll3A_2710 = tpu.dynamic_rotate %select_n3A_2692 by %roll3A_2709 dim 1 : vector<4x8192xi32>, i32 -> vector<4x8192xi32>
    %roll3A_2711 = arith.constant 1 : i32
    %roll3A_2712 = tpu.dynamic_rotate %select_n3A_2692 by %roll3A_2711 dim 1 : vector<4x8192xi32>, i32 -> vector<4x8192xi32>
    %select_n3A_2713 = arith.select %eq3A_2698, %roll3A_2706, %roll3A_2708 : vector<4x8192xi1>, vector<4x8192xf32>
    %select_n3A_2714 = arith.select %eq3A_2698, %roll3A_2710, %roll3A_2712 : vector<4x8192xi1>, vector<4x8192xi32>
    %gt3A_2715 = arith.cmpf ogt, %select_n3A_2691, %select_n3A_2713 : vector<4x8192xf32>
    %eq3A_2716 = arith.cmpf oeq, %select_n3A_2691, %select_n3A_2713 : vector<4x8192xf32>
    %lt3A_2717 = arith.cmpi slt, %select_n3A_2692, %select_n3A_2714 : vector<4x8192xi32>
    %and3A_2718 = arith.andi %eq3A_2716, %lt3A_2717 : vector<4x8192xi1>
    %or3A_2719 = arith.ori %gt3A_2715, %and3A_2718 : vector<4x8192xi1>
    %eq3A_2720 = arith.xori %eq3A_2704, %eq3A_2698 : vector<4x8192xi1>
    %eq3A_2721 = arith.constant dense<true> : vector<4x8192xi1>
    %eq3A_2722 = arith.xori %eq3A_2720, %eq3A_2721 : vector<4x8192xi1>
    %eq3A_2723 = arith.xori %eq3A_2722, %or3A_2719 : vector<4x8192xi1>
    %eq3A_2724 = arith.constant dense<true> : vector<4x8192xi1>
    %eq3A_2725 = arith.xori %eq3A_2723, %eq3A_2724 : vector<4x8192xi1>
    %select_n3A_2726 = arith.select %eq3A_2725, %select_n3A_2691, %select_n3A_2713 : vector<4x8192xi1>, vector<4x8192xf32>
    %select_n3A_2727 = arith.select %eq3A_2725, %select_n3A_2692, %select_n3A_2714 : vector<4x8192xi1>, vector<4x8192xi32>
    %and3A_2728 = arith.constant 4096 : i32
    %and3A_2729 = vector.broadcast %and3A_2728 : i32 to vector<4x8192xi32>
    %and3A_2730 = arith.andi %iota3A_4, %and3A_2729 : vector<4x8192xi32>
    %eq3A_2731 = arith.constant 0 : i32
    %eq3A_2732 = vector.broadcast %eq3A_2731 : i32 to vector<4x8192xi32>
    %eq3A_2733 = arith.cmpi eq, %and3A_2730, %eq3A_2732 : vector<4x8192xi32>
    %and3A_2734 = arith.constant 8192 : i32
    %and3A_2735 = vector.broadcast %and3A_2734 : i32 to vector<4x8192xi32>
    %and3A_2736 = arith.andi %iota3A_4, %and3A_2735 : vector<4x8192xi32>
    %eq3A_2737 = arith.constant 0 : i32
    %eq3A_2738 = vector.broadcast %eq3A_2737 : i32 to vector<4x8192xi32>
    %eq3A_2739 = arith.cmpi eq, %and3A_2736, %eq3A_2738 : vector<4x8192xi32>
    %roll3A_2740 = arith.constant 4096 : i32
    %roll3A_2741 = tpu.dynamic_rotate %select_n3A_2726 by %roll3A_2740 dim 1 : vector<4x8192xf32>, i32 -> vector<4x8192xf32>
    %roll3A_2742 = arith.constant 4096 : i32
    %roll3A_2743 = tpu.dynamic_rotate %select_n3A_2726 by %roll3A_2742 dim 1 : vector<4x8192xf32>, i32 -> vector<4x8192xf32>
    %roll3A_2744 = arith.constant 4096 : i32
    %roll3A_2745 = tpu.dynamic_rotate %select_n3A_2727 by %roll3A_2744 dim 1 : vector<4x8192xi32>, i32 -> vector<4x8192xi32>
    %roll3A_2746 = arith.constant 4096 : i32
    %roll3A_2747 = tpu.dynamic_rotate %select_n3A_2727 by %roll3A_2746 dim 1 : vector<4x8192xi32>, i32 -> vector<4x8192xi32>
    %select_n3A_2748 = arith.select %eq3A_2733, %roll3A_2741, %roll3A_2743 : vector<4x8192xi1>, vector<4x8192xf32>
    %select_n3A_2749 = arith.select %eq3A_2733, %roll3A_2745, %roll3A_2747 : vector<4x8192xi1>, vector<4x8192xi32>
    %gt3A_2750 = arith.cmpf ogt, %select_n3A_2726, %select_n3A_2748 : vector<4x8192xf32>
    %eq3A_2751 = arith.cmpf oeq, %select_n3A_2726, %select_n3A_2748 : vector<4x8192xf32>
    %lt3A_2752 = arith.cmpi slt, %select_n3A_2727, %select_n3A_2749 : vector<4x8192xi32>
    %and3A_2753 = arith.andi %eq3A_2751, %lt3A_2752 : vector<4x8192xi1>
    %or3A_2754 = arith.ori %gt3A_2750, %and3A_2753 : vector<4x8192xi1>
    %eq3A_2755 = arith.xori %eq3A_2739, %eq3A_2733 : vector<4x8192xi1>
    %eq3A_2756 = arith.constant dense<true> : vector<4x8192xi1>
    %eq3A_2757 = arith.xori %eq3A_2755, %eq3A_2756 : vector<4x8192xi1>
    %eq3A_2758 = arith.xori %eq3A_2757, %or3A_2754 : vector<4x8192xi1>
    %eq3A_2759 = arith.constant dense<true> : vector<4x8192xi1>
    %eq3A_2760 = arith.xori %eq3A_2758, %eq3A_2759 : vector<4x8192xi1>
    %select_n3A_2761 = arith.select %eq3A_2760, %select_n3A_2726, %select_n3A_2748 : vector<4x8192xi1>, vector<4x8192xf32>
    %select_n3A_2762 = arith.select %eq3A_2760, %select_n3A_2727, %select_n3A_2749 : vector<4x8192xi1>, vector<4x8192xi32>
    %and3A_2763 = arith.constant 2048 : i32
    %and3A_2764 = vector.broadcast %and3A_2763 : i32 to vector<4x8192xi32>
    %and3A_2765 = arith.andi %iota3A_4, %and3A_2764 : vector<4x8192xi32>
    %eq3A_2766 = arith.constant 0 : i32
    %eq3A_2767 = vector.broadcast %eq3A_2766 : i32 to vector<4x8192xi32>
    %eq3A_2768 = arith.cmpi eq, %and3A_2765, %eq3A_2767 : vector<4x8192xi32>
    %and3A_2769 = arith.constant 8192 : i32
    %and3A_2770 = vector.broadcast %and3A_2769 : i32 to vector<4x8192xi32>
    %and3A_2771 = arith.andi %iota3A_4, %and3A_2770 : vector<4x8192xi32>
    %eq3A_2772 = arith.constant 0 : i32
    %eq3A_2773 = vector.broadcast %eq3A_2772 : i32 to vector<4x8192xi32>
    %eq3A_2774 = arith.cmpi eq, %and3A_2771, %eq3A_2773 : vector<4x8192xi32>
    %roll3A_2775 = arith.constant 6144 : i32
    %roll3A_2776 = tpu.dynamic_rotate %select_n3A_2761 by %roll3A_2775 dim 1 : vector<4x8192xf32>, i32 -> vector<4x8192xf32>
    %roll3A_2777 = arith.constant 2048 : i32
    %roll3A_2778 = tpu.dynamic_rotate %select_n3A_2761 by %roll3A_2777 dim 1 : vector<4x8192xf32>, i32 -> vector<4x8192xf32>
    %roll3A_2779 = arith.constant 6144 : i32
    %roll3A_2780 = tpu.dynamic_rotate %select_n3A_2762 by %roll3A_2779 dim 1 : vector<4x8192xi32>, i32 -> vector<4x8192xi32>
    %roll3A_2781 = arith.constant 2048 : i32
    %roll3A_2782 = tpu.dynamic_rotate %select_n3A_2762 by %roll3A_2781 dim 1 : vector<4x8192xi32>, i32 -> vector<4x8192xi32>
    %select_n3A_2783 = arith.select %eq3A_2768, %roll3A_2776, %roll3A_2778 : vector<4x8192xi1>, vector<4x8192xf32>
    %select_n3A_2784 = arith.select %eq3A_2768, %roll3A_2780, %roll3A_2782 : vector<4x8192xi1>, vector<4x8192xi32>
    %gt3A_2785 = arith.cmpf ogt, %select_n3A_2761, %select_n3A_2783 : vector<4x8192xf32>
    %eq3A_2786 = arith.cmpf oeq, %select_n3A_2761, %select_n3A_2783 : vector<4x8192xf32>
    %lt3A_2787 = arith.cmpi slt, %select_n3A_2762, %select_n3A_2784 : vector<4x8192xi32>
    %and3A_2788 = arith.andi %eq3A_2786, %lt3A_2787 : vector<4x8192xi1>
    %or3A_2789 = arith.ori %gt3A_2785, %and3A_2788 : vector<4x8192xi1>
    %eq3A_2790 = arith.xori %eq3A_2774, %eq3A_2768 : vector<4x8192xi1>
    %eq3A_2791 = arith.constant dense<true> : vector<4x8192xi1>
    %eq3A_2792 = arith.xori %eq3A_2790, %eq3A_2791 : vector<4x8192xi1>
    %eq3A_2793 = arith.xori %eq3A_2792, %or3A_2789 : vector<4x8192xi1>
    %eq3A_2794 = arith.constant dense<true> : vector<4x8192xi1>
    %eq3A_2795 = arith.xori %eq3A_2793, %eq3A_2794 : vector<4x8192xi1>
    %select_n3A_2796 = arith.select %eq3A_2795, %select_n3A_2761, %select_n3A_2783 : vector<4x8192xi1>, vector<4x8192xf32>
    %select_n3A_2797 = arith.select %eq3A_2795, %select_n3A_2762, %select_n3A_2784 : vector<4x8192xi1>, vector<4x8192xi32>
    %and3A_2798 = arith.constant 1024 : i32
    %and3A_2799 = vector.broadcast %and3A_2798 : i32 to vector<4x8192xi32>
    %and3A_2800 = arith.andi %iota3A_4, %and3A_2799 : vector<4x8192xi32>
    %eq3A_2801 = arith.constant 0 : i32
    %eq3A_2802 = vector.broadcast %eq3A_2801 : i32 to vector<4x8192xi32>
    %eq3A_2803 = arith.cmpi eq, %and3A_2800, %eq3A_2802 : vector<4x8192xi32>
    %and3A_2804 = arith.constant 8192 : i32
    %and3A_2805 = vector.broadcast %and3A_2804 : i32 to vector<4x8192xi32>
    %and3A_2806 = arith.andi %iota3A_4, %and3A_2805 : vector<4x8192xi32>
    %eq3A_2807 = arith.constant 0 : i32
    %eq3A_2808 = vector.broadcast %eq3A_2807 : i32 to vector<4x8192xi32>
    %eq3A_2809 = arith.cmpi eq, %and3A_2806, %eq3A_2808 : vector<4x8192xi32>
    %roll3A_2810 = arith.constant 7168 : i32
    %roll3A_2811 = tpu.dynamic_rotate %select_n3A_2796 by %roll3A_2810 dim 1 : vector<4x8192xf32>, i32 -> vector<4x8192xf32>
    %roll3A_2812 = arith.constant 1024 : i32
    %roll3A_2813 = tpu.dynamic_rotate %select_n3A_2796 by %roll3A_2812 dim 1 : vector<4x8192xf32>, i32 -> vector<4x8192xf32>
    %roll3A_2814 = arith.constant 7168 : i32
    %roll3A_2815 = tpu.dynamic_rotate %select_n3A_2797 by %roll3A_2814 dim 1 : vector<4x8192xi32>, i32 -> vector<4x8192xi32>
    %roll3A_2816 = arith.constant 1024 : i32
    %roll3A_2817 = tpu.dynamic_rotate %select_n3A_2797 by %roll3A_2816 dim 1 : vector<4x8192xi32>, i32 -> vector<4x8192xi32>
    %select_n3A_2818 = arith.select %eq3A_2803, %roll3A_2811, %roll3A_2813 : vector<4x8192xi1>, vector<4x8192xf32>
    %select_n3A_2819 = arith.select %eq3A_2803, %roll3A_2815, %roll3A_2817 : vector<4x8192xi1>, vector<4x8192xi32>
    %gt3A_2820 = arith.cmpf ogt, %select_n3A_2796, %select_n3A_2818 : vector<4x8192xf32>
    %eq3A_2821 = arith.cmpf oeq, %select_n3A_2796, %select_n3A_2818 : vector<4x8192xf32>
    %lt3A_2822 = arith.cmpi slt, %select_n3A_2797, %select_n3A_2819 : vector<4x8192xi32>
    %and3A_2823 = arith.andi %eq3A_2821, %lt3A_2822 : vector<4x8192xi1>
    %or3A_2824 = arith.ori %gt3A_2820, %and3A_2823 : vector<4x8192xi1>
    %eq3A_2825 = arith.xori %eq3A_2809, %eq3A_2803 : vector<4x8192xi1>
    %eq3A_2826 = arith.constant dense<true> : vector<4x8192xi1>
    %eq3A_2827 = arith.xori %eq3A_2825, %eq3A_2826 : vector<4x8192xi1>
    %eq3A_2828 = arith.xori %eq3A_2827, %or3A_2824 : vector<4x8192xi1>
    %eq3A_2829 = arith.constant dense<true> : vector<4x8192xi1>
    %eq3A_2830 = arith.xori %eq3A_2828, %eq3A_2829 : vector<4x8192xi1>
    %select_n3A_2831 = arith.select %eq3A_2830, %select_n3A_2796, %select_n3A_2818 : vector<4x8192xi1>, vector<4x8192xf32>
    %select_n3A_2832 = arith.select %eq3A_2830, %select_n3A_2797, %select_n3A_2819 : vector<4x8192xi1>, vector<4x8192xi32>
    %and3A_2833 = arith.constant 512 : i32
    %and3A_2834 = vector.broadcast %and3A_2833 : i32 to vector<4x8192xi32>
    %and3A_2835 = arith.andi %iota3A_4, %and3A_2834 : vector<4x8192xi32>
    %eq3A_2836 = arith.constant 0 : i32
    %eq3A_2837 = vector.broadcast %eq3A_2836 : i32 to vector<4x8192xi32>
    %eq3A_2838 = arith.cmpi eq, %and3A_2835, %eq3A_2837 : vector<4x8192xi32>
    %and3A_2839 = arith.constant 8192 : i32
    %and3A_2840 = vector.broadcast %and3A_2839 : i32 to vector<4x8192xi32>
    %and3A_2841 = arith.andi %iota3A_4, %and3A_2840 : vector<4x8192xi32>
    %eq3A_2842 = arith.constant 0 : i32
    %eq3A_2843 = vector.broadcast %eq3A_2842 : i32 to vector<4x8192xi32>
    %eq3A_2844 = arith.cmpi eq, %and3A_2841, %eq3A_2843 : vector<4x8192xi32>
    %roll3A_2845 = arith.constant 7680 : i32
    %roll3A_2846 = tpu.dynamic_rotate %select_n3A_2831 by %roll3A_2845 dim 1 : vector<4x8192xf32>, i32 -> vector<4x8192xf32>
    %roll3A_2847 = arith.constant 512 : i32
    %roll3A_2848 = tpu.dynamic_rotate %select_n3A_2831 by %roll3A_2847 dim 1 : vector<4x8192xf32>, i32 -> vector<4x8192xf32>
    %roll3A_2849 = arith.constant 7680 : i32
    %roll3A_2850 = tpu.dynamic_rotate %select_n3A_2832 by %roll3A_2849 dim 1 : vector<4x8192xi32>, i32 -> vector<4x8192xi32>
    %roll3A_2851 = arith.constant 512 : i32
    %roll3A_2852 = tpu.dynamic_rotate %select_n3A_2832 by %roll3A_2851 dim 1 : vector<4x8192xi32>, i32 -> vector<4x8192xi32>
    %select_n3A_2853 = arith.select %eq3A_2838, %roll3A_2846, %roll3A_2848 : vector<4x8192xi1>, vector<4x8192xf32>
    %select_n3A_2854 = arith.select %eq3A_2838, %roll3A_2850, %roll3A_2852 : vector<4x8192xi1>, vector<4x8192xi32>
    %gt3A_2855 = arith.cmpf ogt, %select_n3A_2831, %select_n3A_2853 : vector<4x8192xf32>
    %eq3A_2856 = arith.cmpf oeq, %select_n3A_2831, %select_n3A_2853 : vector<4x8192xf32>
    %lt3A_2857 = arith.cmpi slt, %select_n3A_2832, %select_n3A_2854 : vector<4x8192xi32>
    %and3A_2858 = arith.andi %eq3A_2856, %lt3A_2857 : vector<4x8192xi1>
    %or3A_2859 = arith.ori %gt3A_2855, %and3A_2858 : vector<4x8192xi1>
    %eq3A_2860 = arith.xori %eq3A_2844, %eq3A_2838 : vector<4x8192xi1>
    %eq3A_2861 = arith.constant dense<true> : vector<4x8192xi1>
    %eq3A_2862 = arith.xori %eq3A_2860, %eq3A_2861 : vector<4x8192xi1>
    %eq3A_2863 = arith.xori %eq3A_2862, %or3A_2859 : vector<4x8192xi1>
    %eq3A_2864 = arith.constant dense<true> : vector<4x8192xi1>
    %eq3A_2865 = arith.xori %eq3A_2863, %eq3A_2864 : vector<4x8192xi1>
    %select_n3A_2866 = arith.select %eq3A_2865, %select_n3A_2831, %select_n3A_2853 : vector<4x8192xi1>, vector<4x8192xf32>
    %select_n3A_2867 = arith.select %eq3A_2865, %select_n3A_2832, %select_n3A_2854 : vector<4x8192xi1>, vector<4x8192xi32>
    %and3A_2868 = arith.constant 256 : i32
    %and3A_2869 = vector.broadcast %and3A_2868 : i32 to vector<4x8192xi32>
    %and3A_2870 = arith.andi %iota3A_4, %and3A_2869 : vector<4x8192xi32>
    %eq3A_2871 = arith.constant 0 : i32
    %eq3A_2872 = vector.broadcast %eq3A_2871 : i32 to vector<4x8192xi32>
    %eq3A_2873 = arith.cmpi eq, %and3A_2870, %eq3A_2872 : vector<4x8192xi32>
    %and3A_2874 = arith.constant 8192 : i32
    %and3A_2875 = vector.broadcast %and3A_2874 : i32 to vector<4x8192xi32>
    %and3A_2876 = arith.andi %iota3A_4, %and3A_2875 : vector<4x8192xi32>
    %eq3A_2877 = arith.constant 0 : i32
    %eq3A_2878 = vector.broadcast %eq3A_2877 : i32 to vector<4x8192xi32>
    %eq3A_2879 = arith.cmpi eq, %and3A_2876, %eq3A_2878 : vector<4x8192xi32>
    %roll3A_2880 = arith.constant 7936 : i32
    %roll3A_2881 = tpu.dynamic_rotate %select_n3A_2866 by %roll3A_2880 dim 1 : vector<4x8192xf32>, i32 -> vector<4x8192xf32>
    %roll3A_2882 = arith.constant 256 : i32
    %roll3A_2883 = tpu.dynamic_rotate %select_n3A_2866 by %roll3A_2882 dim 1 : vector<4x8192xf32>, i32 -> vector<4x8192xf32>
    %roll3A_2884 = arith.constant 7936 : i32
    %roll3A_2885 = tpu.dynamic_rotate %select_n3A_2867 by %roll3A_2884 dim 1 : vector<4x8192xi32>, i32 -> vector<4x8192xi32>
    %roll3A_2886 = arith.constant 256 : i32
    %roll3A_2887 = tpu.dynamic_rotate %select_n3A_2867 by %roll3A_2886 dim 1 : vector<4x8192xi32>, i32 -> vector<4x8192xi32>
    %select_n3A_2888 = arith.select %eq3A_2873, %roll3A_2881, %roll3A_2883 : vector<4x8192xi1>, vector<4x8192xf32>
    %select_n3A_2889 = arith.select %eq3A_2873, %roll3A_2885, %roll3A_2887 : vector<4x8192xi1>, vector<4x8192xi32>
    %gt3A_2890 = arith.cmpf ogt, %select_n3A_2866, %select_n3A_2888 : vector<4x8192xf32>
    %eq3A_2891 = arith.cmpf oeq, %select_n3A_2866, %select_n3A_2888 : vector<4x8192xf32>
    %lt3A_2892 = arith.cmpi slt, %select_n3A_2867, %select_n3A_2889 : vector<4x8192xi32>
    %and3A_2893 = arith.andi %eq3A_2891, %lt3A_2892 : vector<4x8192xi1>
    %or3A_2894 = arith.ori %gt3A_2890, %and3A_2893 : vector<4x8192xi1>
    %eq3A_2895 = arith.xori %eq3A_2879, %eq3A_2873 : vector<4x8192xi1>
    %eq3A_2896 = arith.constant dense<true> : vector<4x8192xi1>
    %eq3A_2897 = arith.xori %eq3A_2895, %eq3A_2896 : vector<4x8192xi1>
    %eq3A_2898 = arith.xori %eq3A_2897, %or3A_2894 : vector<4x8192xi1>
    %eq3A_2899 = arith.constant dense<true> : vector<4x8192xi1>
    %eq3A_2900 = arith.xori %eq3A_2898, %eq3A_2899 : vector<4x8192xi1>
    %select_n3A_2901 = arith.select %eq3A_2900, %select_n3A_2866, %select_n3A_2888 : vector<4x8192xi1>, vector<4x8192xf32>
    %select_n3A_2902 = arith.select %eq3A_2900, %select_n3A_2867, %select_n3A_2889 : vector<4x8192xi1>, vector<4x8192xi32>
    %and3A_2903 = arith.constant 128 : i32
    %and3A_2904 = vector.broadcast %and3A_2903 : i32 to vector<4x8192xi32>
    %and3A_2905 = arith.andi %iota3A_4, %and3A_2904 : vector<4x8192xi32>
    %eq3A_2906 = arith.constant 0 : i32
    %eq3A_2907 = vector.broadcast %eq3A_2906 : i32 to vector<4x8192xi32>
    %eq3A_2908 = arith.cmpi eq, %and3A_2905, %eq3A_2907 : vector<4x8192xi32>
    %and3A_2909 = arith.constant 8192 : i32
    %and3A_2910 = vector.broadcast %and3A_2909 : i32 to vector<4x8192xi32>
    %and3A_2911 = arith.andi %iota3A_4, %and3A_2910 : vector<4x8192xi32>
    %eq3A_2912 = arith.constant 0 : i32
    %eq3A_2913 = vector.broadcast %eq3A_2912 : i32 to vector<4x8192xi32>
    %eq3A_2914 = arith.cmpi eq, %and3A_2911, %eq3A_2913 : vector<4x8192xi32>
    %roll3A_2915 = arith.constant 8064 : i32
    %roll3A_2916 = tpu.dynamic_rotate %select_n3A_2901 by %roll3A_2915 dim 1 : vector<4x8192xf32>, i32 -> vector<4x8192xf32>
    %roll3A_2917 = arith.constant 128 : i32
    %roll3A_2918 = tpu.dynamic_rotate %select_n3A_2901 by %roll3A_2917 dim 1 : vector<4x8192xf32>, i32 -> vector<4x8192xf32>
    %roll3A_2919 = arith.constant 8064 : i32
    %roll3A_2920 = tpu.dynamic_rotate %select_n3A_2902 by %roll3A_2919 dim 1 : vector<4x8192xi32>, i32 -> vector<4x8192xi32>
    %roll3A_2921 = arith.constant 128 : i32
    %roll3A_2922 = tpu.dynamic_rotate %select_n3A_2902 by %roll3A_2921 dim 1 : vector<4x8192xi32>, i32 -> vector<4x8192xi32>
    %select_n3A_2923 = arith.select %eq3A_2908, %roll3A_2916, %roll3A_2918 : vector<4x8192xi1>, vector<4x8192xf32>
    %select_n3A_2924 = arith.select %eq3A_2908, %roll3A_2920, %roll3A_2922 : vector<4x8192xi1>, vector<4x8192xi32>
    %gt3A_2925 = arith.cmpf ogt, %select_n3A_2901, %select_n3A_2923 : vector<4x8192xf32>
    %eq3A_2926 = arith.cmpf oeq, %select_n3A_2901, %select_n3A_2923 : vector<4x8192xf32>
    %lt3A_2927 = arith.cmpi slt, %select_n3A_2902, %select_n3A_2924 : vector<4x8192xi32>
    %and3A_2928 = arith.andi %eq3A_2926, %lt3A_2927 : vector<4x8192xi1>
    %or3A_2929 = arith.ori %gt3A_2925, %and3A_2928 : vector<4x8192xi1>
    %eq3A_2930 = arith.xori %eq3A_2914, %eq3A_2908 : vector<4x8192xi1>
    %eq3A_2931 = arith.constant dense<true> : vector<4x8192xi1>
    %eq3A_2932 = arith.xori %eq3A_2930, %eq3A_2931 : vector<4x8192xi1>
    %eq3A_2933 = arith.xori %eq3A_2932, %or3A_2929 : vector<4x8192xi1>
    %eq3A_2934 = arith.constant dense<true> : vector<4x8192xi1>
    %eq3A_2935 = arith.xori %eq3A_2933, %eq3A_2934 : vector<4x8192xi1>
    %select_n3A_2936 = arith.select %eq3A_2935, %select_n3A_2901, %select_n3A_2923 : vector<4x8192xi1>, vector<4x8192xf32>
    %select_n3A_2937 = arith.select %eq3A_2935, %select_n3A_2902, %select_n3A_2924 : vector<4x8192xi1>, vector<4x8192xi32>
    %and3A_2938 = arith.constant 64 : i32
    %and3A_2939 = vector.broadcast %and3A_2938 : i32 to vector<4x8192xi32>
    %and3A_2940 = arith.andi %iota3A_4, %and3A_2939 : vector<4x8192xi32>
    %eq3A_2941 = arith.constant 0 : i32
    %eq3A_2942 = vector.broadcast %eq3A_2941 : i32 to vector<4x8192xi32>
    %eq3A_2943 = arith.cmpi eq, %and3A_2940, %eq3A_2942 : vector<4x8192xi32>
    %and3A_2944 = arith.constant 8192 : i32
    %and3A_2945 = vector.broadcast %and3A_2944 : i32 to vector<4x8192xi32>
    %and3A_2946 = arith.andi %iota3A_4, %and3A_2945 : vector<4x8192xi32>
    %eq3A_2947 = arith.constant 0 : i32
    %eq3A_2948 = vector.broadcast %eq3A_2947 : i32 to vector<4x8192xi32>
    %eq3A_2949 = arith.cmpi eq, %and3A_2946, %eq3A_2948 : vector<4x8192xi32>
    %roll3A_2950 = arith.constant 8128 : i32
    %roll3A_2951 = tpu.dynamic_rotate %select_n3A_2936 by %roll3A_2950 dim 1 : vector<4x8192xf32>, i32 -> vector<4x8192xf32>
    %roll3A_2952 = arith.constant 64 : i32
    %roll3A_2953 = tpu.dynamic_rotate %select_n3A_2936 by %roll3A_2952 dim 1 : vector<4x8192xf32>, i32 -> vector<4x8192xf32>
    %roll3A_2954 = arith.constant 8128 : i32
    %roll3A_2955 = tpu.dynamic_rotate %select_n3A_2937 by %roll3A_2954 dim 1 : vector<4x8192xi32>, i32 -> vector<4x8192xi32>
    %roll3A_2956 = arith.constant 64 : i32
    %roll3A_2957 = tpu.dynamic_rotate %select_n3A_2937 by %roll3A_2956 dim 1 : vector<4x8192xi32>, i32 -> vector<4x8192xi32>
    %select_n3A_2958 = arith.select %eq3A_2943, %roll3A_2951, %roll3A_2953 : vector<4x8192xi1>, vector<4x8192xf32>
    %select_n3A_2959 = arith.select %eq3A_2943, %roll3A_2955, %roll3A_2957 : vector<4x8192xi1>, vector<4x8192xi32>
    %gt3A_2960 = arith.cmpf ogt, %select_n3A_2936, %select_n3A_2958 : vector<4x8192xf32>
    %eq3A_2961 = arith.cmpf oeq, %select_n3A_2936, %select_n3A_2958 : vector<4x8192xf32>
    %lt3A_2962 = arith.cmpi slt, %select_n3A_2937, %select_n3A_2959 : vector<4x8192xi32>
    %and3A_2963 = arith.andi %eq3A_2961, %lt3A_2962 : vector<4x8192xi1>
    %or3A_2964 = arith.ori %gt3A_2960, %and3A_2963 : vector<4x8192xi1>
    %eq3A_2965 = arith.xori %eq3A_2949, %eq3A_2943 : vector<4x8192xi1>
    %eq3A_2966 = arith.constant dense<true> : vector<4x8192xi1>
    %eq3A_2967 = arith.xori %eq3A_2965, %eq3A_2966 : vector<4x8192xi1>
    %eq3A_2968 = arith.xori %eq3A_2967, %or3A_2964 : vector<4x8192xi1>
    %eq3A_2969 = arith.constant dense<true> : vector<4x8192xi1>
    %eq3A_2970 = arith.xori %eq3A_2968, %eq3A_2969 : vector<4x8192xi1>
    %select_n3A_2971 = arith.select %eq3A_2970, %select_n3A_2936, %select_n3A_2958 : vector<4x8192xi1>, vector<4x8192xf32>
    %select_n3A_2972 = arith.select %eq3A_2970, %select_n3A_2937, %select_n3A_2959 : vector<4x8192xi1>, vector<4x8192xi32>
    %and3A_2973 = arith.constant 32 : i32
    %and3A_2974 = vector.broadcast %and3A_2973 : i32 to vector<4x8192xi32>
    %and3A_2975 = arith.andi %iota3A_4, %and3A_2974 : vector<4x8192xi32>
    %eq3A_2976 = arith.constant 0 : i32
    %eq3A_2977 = vector.broadcast %eq3A_2976 : i32 to vector<4x8192xi32>
    %eq3A_2978 = arith.cmpi eq, %and3A_2975, %eq3A_2977 : vector<4x8192xi32>
    %and3A_2979 = arith.constant 8192 : i32
    %and3A_2980 = vector.broadcast %and3A_2979 : i32 to vector<4x8192xi32>
    %and3A_2981 = arith.andi %iota3A_4, %and3A_2980 : vector<4x8192xi32>
    %eq3A_2982 = arith.constant 0 : i32
    %eq3A_2983 = vector.broadcast %eq3A_2982 : i32 to vector<4x8192xi32>
    %eq3A_2984 = arith.cmpi eq, %and3A_2981, %eq3A_2983 : vector<4x8192xi32>
    %roll3A_2985 = arith.constant 8160 : i32
    %roll3A_2986 = tpu.dynamic_rotate %select_n3A_2971 by %roll3A_2985 dim 1 : vector<4x8192xf32>, i32 -> vector<4x8192xf32>
    %roll3A_2987 = arith.constant 32 : i32
    %roll3A_2988 = tpu.dynamic_rotate %select_n3A_2971 by %roll3A_2987 dim 1 : vector<4x8192xf32>, i32 -> vector<4x8192xf32>
    %roll3A_2989 = arith.constant 8160 : i32
    %roll3A_2990 = tpu.dynamic_rotate %select_n3A_2972 by %roll3A_2989 dim 1 : vector<4x8192xi32>, i32 -> vector<4x8192xi32>
    %roll3A_2991 = arith.constant 32 : i32
    %roll3A_2992 = tpu.dynamic_rotate %select_n3A_2972 by %roll3A_2991 dim 1 : vector<4x8192xi32>, i32 -> vector<4x8192xi32>
    %select_n3A_2993 = arith.select %eq3A_2978, %roll3A_2986, %roll3A_2988 : vector<4x8192xi1>, vector<4x8192xf32>
    %select_n3A_2994 = arith.select %eq3A_2978, %roll3A_2990, %roll3A_2992 : vector<4x8192xi1>, vector<4x8192xi32>
    %gt3A_2995 = arith.cmpf ogt, %select_n3A_2971, %select_n3A_2993 : vector<4x8192xf32>
    %eq3A_2996 = arith.cmpf oeq, %select_n3A_2971, %select_n3A_2993 : vector<4x8192xf32>
    %lt3A_2997 = arith.cmpi slt, %select_n3A_2972, %select_n3A_2994 : vector<4x8192xi32>
    %and3A_2998 = arith.andi %eq3A_2996, %lt3A_2997 : vector<4x8192xi1>
    %or3A_2999 = arith.ori %gt3A_2995, %and3A_2998 : vector<4x8192xi1>
    %eq3A_3000 = arith.xori %eq3A_2984, %eq3A_2978 : vector<4x8192xi1>
    %eq3A_3001 = arith.constant dense<true> : vector<4x8192xi1>
    %eq3A_3002 = arith.xori %eq3A_3000, %eq3A_3001 : vector<4x8192xi1>
    %eq3A_3003 = arith.xori %eq3A_3002, %or3A_2999 : vector<4x8192xi1>
    %eq3A_3004 = arith.constant dense<true> : vector<4x8192xi1>
    %eq3A_3005 = arith.xori %eq3A_3003, %eq3A_3004 : vector<4x8192xi1>
    %select_n3A_3006 = arith.select %eq3A_3005, %select_n3A_2971, %select_n3A_2993 : vector<4x8192xi1>, vector<4x8192xf32>
    %select_n3A_3007 = arith.select %eq3A_3005, %select_n3A_2972, %select_n3A_2994 : vector<4x8192xi1>, vector<4x8192xi32>
    %and3A_3008 = arith.constant 16 : i32
    %and3A_3009 = vector.broadcast %and3A_3008 : i32 to vector<4x8192xi32>
    %and3A_3010 = arith.andi %iota3A_4, %and3A_3009 : vector<4x8192xi32>
    %eq3A_3011 = arith.constant 0 : i32
    %eq3A_3012 = vector.broadcast %eq3A_3011 : i32 to vector<4x8192xi32>
    %eq3A_3013 = arith.cmpi eq, %and3A_3010, %eq3A_3012 : vector<4x8192xi32>
    %and3A_3014 = arith.constant 8192 : i32
    %and3A_3015 = vector.broadcast %and3A_3014 : i32 to vector<4x8192xi32>
    %and3A_3016 = arith.andi %iota3A_4, %and3A_3015 : vector<4x8192xi32>
    %eq3A_3017 = arith.constant 0 : i32
    %eq3A_3018 = vector.broadcast %eq3A_3017 : i32 to vector<4x8192xi32>
    %eq3A_3019 = arith.cmpi eq, %and3A_3016, %eq3A_3018 : vector<4x8192xi32>
    %roll3A_3020 = arith.constant 8176 : i32
    %roll3A_3021 = tpu.dynamic_rotate %select_n3A_3006 by %roll3A_3020 dim 1 : vector<4x8192xf32>, i32 -> vector<4x8192xf32>
    %roll3A_3022 = arith.constant 16 : i32
    %roll3A_3023 = tpu.dynamic_rotate %select_n3A_3006 by %roll3A_3022 dim 1 : vector<4x8192xf32>, i32 -> vector<4x8192xf32>
    %roll3A_3024 = arith.constant 8176 : i32
    %roll3A_3025 = tpu.dynamic_rotate %select_n3A_3007 by %roll3A_3024 dim 1 : vector<4x8192xi32>, i32 -> vector<4x8192xi32>
    %roll3A_3026 = arith.constant 16 : i32
    %roll3A_3027 = tpu.dynamic_rotate %select_n3A_3007 by %roll3A_3026 dim 1 : vector<4x8192xi32>, i32 -> vector<4x8192xi32>
    %select_n3A_3028 = arith.select %eq3A_3013, %roll3A_3021, %roll3A_3023 : vector<4x8192xi1>, vector<4x8192xf32>
    %select_n3A_3029 = arith.select %eq3A_3013, %roll3A_3025, %roll3A_3027 : vector<4x8192xi1>, vector<4x8192xi32>
    %gt3A_3030 = arith.cmpf ogt, %select_n3A_3006, %select_n3A_3028 : vector<4x8192xf32>
    %eq3A_3031 = arith.cmpf oeq, %select_n3A_3006, %select_n3A_3028 : vector<4x8192xf32>
    %lt3A_3032 = arith.cmpi slt, %select_n3A_3007, %select_n3A_3029 : vector<4x8192xi32>
    %and3A_3033 = arith.andi %eq3A_3031, %lt3A_3032 : vector<4x8192xi1>
    %or3A_3034 = arith.ori %gt3A_3030, %and3A_3033 : vector<4x8192xi1>
    %eq3A_3035 = arith.xori %eq3A_3019, %eq3A_3013 : vector<4x8192xi1>
    %eq3A_3036 = arith.constant dense<true> : vector<4x8192xi1>
    %eq3A_3037 = arith.xori %eq3A_3035, %eq3A_3036 : vector<4x8192xi1>
    %eq3A_3038 = arith.xori %eq3A_3037, %or3A_3034 : vector<4x8192xi1>
    %eq3A_3039 = arith.constant dense<true> : vector<4x8192xi1>
    %eq3A_3040 = arith.xori %eq3A_3038, %eq3A_3039 : vector<4x8192xi1>
    %select_n3A_3041 = arith.select %eq3A_3040, %select_n3A_3006, %select_n3A_3028 : vector<4x8192xi1>, vector<4x8192xf32>
    %select_n3A_3042 = arith.select %eq3A_3040, %select_n3A_3007, %select_n3A_3029 : vector<4x8192xi1>, vector<4x8192xi32>
    %and3A_3043 = arith.constant 8 : i32
    %and3A_3044 = vector.broadcast %and3A_3043 : i32 to vector<4x8192xi32>
    %and3A_3045 = arith.andi %iota3A_4, %and3A_3044 : vector<4x8192xi32>
    %eq3A_3046 = arith.constant 0 : i32
    %eq3A_3047 = vector.broadcast %eq3A_3046 : i32 to vector<4x8192xi32>
    %eq3A_3048 = arith.cmpi eq, %and3A_3045, %eq3A_3047 : vector<4x8192xi32>
    %and3A_3049 = arith.constant 8192 : i32
    %and3A_3050 = vector.broadcast %and3A_3049 : i32 to vector<4x8192xi32>
    %and3A_3051 = arith.andi %iota3A_4, %and3A_3050 : vector<4x8192xi32>
    %eq3A_3052 = arith.constant 0 : i32
    %eq3A_3053 = vector.broadcast %eq3A_3052 : i32 to vector<4x8192xi32>
    %eq3A_3054 = arith.cmpi eq, %and3A_3051, %eq3A_3053 : vector<4x8192xi32>
    %roll3A_3055 = arith.constant 8184 : i32
    %roll3A_3056 = tpu.dynamic_rotate %select_n3A_3041 by %roll3A_3055 dim 1 : vector<4x8192xf32>, i32 -> vector<4x8192xf32>
    %roll3A_3057 = arith.constant 8 : i32
    %roll3A_3058 = tpu.dynamic_rotate %select_n3A_3041 by %roll3A_3057 dim 1 : vector<4x8192xf32>, i32 -> vector<4x8192xf32>
    %roll3A_3059 = arith.constant 8184 : i32
    %roll3A_3060 = tpu.dynamic_rotate %select_n3A_3042 by %roll3A_3059 dim 1 : vector<4x8192xi32>, i32 -> vector<4x8192xi32>
    %roll3A_3061 = arith.constant 8 : i32
    %roll3A_3062 = tpu.dynamic_rotate %select_n3A_3042 by %roll3A_3061 dim 1 : vector<4x8192xi32>, i32 -> vector<4x8192xi32>
    %select_n3A_3063 = arith.select %eq3A_3048, %roll3A_3056, %roll3A_3058 : vector<4x8192xi1>, vector<4x8192xf32>
    %select_n3A_3064 = arith.select %eq3A_3048, %roll3A_3060, %roll3A_3062 : vector<4x8192xi1>, vector<4x8192xi32>
    %gt3A_3065 = arith.cmpf ogt, %select_n3A_3041, %select_n3A_3063 : vector<4x8192xf32>
    %eq3A_3066 = arith.cmpf oeq, %select_n3A_3041, %select_n3A_3063 : vector<4x8192xf32>
    %lt3A_3067 = arith.cmpi slt, %select_n3A_3042, %select_n3A_3064 : vector<4x8192xi32>
    %and3A_3068 = arith.andi %eq3A_3066, %lt3A_3067 : vector<4x8192xi1>
    %or3A_3069 = arith.ori %gt3A_3065, %and3A_3068 : vector<4x8192xi1>
    %eq3A_3070 = arith.xori %eq3A_3054, %eq3A_3048 : vector<4x8192xi1>
    %eq3A_3071 = arith.constant dense<true> : vector<4x8192xi1>
    %eq3A_3072 = arith.xori %eq3A_3070, %eq3A_3071 : vector<4x8192xi1>
    %eq3A_3073 = arith.xori %eq3A_3072, %or3A_3069 : vector<4x8192xi1>
    %eq3A_3074 = arith.constant dense<true> : vector<4x8192xi1>
    %eq3A_3075 = arith.xori %eq3A_3073, %eq3A_3074 : vector<4x8192xi1>
    %select_n3A_3076 = arith.select %eq3A_3075, %select_n3A_3041, %select_n3A_3063 : vector<4x8192xi1>, vector<4x8192xf32>
    %select_n3A_3077 = arith.select %eq3A_3075, %select_n3A_3042, %select_n3A_3064 : vector<4x8192xi1>, vector<4x8192xi32>
    %and3A_3078 = arith.constant 4 : i32
    %and3A_3079 = vector.broadcast %and3A_3078 : i32 to vector<4x8192xi32>
    %and3A_3080 = arith.andi %iota3A_4, %and3A_3079 : vector<4x8192xi32>
    %eq3A_3081 = arith.constant 0 : i32
    %eq3A_3082 = vector.broadcast %eq3A_3081 : i32 to vector<4x8192xi32>
    %eq3A_3083 = arith.cmpi eq, %and3A_3080, %eq3A_3082 : vector<4x8192xi32>
    %and3A_3084 = arith.constant 8192 : i32
    %and3A_3085 = vector.broadcast %and3A_3084 : i32 to vector<4x8192xi32>
    %and3A_3086 = arith.andi %iota3A_4, %and3A_3085 : vector<4x8192xi32>
    %eq3A_3087 = arith.constant 0 : i32
    %eq3A_3088 = vector.broadcast %eq3A_3087 : i32 to vector<4x8192xi32>
    %eq3A_3089 = arith.cmpi eq, %and3A_3086, %eq3A_3088 : vector<4x8192xi32>
    %roll3A_3090 = arith.constant 8188 : i32
    %roll3A_3091 = tpu.dynamic_rotate %select_n3A_3076 by %roll3A_3090 dim 1 : vector<4x8192xf32>, i32 -> vector<4x8192xf32>
    %roll3A_3092 = arith.constant 4 : i32
    %roll3A_3093 = tpu.dynamic_rotate %select_n3A_3076 by %roll3A_3092 dim 1 : vector<4x8192xf32>, i32 -> vector<4x8192xf32>
    %roll3A_3094 = arith.constant 8188 : i32
    %roll3A_3095 = tpu.dynamic_rotate %select_n3A_3077 by %roll3A_3094 dim 1 : vector<4x8192xi32>, i32 -> vector<4x8192xi32>
    %roll3A_3096 = arith.constant 4 : i32
    %roll3A_3097 = tpu.dynamic_rotate %select_n3A_3077 by %roll3A_3096 dim 1 : vector<4x8192xi32>, i32 -> vector<4x8192xi32>
    %select_n3A_3098 = arith.select %eq3A_3083, %roll3A_3091, %roll3A_3093 : vector<4x8192xi1>, vector<4x8192xf32>
    %select_n3A_3099 = arith.select %eq3A_3083, %roll3A_3095, %roll3A_3097 : vector<4x8192xi1>, vector<4x8192xi32>
    %gt3A_3100 = arith.cmpf ogt, %select_n3A_3076, %select_n3A_3098 : vector<4x8192xf32>
    %eq3A_3101 = arith.cmpf oeq, %select_n3A_3076, %select_n3A_3098 : vector<4x8192xf32>
    %lt3A_3102 = arith.cmpi slt, %select_n3A_3077, %select_n3A_3099 : vector<4x8192xi32>
    %and3A_3103 = arith.andi %eq3A_3101, %lt3A_3102 : vector<4x8192xi1>
    %or3A_3104 = arith.ori %gt3A_3100, %and3A_3103 : vector<4x8192xi1>
    %eq3A_3105 = arith.xori %eq3A_3089, %eq3A_3083 : vector<4x8192xi1>
    %eq3A_3106 = arith.constant dense<true> : vector<4x8192xi1>
    %eq3A_3107 = arith.xori %eq3A_3105, %eq3A_3106 : vector<4x8192xi1>
    %eq3A_3108 = arith.xori %eq3A_3107, %or3A_3104 : vector<4x8192xi1>
    %eq3A_3109 = arith.constant dense<true> : vector<4x8192xi1>
    %eq3A_3110 = arith.xori %eq3A_3108, %eq3A_3109 : vector<4x8192xi1>
    %select_n3A_3111 = arith.select %eq3A_3110, %select_n3A_3076, %select_n3A_3098 : vector<4x8192xi1>, vector<4x8192xf32>
    %select_n3A_3112 = arith.select %eq3A_3110, %select_n3A_3077, %select_n3A_3099 : vector<4x8192xi1>, vector<4x8192xi32>
    %and3A_3113 = arith.constant 2 : i32
    %and3A_3114 = vector.broadcast %and3A_3113 : i32 to vector<4x8192xi32>
    %and3A_3115 = arith.andi %iota3A_4, %and3A_3114 : vector<4x8192xi32>
    %eq3A_3116 = arith.constant 0 : i32
    %eq3A_3117 = vector.broadcast %eq3A_3116 : i32 to vector<4x8192xi32>
    %eq3A_3118 = arith.cmpi eq, %and3A_3115, %eq3A_3117 : vector<4x8192xi32>
    %and3A_3119 = arith.constant 8192 : i32
    %and3A_3120 = vector.broadcast %and3A_3119 : i32 to vector<4x8192xi32>
    %and3A_3121 = arith.andi %iota3A_4, %and3A_3120 : vector<4x8192xi32>
    %eq3A_3122 = arith.constant 0 : i32
    %eq3A_3123 = vector.broadcast %eq3A_3122 : i32 to vector<4x8192xi32>
    %eq3A_3124 = arith.cmpi eq, %and3A_3121, %eq3A_3123 : vector<4x8192xi32>
    %roll3A_3125 = arith.constant 8190 : i32
    %roll3A_3126 = tpu.dynamic_rotate %select_n3A_3111 by %roll3A_3125 dim 1 : vector<4x8192xf32>, i32 -> vector<4x8192xf32>
    %roll3A_3127 = arith.constant 2 : i32
    %roll3A_3128 = tpu.dynamic_rotate %select_n3A_3111 by %roll3A_3127 dim 1 : vector<4x8192xf32>, i32 -> vector<4x8192xf32>
    %roll3A_3129 = arith.constant 8190 : i32
    %roll3A_3130 = tpu.dynamic_rotate %select_n3A_3112 by %roll3A_3129 dim 1 : vector<4x8192xi32>, i32 -> vector<4x8192xi32>
    %roll3A_3131 = arith.constant 2 : i32
    %roll3A_3132 = tpu.dynamic_rotate %select_n3A_3112 by %roll3A_3131 dim 1 : vector<4x8192xi32>, i32 -> vector<4x8192xi32>
    %select_n3A_3133 = arith.select %eq3A_3118, %roll3A_3126, %roll3A_3128 : vector<4x8192xi1>, vector<4x8192xf32>
    %select_n3A_3134 = arith.select %eq3A_3118, %roll3A_3130, %roll3A_3132 : vector<4x8192xi1>, vector<4x8192xi32>
    %gt3A_3135 = arith.cmpf ogt, %select_n3A_3111, %select_n3A_3133 : vector<4x8192xf32>
    %eq3A_3136 = arith.cmpf oeq, %select_n3A_3111, %select_n3A_3133 : vector<4x8192xf32>
    %lt3A_3137 = arith.cmpi slt, %select_n3A_3112, %select_n3A_3134 : vector<4x8192xi32>
    %and3A_3138 = arith.andi %eq3A_3136, %lt3A_3137 : vector<4x8192xi1>
    %or3A_3139 = arith.ori %gt3A_3135, %and3A_3138 : vector<4x8192xi1>
    %eq3A_3140 = arith.xori %eq3A_3124, %eq3A_3118 : vector<4x8192xi1>
    %eq3A_3141 = arith.constant dense<true> : vector<4x8192xi1>
    %eq3A_3142 = arith.xori %eq3A_3140, %eq3A_3141 : vector<4x8192xi1>
    %eq3A_3143 = arith.xori %eq3A_3142, %or3A_3139 : vector<4x8192xi1>
    %eq3A_3144 = arith.constant dense<true> : vector<4x8192xi1>
    %eq3A_3145 = arith.xori %eq3A_3143, %eq3A_3144 : vector<4x8192xi1>
    %select_n3A_3146 = arith.select %eq3A_3145, %select_n3A_3111, %select_n3A_3133 : vector<4x8192xi1>, vector<4x8192xf32>
    %select_n3A_3147 = arith.select %eq3A_3145, %select_n3A_3112, %select_n3A_3134 : vector<4x8192xi1>, vector<4x8192xi32>
    %and3A_3148 = arith.constant 1 : i32
    %and3A_3149 = vector.broadcast %and3A_3148 : i32 to vector<4x8192xi32>
    %and3A_3150 = arith.andi %iota3A_4, %and3A_3149 : vector<4x8192xi32>
    %eq3A_3151 = arith.constant 0 : i32
    %eq3A_3152 = vector.broadcast %eq3A_3151 : i32 to vector<4x8192xi32>
    %eq3A_3153 = arith.cmpi eq, %and3A_3150, %eq3A_3152 : vector<4x8192xi32>
    %and3A_3154 = arith.constant 8192 : i32
    %and3A_3155 = vector.broadcast %and3A_3154 : i32 to vector<4x8192xi32>
    %and3A_3156 = arith.andi %iota3A_4, %and3A_3155 : vector<4x8192xi32>
    %eq3A_3157 = arith.constant 0 : i32
    %eq3A_3158 = vector.broadcast %eq3A_3157 : i32 to vector<4x8192xi32>
    %eq3A_3159 = arith.cmpi eq, %and3A_3156, %eq3A_3158 : vector<4x8192xi32>
    %roll3A_3160 = arith.constant 8191 : i32
    %roll3A_3161 = tpu.dynamic_rotate %select_n3A_3146 by %roll3A_3160 dim 1 : vector<4x8192xf32>, i32 -> vector<4x8192xf32>
    %roll3A_3162 = arith.constant 1 : i32
    %roll3A_3163 = tpu.dynamic_rotate %select_n3A_3146 by %roll3A_3162 dim 1 : vector<4x8192xf32>, i32 -> vector<4x8192xf32>
    %roll3A_3164 = arith.constant 8191 : i32
    %roll3A_3165 = tpu.dynamic_rotate %select_n3A_3147 by %roll3A_3164 dim 1 : vector<4x8192xi32>, i32 -> vector<4x8192xi32>
    %roll3A_3166 = arith.constant 1 : i32
    %roll3A_3167 = tpu.dynamic_rotate %select_n3A_3147 by %roll3A_3166 dim 1 : vector<4x8192xi32>, i32 -> vector<4x8192xi32>
    %select_n3A_3168 = arith.select %eq3A_3153, %roll3A_3161, %roll3A_3163 : vector<4x8192xi1>, vector<4x8192xf32>
    %select_n3A_3169 = arith.select %eq3A_3153, %roll3A_3165, %roll3A_3167 : vector<4x8192xi1>, vector<4x8192xi32>
    %gt3A_3170 = arith.cmpf ogt, %select_n3A_3146, %select_n3A_3168 : vector<4x8192xf32>
    %eq3A_3171 = arith.cmpf oeq, %select_n3A_3146, %select_n3A_3168 : vector<4x8192xf32>
    %lt3A_3172 = arith.cmpi slt, %select_n3A_3147, %select_n3A_3169 : vector<4x8192xi32>
    %and3A_3173 = arith.andi %eq3A_3171, %lt3A_3172 : vector<4x8192xi1>
    %or3A_3174 = arith.ori %gt3A_3170, %and3A_3173 : vector<4x8192xi1>
    %eq3A_3175 = arith.xori %eq3A_3159, %eq3A_3153 : vector<4x8192xi1>
    %eq3A_3176 = arith.constant dense<true> : vector<4x8192xi1>
    %eq3A_3177 = arith.xori %eq3A_3175, %eq3A_3176 : vector<4x8192xi1>
    %eq3A_3178 = arith.xori %eq3A_3177, %or3A_3174 : vector<4x8192xi1>
    %eq3A_3179 = arith.constant dense<true> : vector<4x8192xi1>
    %eq3A_3180 = arith.xori %eq3A_3178, %eq3A_3179 : vector<4x8192xi1>
    %select_n3A_3181 = arith.select %eq3A_3180, %select_n3A_3147, %select_n3A_3169 : vector<4x8192xi1>, vector<4x8192xi32>
    %slice3A = vector.extract_strided_slice %select_n3A_3181 {offsets = [0, 0], sizes = [4, 2048], strides = [1, 1]} : vector<4x8192xi32> to vector<4x2048xi32>
    %swap3A = arith.constant 0 : index
    %swap3A_3182 = arith.constant 0 : index
    %swap3A_3183 = vector.load %arg1[%swap3A, %swap3A_3182] : memref<4x2048xi32, #tpu.memory_space<vmem>>, vector<4x2048xi32>
    tpu.vector_store %arg1[%swap3A, %swap3A_3182], %slice3A {strides = array<i32>} : memref<4x2048xi32, #tpu.memory_space<vmem>>, vector<4x2048xi32>,
    return
  }
}

</mosaic_0001>

<sc_bundles>
// kernel: sparse-core-data-format-call.cloned.1.call-start
scs
called_computation_lowered:
.L_overlay_start_0:
0x0: {  	s1 =	sld [smem:$0x3FD9]  }
0x1: {  	s2 =	sld [smem:$0x3FFE];
	_ =	sdelay $0x1  }
0x2: {  	s3 =	srdreg.scid  }
0x3: {  	s0 =	sand.u32 $0x1, s3  }
0x4: {  	s17 =	sshll.u32 s0, $0xA;
	s1 =	sadd.s32 s2, s1  }
0x5: {  	s1 =	sadd.s32 s1, s17  }
0x6: {  	[smem:$0x3FC5] =	sst s1  }
0x7: {  	_ = 	snop  }
0x8: {  	(tm) =	ssettm $0x1  }
0x9: {  	s18 =	sld [smem:$0x3FFB];
	_ =	sdelay $0x3  }
0xa: {  	_ =	strace s18  }
0xb: {  	s1 =	sld [smem:$0x3FFC];
	_ =	sdelay $0x3  }
0xc: {  	_ =	strace s1  }
0xd: {  	s1 =	sld [smem:$0x3FFD];
	_ =	sdelay $0x3  }
0xe: {  	_ =	strace s1  }
0xf: {  	_ =	strace $0x8FFFFFFF  }
0x10: {  	s19 =	sld [smem:$0x3FDB];
	_ =	sdelay $0x1  }
0x11: {  	s20 =	simm.s32 $_scs_section_size  }
0x12: {  	s4 =	simm.s32 $_size__tile_overlayer_lowered;
	s5 =	simm.s32 $_tile_overlayer_lowered  }
0x13: {  	s23 =	simm.s32 $0x1BFF;
	s22 =	sshll.u32 s5, $0x1;
	s1 =	sadd.s32 s20, s19  }
0x14: {  	s6 =	simm.s32 $0x0;
	s21 =	sshll.u32 s4, $0x1;
	s4 =	sadd.s32 s22, s1  }
0x15: {  	[timem:s6], [sflag:s23] =	dma.local [hbm:s4], s21  }
0x16: {  	_ =	swait.ge [sflag:s23], s21  }
0x17: {  	s2 =	ssub.s32 $0x0, s21;
	[sflag:s23] =	ssyncset.done $0x0  }
0x18: {  	[sflag:s23] =	ssyncadd.s32 s2;
	_ =	sdelay $0x1  }
0x19: {  	s24 =	simm.s32 $0x1B8B  }
0x1a: {  	_ =	swait.ge [sflag:s24], $0x1  }
0x1b: {  	[sflag:s24] =	ssyncset.done $0x0  }
0x1c: {  	s26 =	simm.s32 $0x1B8E;
	s25 =	sld [smem:$0x3FFE];
	[sflag:s24] =	ssyncadd.s32 $0xFFFFFFFF  }
0x1d: {  	s27 =	simm.s32 $execute0_lowered;
	[smem:$0x3FD2] =	sst s26  }
0x1e: {  	s4 =	sshll.u32 s27, $0x1;
	_ =	strace $0x80000046;
	[dreg:$0x1] =	wrdreg $0xFFFFFFFF  }
0x1f: {  	s28 =	simm.s32 $_size_execute0_lowered;
	s1 =	sadd.s32 s1, s4;
	[dreg:$0x0] =	wrdreg $0x0  }
0x20: {  	s4 =	sshll.u32 s28, $0x1;
	[dreg:$0x2] =	wrdreg s1  }
0x21: {  	[dreg:$0x3] =	wrdreg s4  }
0x22: {  	[dreg:$0x4] =	wrdreg $0xC0  }
0x23: {  	_ =	task [dreg:s6], $0x5FFFF  }
0x24: {  	[dreg:$0x1] =	wrdreg $0xFFFFFFFF  }
0x25: {  	[dreg:$0x0] =	wrdreg $0x60  }
0x26: {  	[dreg:$0x2] =	wrdreg s25  }
0x27: {  	[dreg:$0x3] =	wrdreg $0x9  }
0x28: {  	_ =	task.clear_ibuf [dreg:s6], $0x4FFFF;
	_ =	strace $0x90000046  }
0x29: {  	s29 =	simm.s32 $0x9;
	_ =	strace $0x80000048  }
0x2a: {  	_ =	swait.ge [sflag:s29], $0x1  }
0x2b: {  	[sflag:s29] =	ssyncadd.s32 $0xFFFFFFFF  }
0x2c: {  	_ =	strace $0x90000048  }
0x2d: {  	_ =	sfence  }
0x2e: {  	s30 =	sld [smem:$0x0];
	_ =	sdelay $0x2  }
0x2f: {  	s31 =	sshll.u32 s3, $0xD;
	s3 =	sshrl.u32 s3, $0x2  }
0x30: {  	s2 =	sand.u32 $0x4000, s31;
	s1 =	sadd.s32 s3, s30  }
0x31: {  	s0 =	sor.u32 s2, s0;
	s1 =	sshll.u32 s1, $0x11  }
0x32: {  	s0 =	sor.u32 s1, s0  }
0x33: {  	s0 =	sadd.s32 $0x8F2B, s0  }
0x34: {  	[sflag:s0] =	ssyncadd.remote.s32 $0x1  }
0x35: {  	_ =	sfence.sel $0xFFFF  }
0x36: {  	[dreg:$0x0] =	wrdreg $0xFFFFFFFF;
	(pc) =	sbr.abs _section_cstart, $3  }
0x37: {  	[dreg:$0x1] =	wrdreg $0xFFFFFFFF  }
0x38: {  	_ =	task.clear_ibuf [dreg:s6], $0x2FFFF;
	_ =	strace $0x9FFFFFFF  }
0x39: {  	(tm) =	ssettm $0x7FFFFFFF  }
tec
execute0_lowered:
.L_overlay_start_1:
0x0: {  	(tag) =	ssettag $0x1  }
0x1: {  	s1 =	srdreg.scid  }
0x2: {  	s0 =	stileid.u32;
	s4 =	rddreg [dreg:$0x0]  }
0x3: {  	s9 =	simm.s32 $0x2;
	s20 =	simm.s32 $0x0;
	s11 =	simm.s32 $0x400  }
0x4: {  	s18 =	simm.s32 $0x0;
	s17 =	simm.s32 $0x0;
	s1 =	sshll.u32 s1, $0x4  }
0x5: {  	s19 =	simm.s32 $0x0;
	s2 =	sshll.u32 s0, $0x5;
	s1 =	sor.u32 s0, s1  }
0x6: {  	s12 =	simm.s32 $0x0;
	s2 =	sand.u32 $0x80, s2;
	s1 =	sshrl.u32 s1, $0x2  }
0x7: {  	s16 =	simm.s32 $0x0;
	s5 =	ssub.s32 $0x100, s2;
	s3 =	sand.u32 $0x6, s1  }
0x8: {  	s14 =	smov.u32 s2;
	s1 =	rddreg [dreg:$0x1];
	s6 =	ssub.s32 $0x8, s3  }
0x9: {  	s7 =	sshrl.u32 s5, $0x8;
	s5 =	sshrl.u32 s5, $0x7;
	s8 =	sand.u32 $0x6, s6  }
0xa: {  	_ =	strace $0x80000047;
	p0 =	sne.s32 s8, $0x0;
	s8 =	simm.s32 $0x1  }
0xb: {  	s5 =	sand.u32 $0x1, s5;
	s6 =	sshrl.u32 s6, $0x3;
	s8 =	simm.s32 @!p0 $0x0  }
.Ltmp0:
0xc: {  	s7 =	sadd.s32 s7, s5;
	s8 =	sadd.s32 s8, s6;
	(pc) =	sbr.rel .LBB1_1-.Ltmp0, $4  }
0xd: {  	s13 =	smov.u32 s3;
	s6 =	simm.s32 $0x1;
	s8 =	smul.u32 s8, s7  }
0xe: {  	s5 =	sadd.s32 $0x400000, s4;
	p0 =	por $0x0, $0x0;
	[sflag:s6] =	ssyncpa.u1 $0x0  }
0xf: {  	s7 =	sand.u32 $0x3, s0;
	[sflag:s9] =	ssyncpa.u1 $0x0;
	s8 =	sshll.u32 s8, $0x6  }
0x10: {  	s9 =	sadd.s32 $0x480000, s4;
	s15 =	smov.u32 s7;
	s10 =	sor.u32 $0x1, s8  }
.LBB1_4:
0x11: {  	v11 =	vld [tilespmem:s25+$0xFFFFFFE0];
	v12 =	vcombine.low v6, v7  }
0x12: {  	v3 =	vperm.xlane.i2c.b16 v3;
	[tilespmem:s26+$0x3870 ss:$0x81] =	vst.msk $0xffff, v9;
	v45 =	vld [tilespmem:s25+$0xFFFFFFF0];
	v4 =	vperm.xlane.i2c.b16 v4  }
0x13: {  	v46 =	vcombine.high v6, v7;
	[tilespmem:s24+$0x2040 ss:$0x81] =	vst.msk $0xffff, v10;
	v47 =	vld [tilespmem:s25+$0x0];
	v5 =	vperm.xlane.i2c.b16 v5  }
0x14: {  	v49 =	vld [tilespmem:s25+$0x10];
	v1 =	vperm.xlane.i2c.b16 v1;
	[tilespmem:s26+$0x810 ss:$0x81] =	vst.msk $0xffff, v12;
	v48 =	vcombine.low v8, v3  }
0x15: {  	v51 =	vld [tilespmem:s25+$0xFFFFFFC0];
	v58 =	vperm.xlane.i2c.b16 v2;
	v50 =	vcombine.low v4, v0;
	[tilespmem:s26+$0x2850 ss:$0x81] =	vst.msk $0xffff, v46  }
0x16: {  	s29 =	sshra.s32 s27, $0x2;
	v3 =	vcombine.high v8, v3;
	v52 =	vcombine.low v1, v5;
	[tilespmem:s26+$0x1020 ss:$0x81] =	vst.msk $0xffff, v48  }
0x17: {  	s23 =	sadd.s32 s29, s23;
	v1 =	vcombine.high v1, v5;
	v55 =	vcombine.high v4, v0;
	[tilespmem:s26+$0x0 ss:$0x81] =	vst.msk $0xffff, v50  }
0x18: {  	[tilespmem:s23+$0x1830 ss:$0x81] =	vst.msk $0xffff, v52;
	v11 =	vperm.xlane.i2c.b16 v11;
	v53 =	vperm.xlane.i2c.b16 v45  }
0x19: {  	[tilespmem:s26+$0x3060 ss:$0x81] =	vst.msk $0xffff, v3;
	v54 =	vperm.xlane.i2c.b16 v47;
	v57 =	vperm.xlane.i2c.b16 v49  }
0x1a: {  	s30 =	sshll.u32 s20, $0x8;
	s31 =	sshll.u32 s17, $0x3;
	s18 =	sshll.u32 s18, $0x13;
	[tilespmem:s23+$0x3870 ss:$0x81] =	vst.msk $0xffff, v1;
	v60 =	vperm.xlane.i2c.b16 v51;
	v56 =	vcombine.low v11, v53  }
0x1b: {  	s19 =	sshll.u32 s19, $0x11;
	s27 =	sshrl.u32 s17, $0x3;
	s24 =	sand.u32 $0x1FF800, s30;
	[tilespmem:s26+$0x2040 ss:$0x81] =	vst.msk $0xffff, v55;
	v61 =	vcombine.low v54, v57  }
0x1c: {  	s25 =	sand.u32 $0x1FFC00, s31;
	s28 =	sadd.s32 s19, s18;
	s26 =	sshll.u32 s20, $0x7;
	v63 =	vcombine.low v60, v58;
	[tilespmem:s23+$0x810 ss:$0x81] =	vst.msk $0xffff, v56  }
0x1d: {  	s29 =	sand.u32 $0x7, s17;
	s24 =	sadd.s32 s25, s24;
	s20 =	sand.u32 $0x300, s26;
	v59 =	vcombine.high v11, v53;
	[tilespmem:s23+$0x1020 ss:$0x81] =	vst.msk $0xffff, v61  }
0x1e: {  	s19 =	sadd.s32 s19, s9;
	s25 =	sadd.s32 s5, s28;
	v62 =	vcombine.high v54, v57;
	s20 =	sor.u32 s20, s24;
	[tilespmem:s23+$0x0 ss:$0x81] =	vst.msk $0xffff, v63  }
0x1f: {  	s17 =	sshll.u32 s29, $0x12;
	v0 =	vcombine.high v60, v58;
	s24 =	sand.u32 $0xF, s27;
	s20 =	sshrl.u32 s20, $0x4;
	[tilespmem:s23+$0x2850 ss:$0x81] =	vst.msk $0xffff, v59  }
0x20: {  	s18 =	sadd.s32 s18, s19;
	s25 =	sadd.s32 s24, s25;
	s20 =	sand.u32 $0x1FFF0, s20;
	[tilespmem:s23+$0x3060 ss:$0x81] =	vst.msk $0xffff, v62  }
0x21: {  	s17 =	sor.u32 $0x200, s17;
	s18 =	sadd.s32 s24, s18;
	[tilespmem:s23+$0x2040 ss:$0x81] =	vst.msk $0xffff, v0;
	s30 =	sadd.s32 s20, s25  }
0x22: {  	[hbm4b:s30+s17] =	stream.strided.scatter [tilespmem:s22], [sflag:$0x2], $0x2000, s11, s17, $0x20;
	[tilespmem:$0x10100] =	vst v63  }
0x23: {  	s31 =	sadd.s32 $0xA040, s21;
	s18 =	sadd.s32 s20, s18  }
0x24: {  	[hbm4b:s18+s17] =	stream.strided.scatter [tilespmem:s31], [sflag:$0x2], $0x2000, s11, s17, $0x20;
	[tilespmem:$0x10100] =	vst v63  }
.LBB1_5:
0x25: {  	s21 =	sadd.s32 $0x80, s12  }
0x26: {  	s17 =	sadd.s32 $0x8, s13;
	s22 =	smov.u32 s13;
	p2 =	sgt.s32 s21, $0x1FFF  }
0x27: {  	s22 =	smov.u32 @p2 s17  }
0x28: {  	s23 =	smov.u32 s14;
	s17 =	sadd.s32 $0x100, s14;
	p3 =	sgt.s32 s22, $0x7  }
0x29: {  	s23 =	smov.u32 @p3 s17  }
0x2a: {  	s24 =	smov.u32 s15;
	s17 =	sadd.s32 $0x4, s15;
	p4 =	sgt.s32 s23, $0xFF  }
0x2b: {  	p1 =	slt.u32 s16, $0x2;
	s24 =	smov.u32 @p4 s17  }
0x2c: {  	s20 =	smov.u32 s12;
	s21 =	simm.s32 @p2 $0x0;
	p2 =	sgt.s32 s24, $0x3  }
0x2d: {  	s25 =	simm.s32 @!p1 $0x2;
	s24 =	smov.u32 @p2 s7;
	p2 =	sne.s32 s16, s10  }
.Ltmp1:
0x2e: {  	s18 =	smov.u32 s13;
	_ =	swait.ge @!p1 [sflag:s25], $0x4000;
	(pc) =	sbr.rel @!p2 .LBB1_6-.Ltmp1, $4  }
0x2f: {  	s19 =	smov.u32 s15;
	p0 =	por !p0, !p0;
	[sflag:s25] =	ssyncset.done @!p1 $0x0  }
0x30: {  	s12 =	smov.u32 s21;
	s22 =	smov.u32 @p3 s3;
	[sflag:s25] =	ssyncadd.s32 @!p1 $0xFFFFC000  }
0x31: {  	s13 =	smov.u32 s22;
	s23 =	smov.u32 @p4 s2;
	s17 =	smov.u32 s14  }
0x32: {  	s14 =	smov.u32 s23;
	s16 =	sadd.s32 $0x1, s16;
	s15 =	smov.u32 s24  }
.LBB1_1:
0x33: {  	p1 =	sge.u32 s16, s8;
	s31 =	sadd.s32 $0xFFFFFFFF, s16  }
0x34: {  	s21 =	sshll.u32 @!p1 s12, $0x3;
	s22 =	sshll.u32 @!p1 s13, $0x7;
	s23 =	sshll.u32 @!p1 s12, $0x1  }
0x35: {  	s24 =	sshrl.u32 @!p1 s12, $0x1;
	s22 =	sand.u32 @!p1 $0x300, s22;
	s21 =	sand.u32 @!p1 $0x1C00, s21  }
0x36: {  	s23 =	sand.u32 @!p1 $0xF0, s23;
	s21 =	sor.u32 @!p1 s22, s21;
	s22 =	sshll.u32 @!p1 s15, $0x14  }
0x37: {  	s21 =	sor.u32 @!p1 s23, s21;
	s23 =	sshll.u32 @!p1 s14, $0xC;
	s22 =	sadd.s32 @!p1 s4, s22  }
0x38: {  	s25 =	sxor.u32 @!p1 $0xFFFFFFFF, s16;
	s24 =	sand.u32 @!p1 $0xE00, s24;
	s22 =	sadd.s32 @!p1 s23, s22  }
0x39: {  	s21 =	sshrl.u32 @!p1 s21, $0x4;
	s23 =	sand.u32 @!p1 $0x7, s12;
	s22 =	sadd.s32 @!p1 s24, s22  }
0x3a: {  	s23 =	sshll.u32 @!p1 s23, $0x12;
	s21 =	sadd.s32 @!p1 s21, s22;
	s22 =	sshll.u32 @!p1 s25, $0xE  }
0x3b: {  	s24 =	simm.s32 @!p1 $0x8000;
	s23 =	sor.u32 @!p1 $0x80, s23;
	s22 =	sand.u32 @!p1 $0x4000, s22  }
0x3c: {  	[tilespmem:s22], [sflag:$0x1] =	stream.strided.gather @!p1 [hbm4b:s21+s23], $0x4000, s24, s23, $0x38;
	[tilespmem:$0x10100] =	vst v63  }
0x3d: {  	p1 =	sge.u32 s31, s8  }
.Ltmp2:
0x3e: {  	_ = 	snop;
	(pc) =	sbr.rel @p1 .LBB1_5-.Ltmp2, $1  }
0x3f: {  	_ =	sdelay $0x3  }
0x40: {  	s21 =	simm.s32 $0x1  }
0x41: {  	_ =	swait.ge [sflag:s6], $0x4000;
	s21 =	simm.s32 @!p0 $0x0  }
0x42: {  	[sflag:s6] =	ssyncset.done $0x0;
	s22 =	sshll.u32 s21, $0xE  }
0x43: {  	[sflag:s6] =	ssyncadd.s32 $0xFFFFC000;
	s22 =	sor.u32 $0x40, s22  }
0x44: {  	v0 =	vld [tilespmem:s22+$0x20]  }
0x45: {  	v1 =	vld [tilespmem:s22+$0x30]  }
0x46: {  	v2 =	vld [tilespmem:s22+$0xFFFFFFD0]  }
0x47: {  	v3 =	vld [tilespmem:s22+$0xFFFFFFE0]  }
0x48: {  	v4 =	vld [tilespmem:s22+$0xFFFFFFF0]  }
0x49: {  	v5 =	vld [tilespmem:s22+$0x0]  }
0x4a: {  	v6 =	vld [tilespmem:s22+$0x10]  }
0x4b: {  	v7 =	vld [tilespmem:s22+$0xFFFFFFC0]  }
0x4c: {  	s21 =	smul.u32 $0x10200, s21;
	v1 =	vperm.xlane.i2c.b16 v1;
	v0 =	vperm.xlane.i2c.b16 v0  }
0x4d: {  	s22 =	sadd.s32 $0x80, s22;
	v10 =	vperm.xlane.i2c.b16 v2;
	v3 =	vperm.xlane.i2c.b16 v3  }
0x4e: {  	s21 =	sshrl.u32 s21, $0x2;
	v9 =	vld [tilespmem:s22+$0x30];
	v4 =	vperm.xlane.i2c.b16 v4;
	v5 =	vperm.xlane.i2c.b16 v5  }
0x4f: {  	s23 =	sor.u32 $0x8000, s21;
	v2 =	vld [tilespmem:s22+$0x20];
	v6 =	vperm.xlane.i2c.b16 v6;
	v8 =	vcombine.low v0, v1  }
0x50: {  	v12 =	vld [tilespmem:s22+$0xFFFFFFF0];
	s24 =	sadd.s32 $0x0, s23;
	v13 =	vperm.xlane.i2c.b16 v7;
	v11 =	vcombine.low v3, v4  }
0x51: {  	v0 =	vcombine.high v0, v1;
	v1 =	vld [tilespmem:s22+$0xFFFFFFD0];
	v7 =	vcombine.low v5, v6;
	[tilespmem:s24+$0x1830 ss:$0x81] =	vst.msk $0xffff, v8  }
0x52: {  	v8 =	vld [tilespmem:s22+$0xFFFFFFE0];
	[tilespmem:s24+$0x810 ss:$0x81] =	vst.msk $0xffff, v11  }
0x53: {  	v14 =	vld [tilespmem:s22+$0x0];
	v9 =	vperm.xlane.i2c.b16 v9;
	v5 =	vcombine.high v5, v6;
	[tilespmem:s24+$0x1020 ss:$0x81] =	vst.msk $0xffff, v7  }
0x54: {  	s31 =	sand.u32 $0x1, s16;
	[tilespmem:s24+$0x3870 ss:$0x81] =	vst.msk $0xffff, v0;
	v0 =	vcombine.high v3, v4;
	v3 =	vld [tilespmem:s22+$0x10];
	v2 =	vperm.xlane.i2c.b16 v2  }
0x55: {  	s21 =	smul.u32 $0x10200, s31;
	s25 =	sadd.s32 $0x80, s22;
	v11 =	vcombine.low v13, v10;
	v7 =	vperm.xlane.i2c.b16 v12;
	v4 =	vld [tilespmem:s22+$0xFFFFFFC0];
	[tilespmem:s24+$0x3060 ss:$0x81] =	vst.msk $0xffff, v5  }
0x56: {  	v5 =	vld [tilespmem:s25+$0x30];
	[tilespmem:s24+$0x2850 ss:$0x81] =	vst.msk $0xffff, v0;
	v0 =	vperm.xlane.i2c.b16 v1;
	v15 =	vcombine.low v2, v9  }
0x57: {  	s26 =	sadd.s32 $0x1, s23;
	s21 =	sshrl.u32 s21, $0x2;
	[tilespmem:s24+$0x0 ss:$0x81] =	vst.msk $0xffff, v11;
	v1 =	vld [tilespmem:s25+$0x20];
	v9 =	vcombine.high v2, v9;
	v6 =	vperm.xlane.i2c.b16 v8  }
0x58: {  	s27 =	simm.s32 $0x8;
	s28 =	simm.s32 $0xC;
	v10 =	vcombine.high v13, v10;
	s22 =	sor.u32 $0x8000, s21;
	v2 =	vld [tilespmem:s25+$0xFFFFFFD0];
	v8 =	vperm.xlane.i2c.b16 v14;
	[tilespmem:s26+$0x1830 ss:$0x81] =	vst.msk $0xffff, v15  }
.LBB1_3:
0x59: {  	p1 =	sne.s32 s28, $0x1FC;
	v11 =	vld [tilespmem:s25+$0xFFFFFFE0];
	v12 =	vcombine.low v6, v7;
	v3 =	vperm.xlane.i2c.b16 v3;
	[tilespmem:s26+$0x3870 ss:$0x81] =	vst.msk $0xffff, v9  }
0x5a: {  	v13 =	vperm.xlane.i2c.b16 v4;
	v4 =	vcombine.high v6, v7;
	v9 =	vld [tilespmem:s25+$0xFFFFFFF0];
	[tilespmem:s24+$0x2040 ss:$0x81] =	vst.msk $0xffff, v10;
	s24 =	smov.u32 s26  }
0x5b: {  	v10 =	vld [tilespmem:s25+$0x0];
	[tilespmem:s24+$0x810 ss:$0x81] =	vst.msk $0xffff, v12;
	v6 =	vcombine.low v8, v3;
	v7 =	vcombine.high v8, v3  }
.Ltmp3:
0x5c: {  	v8 =	vperm.xlane.i2c.b16 v5;
	v12 =	vperm.xlane.i2c.b16 v1;
	v3 =	vld [tilespmem:s25+$0x10];
	[tilespmem:s24+$0x2850 ss:$0x81] =	vst.msk $0xffff, v4;
	(pc) =	sbr.rel @p1 .LBB1_3-.Ltmp3, $4  }
0x5d: {  	v14 =	vperm.xlane.i2c.b16 v2;
	v2 =	vcombine.low v13, v0;
	v4 =	vld [tilespmem:s25+$0xFFFFFFC0];
	s25 =	sadd.s32 $0x80, s25;
	[tilespmem:s24+$0x1020 ss:$0x81] =	vst.msk $0xffff, v6  }
0x5e: {  	s26 =	sshra.s32 s27, $0x2;
	s27 =	smov.u32 s28;
	v1 =	vld [tilespmem:s25+$0x20];
	v6 =	vperm.xlane.i2c.b16 v11;
	v11 =	vcombine.low v12, v8;
	[tilespmem:s24+$0x3060 ss:$0x81] =	vst.msk $0xffff, v7  }
0x5f: {  	s26 =	sadd.s32 s26, s23;
	v5 =	vld [tilespmem:s25+$0x30];
	v7 =	vperm.xlane.i2c.b16 v9;
	v9 =	vcombine.high v12, v8;
	[tilespmem:s24+$0x0 ss:$0x81] =	vst.msk $0xffff, v2  }
0x60: {  	s28 =	sadd.s32 $0x4, s28;
	v2 =	vld [tilespmem:s25+$0xFFFFFFD0];
	v8 =	vperm.xlane.i2c.b16 v10;
	[tilespmem:s26+$0x1830 ss:$0x81] =	vst.msk $0xffff, v11;
	v10 =	vcombine.high v13, v0;
	v0 =	vmov v14  }
.Ltmp4:
0x61: {  	_ = 	snop;
	(pc) =	sbr.rel .LBB1_4-.Ltmp4, $1  }
0x62: {  	_ =	sdelay $0x3  }
.LBB1_6:
0x63: {  	_ =	sfence.sel $0x180000  }
0x64: {  	s2 =	simm.s32 $0x1;
	[bflag:$0x0] =	sbarrier.arrive $0xFFFF  }
0x65: {  	s31 =	simm.s32 $0x2;
	[sflag:s2] =	ssyncpa.u1 $0x1  }
0x66: {  	[sflag:s31] =	ssyncpa.u1 $0x1  }
0x67: {  	p0 =	sne.s32 s0, $0x0;
	_ =	strace $0x90000047  }
0x68: {  	s0 =	sadd.s32 @!p0 $0x100000, s1;
	[bflag:$0x2] =	sbarrier.arrive $0xFFFF  }
0x69: {  	[sflag:s0] =	ssyncadd.tile.s32 @!p0 $0x1;
	_ =	shalt  }
.Lfunc_end1:
_tile_overlayer_lowered:
.L_overlay_start_2:
0x6a: {  	(tag) =	ssettag $0x2  }
0x6b: {  	s0 =	rddreg [dreg:$0x0];
	s2 =	stileid.u32  }
0x6c: {  	s1 =	rddreg [dreg:$0x1];
	p0 =	sne.s32 s2, $0x0  }
0x6d: {  	s3 =	rddreg [dreg:$0x2];
	[bflag:$0x3] =	sbarrier.arrive $0xFFFF;
	s2 =	simm.s32 @!p0 $0x1C01  }
0x6e: {  	[timem:s3], [sflag:s2] =	dma.local @!p0 [hbm:s0], s1  }
0x6f: {  	s0 =	simm.s32 @!p0 $0x1  }
0x70: {  	_ =	swait.ge @!p0 [sflag:s0], s1  }
0x71: {  	s1 =	ssub.s32 @!p0 $0x0, s1;
	[sflag:s0] =	ssyncset.done @!p0 $0x0  }
0x72: {  	[sflag:s0] =	ssyncadd.s32 @!p0 s1  }
0x73: {  	[bflag:$0x3] =	sbarrier.arrive $0xFFFF  }
0x74: {  	_ =	shalt  }

</sc_bundles>
